<compile_context>
chip_gen: v7x
topology: tpu7x:2x2x1
jax: 0.10.2.dev20260603
libtpu: 0.0.44.dev20260713+nightly
codegen_flags: <defaults>
</compile_context>

<pallas_src>
import functools

import jax
import jax.numpy as jnp
from jax import lax
from jax.experimental import pallas as pl
from jax.experimental.pallas import tpu as pltpu
from jax.experimental.pallas import tpu_sc as plsc

NC = 2
NS = 16
KB = 128
BN = 256
ET = 1024


def _ceil_to(a, m):
    return (a + m - 1) // m * m




def _gather_body(e_pad, w, kb, u_hbm, idx_hbm, g_hbm, idx_v, rb0, rb1,
                 sem0, sem1):
    wid = lax.axis_index("s") * NC + lax.axis_index("c")
    ew = e_pad // (NC * NS)
    base = wid * ew
    pltpu.sync_copy(idx_hbm.at[pl.ds(base, ew)], idx_v)

    @pl.loop(0, ew // (2 * kb))
    def _(g):
        b0 = 2 * g * kb
        b1 = b0 + kb
        c0 = pltpu.async_copy(u_hbm.at[idx_v.at[pl.ds(b0, kb)]], rb0, sem0)
        c1 = pltpu.async_copy(u_hbm.at[idx_v.at[pl.ds(b1, kb)]], rb1, sem1)
        c0.wait()
        pltpu.sync_copy(rb0, g_hbm.at[pl.ds(base + b0, kb)])
        c1.wait()
        pltpu.sync_copy(rb1, g_hbm.at[pl.ds(base + b1, kb)])


def _make_gather(n_pad, e_pad, w):
    kb = KB
    while 2 * kb * w * 4 > 384 * 1024:
        kb //= 2
    mesh = plsc.VectorSubcoreMesh(
        core_axis_name="c", subcore_axis_name="s", num_cores=NC, num_subcores=NS
    )
    return pl.kernel(
        functools.partial(_gather_body, e_pad, w, kb),
        out_type=jax.ShapeDtypeStruct((e_pad, w), jnp.float32),
        mesh=mesh,
        scratch_types=[
            pltpu.VMEM((e_pad // (NC * NS),), jnp.int32),
            pltpu.VMEM((kb, w), jnp.float32),
            pltpu.VMEM((kb, w), jnp.float32),
            pltpu.SemaphoreType.DMA,
            pltpu.SemaphoreType.DMA,
        ],
    )




def _agg_tiles(i, rp_ref, dst_hbm, g_hbm, dst_v, gbuf, acc_ref, sem_d, sem_g,
               with_g=True):
    lo = rp_ref[i]
    hi = rp_ref[i + 1]
    t0 = lo // ET
    t1 = lax.div(hi + ET - 1, ET)
    nbase = i * BN

    def tile_body(t, carry):
        cd = pltpu.make_async_copy(dst_hbm.at[t], dst_v, sem_d)
        cd.start()
        if with_g:
            cg = pltpu.make_async_copy(
                g_hbm.at[pl.ds(t * ET, ET)], gbuf, sem_g
            )
            cg.start()
        cd.wait()
        dstb = jnp.broadcast_to(dst_v[...].reshape(1, ET), (BN, ET))
        rows = (
            lax.broadcasted_iota(jnp.int32, (BN, ET), 0) + nbase
        )
        sel = jnp.where(rows == dstb, 1.0, 0.0).astype(jnp.float32)
        if with_g:
            cg.wait()
            acc_ref[...] += jnp.dot(
                sel, gbuf[...], preferred_element_type=jnp.float32
            )
        else:
            acc_ref[...] += jnp.broadcast_to(
                jnp.sum(sel, axis=1, keepdims=True), acc_ref.shape
            )
        return carry

    lax.fori_loop(t0, t1, tile_body, 0)


def _deg_body(rp_ref, dst_hbm, x_ref, s_ref, u0_ref, dst_v, acc_ref, sem_d):
    i = pl.program_id(0)
    acc_ref[...] = jnp.zeros_like(acc_ref)
    _agg_tiles(i, rp_ref, dst_hbm, None, dst_v, None, acc_ref, sem_d, None,
               with_g=False)
    s = lax.rsqrt(acc_ref[:, 0:1] + 1.0)
    s_ref[...] = jnp.broadcast_to(s, s_ref.shape)
    u0_ref[...] = s * x_ref[...]


def _l1_body(rp_ref, dst_hbm, g_hbm, up_ref, s_ref, w_ref, b_ref, o_ref,
             dst_v, gbuf, acc_ref, sem_d, sem_g):
    i = pl.program_id(0)
    acc_ref[...] = jnp.zeros_like(acc_ref)
    _agg_tiles(i, rp_ref, dst_hbm, g_hbm, dst_v, gbuf, acc_ref, sem_d, sem_g)
    s = s_ref[:, 0:1]
    a = acc_ref[...] + up_ref[...]
    y = jnp.maximum(
        jnp.dot(s * a, w_ref[...], preferred_element_type=jnp.float32)
        + b_ref[...],
        0.0,
    )
    o_ref[...] = s * y


def _l2_body(rp_ref, dst_hbm, g_hbm, up_ref, s_ref, w2_ref, b2_ref, w3_ref,
             o_ref, dst_v, gbuf, acc_ref, sem_d, sem_g):
    i = pl.program_id(0)
    acc_ref[...] = jnp.zeros_like(acc_ref)
    _agg_tiles(i, rp_ref, dst_hbm, g_hbm, dst_v, gbuf, acc_ref, sem_d, sem_g)
    s = s_ref[:, 0:1]
    a = acc_ref[...] + up_ref[...]
    y = jnp.maximum(
        jnp.dot(s * a, w2_ref[...], preferred_element_type=jnp.float32)
        + b2_ref[...],
        0.0,
    )
    o_ref[...] = jnp.dot(
        s * y, w3_ref[...], preferred_element_type=jnp.float32
    )


def _l3_body(rp_ref, dst_hbm, g_hbm, up_ref, s_ref, b_ref, o_ref,
             dst_v, gbuf, acc_ref, sem_d, sem_g):
    i = pl.program_id(0)
    acc_ref[...] = jnp.zeros_like(acc_ref)
    _agg_tiles(i, rp_ref, dst_hbm, g_hbm, dst_v, gbuf, acc_ref, sem_d, sem_g)
    s = s_ref[:, 0:1]
    o_ref[...] = s * (acc_ref[...] + up_ref[...]) + b_ref[...]


def _smem_spec():
    return pl.BlockSpec(memory_space=pltpu.SMEM)


def _any_spec():
    return pl.BlockSpec(memory_space=pl.ANY)


def _row_spec(w):
    return pl.BlockSpec((BN, w), lambda i: (i, 0))


def _full_spec(a, b):
    return pl.BlockSpec((a, b), lambda i: (0, 0))




def kernel(x, edge_index, W1, b1, W2, b2, W3, b3):
    N, d_in = x.shape
    d_hid = W1.shape[1]
    d_out = W3.shape[1]
    E = edge_index.shape[1]
    n_pad = _ceil_to(N, BN)
    e_pad = _ceil_to(E, max(NC * NS * KB, ET))
    nb = n_pad // BN

    src = jnp.concatenate(
        [edge_index[0].astype(jnp.int32), jnp.full((e_pad - E,), N, jnp.int32)]
    )
    dst = jnp.concatenate(
        [edge_index[1].astype(jnp.int32), jnp.full((e_pad - E,), N, jnp.int32)]
    )
    perm = jnp.argsort(dst)
    dst_s = dst[perm]
    src_s = src[perm]
    rowptr = jnp.searchsorted(
        dst_s, jnp.arange(0, n_pad + 1, BN, dtype=jnp.int32)
    ).astype(jnp.int32)
    dst3 = dst_s.reshape(e_pad // ET, 1, ET)

    x_p = jnp.pad(x, ((0, n_pad - N), (0, 0)))
    b1_2 = b1.reshape(1, -1)
    b2_2 = b2.reshape(1, -1)
    b3_2 = b3.reshape(1, -1)

    grid = (nb,)
    vmem_i = lambda: pltpu.VMEM((1, ET), jnp.int32)
    sem = pltpu.SemaphoreType.DMA

    s_full, u0 = pl.pallas_call(
        _deg_body,
        grid=grid,
        in_specs=[_smem_spec(), _any_spec(), _row_spec(d_in)],
        out_specs=[_row_spec(128), _row_spec(d_in)],
        out_shape=[
            jax.ShapeDtypeStruct((n_pad, 128), jnp.float32),
            jax.ShapeDtypeStruct((n_pad, d_in), jnp.float32),
        ],
        scratch_shapes=[vmem_i(), pltpu.VMEM((BN, 128), jnp.float32), sem],
    )(rowptr, dst3, x_p)

    g1 = _make_gather(n_pad, e_pad, d_in)(u0, src_s)
    u1 = pl.pallas_call(
        _l1_body,
        grid=grid,
        in_specs=[_smem_spec(), _any_spec(), _any_spec(), _row_spec(d_in),
                  _row_spec(128), _full_spec(d_in, d_hid),
                  _full_spec(1, d_hid)],
        out_specs=_row_spec(d_hid),
        out_shape=jax.ShapeDtypeStruct((n_pad, d_hid), jnp.float32),
        scratch_shapes=[vmem_i(), pltpu.VMEM((ET, d_in), jnp.float32),
                        pltpu.VMEM((BN, d_in), jnp.float32), sem, sem],
    )(rowptr, dst3, g1, u0, s_full, W1, b1_2)

    g2 = _make_gather(n_pad, e_pad, d_hid)(u1, src_s)
    t2 = pl.pallas_call(
        _l2_body,
        grid=grid,
        in_specs=[_smem_spec(), _any_spec(), _any_spec(), _row_spec(d_hid),
                  _row_spec(128), _full_spec(d_hid, d_hid),
                  _full_spec(1, d_hid), _full_spec(d_hid, d_out)],
        out_specs=_row_spec(d_out),
        out_shape=jax.ShapeDtypeStruct((n_pad, d_out), jnp.float32),
        scratch_shapes=[vmem_i(), pltpu.VMEM((ET, d_hid), jnp.float32),
                        pltpu.VMEM((BN, d_hid), jnp.float32), sem, sem],
    )(rowptr, dst3, g2, u1, s_full, W2, b2_2, W3)

    g3 = _make_gather(n_pad, e_pad, d_out)(t2, src_s)
    out = pl.pallas_call(
        _l3_body,
        grid=grid,
        in_specs=[_smem_spec(), _any_spec(), _any_spec(), _row_spec(d_out),
                  _row_spec(128), _full_spec(1, d_out)],
        out_specs=_row_spec(d_out),
        out_shape=jax.ShapeDtypeStruct((n_pad, d_out), jnp.float32),
        scratch_shapes=[vmem_i(), pltpu.VMEM((ET, d_out), jnp.float32),
                        pltpu.VMEM((BN, d_out), jnp.float32), sem, sem],
    )(rowptr, dst3, g3, t2, s_full, b3_2)

    return out[:N]

# --- scband reference (transcript-rebuilt; emitter-appended) ---
"""Pipeline reference for scband-node-gcn-6141803233498 (READ-ONLY COPY).

The authoritative reference and input builder live on the scoring server;
editing this copy changes nothing except your own understanding.
"""

import jax, jax.numpy as jnp
import numpy as np


def gcn_conv(x, src, dst, num_nodes, W, b):
    # GCNConv: x' = D^{-1/2} (A + I) D^{-1/2} X W + b (self-loops already appended to src/dst)
    h = x @ W
    deg = jnp.zeros((num_nodes,), dtype=h.dtype).at[dst].add(1.0)
    dinv = jnp.where(deg > 0, jax.lax.rsqrt(jnp.where(deg > 0, deg, 1.0)), 0.0)
    norm = dinv[src] * dinv[dst]
    msg = h[src] * norm[:, None]
    out = jnp.zeros((num_nodes, h.shape[1]), dtype=h.dtype).at[dst].add(msg)
    return out + b


def setup_inputs(seed: int = 0):
    key = jax.random.key(seed)
    ks = jax.random.split(key, 8)
    N, E = 10000, 160000
    d_in, d_hid, d_out = 256, 512, 256
    x = jax.random.normal(ks[0], (N, d_in), dtype=jnp.float32)
    edge_index = jax.random.randint(ks[1], (2, E), 0, N, dtype=jnp.int32).astype(jnp.int64)
    W1 = jax.random.normal(ks[2], (d_in, d_hid), dtype=jnp.float32) * (1.0 / np.sqrt(d_in))
    b1 = jnp.zeros((d_hid,), dtype=jnp.float32)
    W2 = jax.random.normal(ks[3], (d_hid, d_hid), dtype=jnp.float32) * (1.0 / np.sqrt(d_hid))
    b2 = jnp.zeros((d_hid,), dtype=jnp.float32)
    W3 = jax.random.normal(ks[4], (d_hid, d_out), dtype=jnp.float32) * (1.0 / np.sqrt(d_hid))
    b3 = jnp.zeros((d_out,), dtype=jnp.float32)
    return {"x": x, "edge_index": edge_index, "W1": W1, "b1": b1, "W2": W2, "b2": b2, "W3": W3, "b3": b3}


def reference(x, edge_index, W1, b1, W2, b2, W3, b3):
    N = x.shape[0]
    src = edge_index[0]
    dst = edge_index[1]
    loop = jnp.arange(N, dtype=src.dtype)
    src = jnp.concatenate([src, loop])
    dst = jnp.concatenate([dst, loop])
    h = gcn_conv(x, src, dst, N, W1, b1)
    h = jax.nn.relu(h)
    h = gcn_conv(h, src, dst, N, W2, b2)
    h = jax.nn.relu(h)
    h = gcn_conv(h, src, dst, N, W3, b3)
    return h

if __name__ == "__main__":
    import jax
    _d = setup_inputs()
    print(jax.jit(kernel)(*tuple(_d.values())))

</pallas_src>

<mosaic_0001>
#map = affine_map<(d0, d1) -> (0, 0)>
#map1 = affine_map<(d0, d1) -> (0)>
module attributes {stable_mosaic.version = 14 : i64} {
  func.func @_gather_body(%arg0: i32, %arg1: i32, %arg2: memref<10240x256xf32, #tpu.memory_space<hbm>>, %arg3: memref<163840xi32, #tpu.memory_space<hbm>>, %arg4: memref<163840x256xf32, #tpu.memory_space<hbm>>, %arg5: memref<5120xi32, #tpu.memory_space<vmem>>, %arg6: memref<128x256xf32, #tpu.memory_space<vmem>>, %arg7: memref<128x256xf32, #tpu.memory_space<vmem>>, %arg8: memref<!tpu.dma_semaphore, #tpu.memory_space<semaphore_mem>>, %arg9: memref<!tpu.dma_semaphore, #tpu.memory_space<semaphore_mem>>) attributes {dimension_semantics = [#tpu.dimension_semantics<core_parallel>, #tpu.dimension_semantics<subcore_parallel>], iteration_bounds = array<i64: 2, 16>, scalar_prefetch = 0 : i64, scratch_operands = 5 : i64, tpu.core_type = #tpu.core_type<sc_vector_subcore>, window_params = [{transform_indices = #map}, {transform_indices = #map1}, {transform_indices = #map}]} {
    %mul3A = arith.constant 2 : i32
    %mul3A_0 = arith.muli %arg1, %mul3A : i32
    %add3A = arith.addi %mul3A_0, %arg0 : i32
    %mul3A_1 = arith.constant 5120 : i32
    %mul3A_2 = arith.muli %add3A, %mul3A_1 : i32
    "tpu.region"() ({
      %run_scoped3A = tpu.sem_alloc : memref<!tpu.dma_semaphore, #tpu.memory_space<semaphore_mem>>
      %dma_start3A = tpu.memref_slice %arg3[%mul3A_2] : memref<163840xi32, #tpu.memory_space<hbm>> -> memref<5120xi32, #tpu.memory_space<hbm>>
      %dma_start3A_7 = tpu.memref_slice %arg3[%mul3A_2] : memref<163840xi32, #tpu.memory_space<hbm>> -> memref<5120xi32, #tpu.memory_space<hbm>>
      tpu.enqueue_dma source(%dma_start3A_7 : memref<5120xi32, #tpu.memory_space<hbm>>) target(%arg5 : memref<5120xi32, #tpu.memory_space<vmem>>) target_semaphore(%run_scoped3A : memref<!tpu.dma_semaphore, #tpu.memory_space<semaphore_mem>>)
      %dma_wait3A = tpu.memref_slice %arg3[%mul3A_2] : memref<163840xi32, #tpu.memory_space<hbm>> -> memref<5120xi32, #tpu.memory_space<hbm>>
      %dma_wait3A_8 = tpu.memref_slice %arg3[%mul3A_2] : memref<163840xi32, #tpu.memory_space<hbm>> -> memref<5120xi32, #tpu.memory_space<hbm>>
      tpu.wait_dma2 semaphore(%run_scoped3A : memref<!tpu.dma_semaphore, #tpu.memory_space<semaphore_mem>>) src(%dma_wait3A_8 : memref<5120xi32, #tpu.memory_space<hbm>>) dst(%arg5 : memref<5120xi32, #tpu.memory_space<vmem>>)
      tpu.yield
    }) : () -> ()
    %scan3A = arith.constant 0 : i32
    %scan3A_3 = arith.constant 20 : i32
    %scan3A_4 = arith.addi %scan3A, %scan3A_3 : i32
    %scan3A_5 = arith.constant 1 : i32
    scf.for %scan3A_7 = %scan3A to %scan3A_4 step %scan3A_5  : i32 {
      %mul3A_8 = arith.constant 1 : i32
      %mul3A_9 = arith.muli %scan3A_7, %mul3A_8 : i32
      %add3A_10 = arith.constant 0 : i32
      %add3A_11 = arith.addi %add3A_10, %mul3A_9 : i32
      %mul3A_12 = arith.constant 2 : i32
      %mul3A_13 = arith.muli %mul3A_12, %add3A_11 : i32
      %mul3A_14 = arith.constant 128 : i32
      %mul3A_15 = arith.muli %mul3A_13, %mul3A_14 : i32
      %add3A_16 = arith.constant 128 : i32
      %add3A_17 = arith.addi %mul3A_15, %add3A_16 : i32
      %dma_start3A = tpu.memref_slice %arg5[%mul3A_15] : memref<5120xi32, #tpu.memory_space<vmem>> -> memref<128xi32, #tpu.memory_space<vmem>>
      %dma_start3A_18 = arith.constant 0 : i32
      %dma_start3A_19 = arith.constant 0 : i32
      %dma_start3A_20 = tpu.memref_slice %arg2[%dma_start3A_18, %dma_start3A_19] : memref<10240x256xf32, #tpu.memory_space<hbm>> -> memref<10240x256xf32, #tpu.memory_space<hbm>>
      tpu.enqueue_indirect_dma source(%dma_start3A_20 : memref<10240x256xf32, #tpu.memory_space<hbm>>) target(%arg6 : memref<128x256xf32, #tpu.memory_space<vmem>>) offsets(%dma_start3A : memref<128xi32, #tpu.memory_space<vmem>>) semaphore(%arg8 : memref<!tpu.dma_semaphore, #tpu.memory_space<semaphore_mem>>)
      %dma_start3A_21 = tpu.memref_slice %arg5[%add3A_17] : memref<5120xi32, #tpu.memory_space<vmem>> -> memref<128xi32, #tpu.memory_space<vmem>>
      %dma_start3A_22 = arith.constant 0 : i32
      %dma_start3A_23 = arith.constant 0 : i32
      %dma_start3A_24 = tpu.memref_slice %arg2[%dma_start3A_22, %dma_start3A_23] : memref<10240x256xf32, #tpu.memory_space<hbm>> -> memref<10240x256xf32, #tpu.memory_space<hbm>>
      tpu.enqueue_indirect_dma source(%dma_start3A_24 : memref<10240x256xf32, #tpu.memory_space<hbm>>) target(%arg7 : memref<128x256xf32, #tpu.memory_space<vmem>>) offsets(%dma_start3A_21 : memref<128xi32, #tpu.memory_space<vmem>>) semaphore(%arg9 : memref<!tpu.dma_semaphore, #tpu.memory_space<semaphore_mem>>)
      %dma_wait3A = tpu.memref_slice %arg5[%mul3A_15] : memref<5120xi32, #tpu.memory_space<vmem>> -> memref<128xi32, #tpu.memory_space<vmem>>
      %dma_wait3A_25 = arith.constant 0 : i32
      %dma_wait3A_26 = arith.constant 0 : i32
      %dma_wait3A_27 = tpu.memref_slice %arg2[%dma_wait3A_25, %dma_wait3A_26] : memref<10240x256xf32, #tpu.memory_space<hbm>> -> memref<10240x256xf32, #tpu.memory_space<hbm>>
      tpu.wait_indirect_dma semaphore(%arg8 : memref<!tpu.dma_semaphore, #tpu.memory_space<semaphore_mem>>) src(%dma_wait3A_27 : memref<10240x256xf32, #tpu.memory_space<hbm>>) dst(%arg6 : memref<128x256xf32, #tpu.memory_space<vmem>>)
      %add3A_28 = arith.addi %mul3A_2, %mul3A_15 : i32
      "tpu.region"() ({
        %run_scoped3A = tpu.sem_alloc : memref<!tpu.dma_semaphore, #tpu.memory_space<semaphore_mem>>
        %dma_start3A_34 = arith.constant 0 : i32
        %dma_start3A_35 = tpu.memref_slice %arg4[%add3A_28, %dma_start3A_34] : memref<163840x256xf32, #tpu.memory_space<hbm>> -> memref<128x256xf32, #tpu.memory_space<hbm>>
        %dma_start3A_36 = arith.constant 0 : i32
        %dma_start3A_37 = tpu.memref_slice %arg4[%add3A_28, %dma_start3A_36] : memref<163840x256xf32, #tpu.memory_space<hbm>> -> memref<128x256xf32, #tpu.memory_space<hbm>>
        tpu.enqueue_dma source(%arg6 : memref<128x256xf32, #tpu.memory_space<vmem>>) target(%dma_start3A_37 : memref<128x256xf32, #tpu.memory_space<hbm>>) target_semaphore(%run_scoped3A : memref<!tpu.dma_semaphore, #tpu.memory_space<semaphore_mem>>)
        %dma_wait3A_38 = arith.constant 0 : i32
        %dma_wait3A_39 = tpu.memref_slice %arg4[%add3A_28, %dma_wait3A_38] : memref<163840x256xf32, #tpu.memory_space<hbm>> -> memref<128x256xf32, #tpu.memory_space<hbm>>
        %dma_wait3A_40 = arith.constant 0 : i32
        %dma_wait3A_41 = tpu.memref_slice %arg4[%add3A_28, %dma_wait3A_40] : memref<163840x256xf32, #tpu.memory_space<hbm>> -> memref<128x256xf32, #tpu.memory_space<hbm>>
        tpu.wait_dma2 semaphore(%run_scoped3A : memref<!tpu.dma_semaphore, #tpu.memory_space<semaphore_mem>>) src(%arg6 : memref<128x256xf32, #tpu.memory_space<vmem>>) dst(%dma_wait3A_41 : memref<128x256xf32, #tpu.memory_space<hbm>>)
        tpu.yield
      }) : () -> ()
      %dma_wait3A_29 = tpu.memref_slice %arg5[%add3A_17] : memref<5120xi32, #tpu.memory_space<vmem>> -> memref<128xi32, #tpu.memory_space<vmem>>
      %dma_wait3A_30 = arith.constant 0 : i32
      %dma_wait3A_31 = arith.constant 0 : i32
      %dma_wait3A_32 = tpu.memref_slice %arg2[%dma_wait3A_30, %dma_wait3A_31] : memref<10240x256xf32, #tpu.memory_space<hbm>> -> memref<10240x256xf32, #tpu.memory_space<hbm>>
      tpu.wait_indirect_dma semaphore(%arg9 : memref<!tpu.dma_semaphore, #tpu.memory_space<semaphore_mem>>) src(%dma_wait3A_32 : memref<10240x256xf32, #tpu.memory_space<hbm>>) dst(%arg7 : memref<128x256xf32, #tpu.memory_space<vmem>>)
      %add3A_33 = arith.addi %mul3A_2, %add3A_17 : i32
      "tpu.region"() ({
        %run_scoped3A = tpu.sem_alloc : memref<!tpu.dma_semaphore, #tpu.memory_space<semaphore_mem>>
        %dma_start3A_34 = arith.constant 0 : i32
        %dma_start3A_35 = tpu.memref_slice %arg4[%add3A_33, %dma_start3A_34] : memref<163840x256xf32, #tpu.memory_space<hbm>> -> memref<128x256xf32, #tpu.memory_space<hbm>>
        %dma_start3A_36 = arith.constant 0 : i32
        %dma_start3A_37 = tpu.memref_slice %arg4[%add3A_33, %dma_start3A_36] : memref<163840x256xf32, #tpu.memory_space<hbm>> -> memref<128x256xf32, #tpu.memory_space<hbm>>
        tpu.enqueue_dma source(%arg7 : memref<128x256xf32, #tpu.memory_space<vmem>>) target(%dma_start3A_37 : memref<128x256xf32, #tpu.memory_space<hbm>>) target_semaphore(%run_scoped3A : memref<!tpu.dma_semaphore, #tpu.memory_space<semaphore_mem>>)
        %dma_wait3A_38 = arith.constant 0 : i32
        %dma_wait3A_39 = tpu.memref_slice %arg4[%add3A_33, %dma_wait3A_38] : memref<163840x256xf32, #tpu.memory_space<hbm>> -> memref<128x256xf32, #tpu.memory_space<hbm>>
        %dma_wait3A_40 = arith.constant 0 : i32
        %dma_wait3A_41 = tpu.memref_slice %arg4[%add3A_33, %dma_wait3A_40] : memref<163840x256xf32, #tpu.memory_space<hbm>> -> memref<128x256xf32, #tpu.memory_space<hbm>>
        tpu.wait_dma2 semaphore(%run_scoped3A : memref<!tpu.dma_semaphore, #tpu.memory_space<semaphore_mem>>) src(%arg7 : memref<128x256xf32, #tpu.memory_space<vmem>>) dst(%dma_wait3A_41 : memref<128x256xf32, #tpu.memory_space<hbm>>)
        tpu.yield
      }) : () -> ()
    }
    %scan3A_6 = arith.constant 20 : i32
    return
  }
}

#map = affine_map<(d0, d1) -> (0, 0)>
#map1 = affine_map<(d0, d1) -> (0)>
module attributes {stable_mosaic.version = 14 : i64} {
  func.func @_gather_body(%arg0: i32, %arg1: i32, %arg2: memref<10240x512xf32, #tpu.memory_space<hbm>>, %arg3: memref<163840xi32, #tpu.memory_space<hbm>>, %arg4: memref<163840x512xf32, #tpu.memory_space<hbm>>, %arg5: memref<5120xi32, #tpu.memory_space<vmem>>, %arg6: memref<64x512xf32, #tpu.memory_space<vmem>>, %arg7: memref<64x512xf32, #tpu.memory_space<vmem>>, %arg8: memref<!tpu.dma_semaphore, #tpu.memory_space<semaphore_mem>>, %arg9: memref<!tpu.dma_semaphore, #tpu.memory_space<semaphore_mem>>) attributes {dimension_semantics = [#tpu.dimension_semantics<core_parallel>, #tpu.dimension_semantics<subcore_parallel>], iteration_bounds = array<i64: 2, 16>, scalar_prefetch = 0 : i64, scratch_operands = 5 : i64, tpu.core_type = #tpu.core_type<sc_vector_subcore>, window_params = [{transform_indices = #map}, {transform_indices = #map1}, {transform_indices = #map}]} {
    %mul3A = arith.constant 2 : i32
    %mul3A_0 = arith.muli %arg1, %mul3A : i32
    %add3A = arith.addi %mul3A_0, %arg0 : i32
    %mul3A_1 = arith.constant 5120 : i32
    %mul3A_2 = arith.muli %add3A, %mul3A_1 : i32
    "tpu.region"() ({
      %run_scoped3A = tpu.sem_alloc : memref<!tpu.dma_semaphore, #tpu.memory_space<semaphore_mem>>
      %dma_start3A = tpu.memref_slice %arg3[%mul3A_2] : memref<163840xi32, #tpu.memory_space<hbm>> -> memref<5120xi32, #tpu.memory_space<hbm>>
      %dma_start3A_7 = tpu.memref_slice %arg3[%mul3A_2] : memref<163840xi32, #tpu.memory_space<hbm>> -> memref<5120xi32, #tpu.memory_space<hbm>>
      tpu.enqueue_dma source(%dma_start3A_7 : memref<5120xi32, #tpu.memory_space<hbm>>) target(%arg5 : memref<5120xi32, #tpu.memory_space<vmem>>) target_semaphore(%run_scoped3A : memref<!tpu.dma_semaphore, #tpu.memory_space<semaphore_mem>>)
      %dma_wait3A = tpu.memref_slice %arg3[%mul3A_2] : memref<163840xi32, #tpu.memory_space<hbm>> -> memref<5120xi32, #tpu.memory_space<hbm>>
      %dma_wait3A_8 = tpu.memref_slice %arg3[%mul3A_2] : memref<163840xi32, #tpu.memory_space<hbm>> -> memref<5120xi32, #tpu.memory_space<hbm>>
      tpu.wait_dma2 semaphore(%run_scoped3A : memref<!tpu.dma_semaphore, #tpu.memory_space<semaphore_mem>>) src(%dma_wait3A_8 : memref<5120xi32, #tpu.memory_space<hbm>>) dst(%arg5 : memref<5120xi32, #tpu.memory_space<vmem>>)
      tpu.yield
    }) : () -> ()
    %scan3A = arith.constant 0 : i32
    %scan3A_3 = arith.constant 40 : i32
    %scan3A_4 = arith.addi %scan3A, %scan3A_3 : i32
    %scan3A_5 = arith.constant 1 : i32
    scf.for %scan3A_7 = %scan3A to %scan3A_4 step %scan3A_5  : i32 {
      %mul3A_8 = arith.constant 1 : i32
      %mul3A_9 = arith.muli %scan3A_7, %mul3A_8 : i32
      %add3A_10 = arith.constant 0 : i32
      %add3A_11 = arith.addi %add3A_10, %mul3A_9 : i32
      %mul3A_12 = arith.constant 2 : i32
      %mul3A_13 = arith.muli %mul3A_12, %add3A_11 : i32
      %mul3A_14 = arith.constant 64 : i32
      %mul3A_15 = arith.muli %mul3A_13, %mul3A_14 : i32
      %add3A_16 = arith.constant 64 : i32
      %add3A_17 = arith.addi %mul3A_15, %add3A_16 : i32
      %dma_start3A = tpu.memref_slice %arg5[%mul3A_15] : memref<5120xi32, #tpu.memory_space<vmem>> -> memref<64xi32, #tpu.memory_space<vmem>>
      %dma_start3A_18 = arith.constant 0 : i32
      %dma_start3A_19 = arith.constant 0 : i32
      %dma_start3A_20 = tpu.memref_slice %arg2[%dma_start3A_18, %dma_start3A_19] : memref<10240x512xf32, #tpu.memory_space<hbm>> -> memref<10240x512xf32, #tpu.memory_space<hbm>>
      tpu.enqueue_indirect_dma source(%dma_start3A_20 : memref<10240x512xf32, #tpu.memory_space<hbm>>) target(%arg6 : memref<64x512xf32, #tpu.memory_space<vmem>>) offsets(%dma_start3A : memref<64xi32, #tpu.memory_space<vmem>>) semaphore(%arg8 : memref<!tpu.dma_semaphore, #tpu.memory_space<semaphore_mem>>)
      %dma_start3A_21 = tpu.memref_slice %arg5[%add3A_17] : memref<5120xi32, #tpu.memory_space<vmem>> -> memref<64xi32, #tpu.memory_space<vmem>>
      %dma_start3A_22 = arith.constant 0 : i32
      %dma_start3A_23 = arith.constant 0 : i32
      %dma_start3A_24 = tpu.memref_slice %arg2[%dma_start3A_22, %dma_start3A_23] : memref<10240x512xf32, #tpu.memory_space<hbm>> -> memref<10240x512xf32, #tpu.memory_space<hbm>>
      tpu.enqueue_indirect_dma source(%dma_start3A_24 : memref<10240x512xf32, #tpu.memory_space<hbm>>) target(%arg7 : memref<64x512xf32, #tpu.memory_space<vmem>>) offsets(%dma_start3A_21 : memref<64xi32, #tpu.memory_space<vmem>>) semaphore(%arg9 : memref<!tpu.dma_semaphore, #tpu.memory_space<semaphore_mem>>)
      %dma_wait3A = tpu.memref_slice %arg5[%mul3A_15] : memref<5120xi32, #tpu.memory_space<vmem>> -> memref<64xi32, #tpu.memory_space<vmem>>
      %dma_wait3A_25 = arith.constant 0 : i32
      %dma_wait3A_26 = arith.constant 0 : i32
      %dma_wait3A_27 = tpu.memref_slice %arg2[%dma_wait3A_25, %dma_wait3A_26] : memref<10240x512xf32, #tpu.memory_space<hbm>> -> memref<10240x512xf32, #tpu.memory_space<hbm>>
      tpu.wait_indirect_dma semaphore(%arg8 : memref<!tpu.dma_semaphore, #tpu.memory_space<semaphore_mem>>) src(%dma_wait3A_27 : memref<10240x512xf32, #tpu.memory_space<hbm>>) dst(%arg6 : memref<64x512xf32, #tpu.memory_space<vmem>>)
      %add3A_28 = arith.addi %mul3A_2, %mul3A_15 : i32
      "tpu.region"() ({
        %run_scoped3A = tpu.sem_alloc : memref<!tpu.dma_semaphore, #tpu.memory_space<semaphore_mem>>
        %dma_start3A_34 = arith.constant 0 : i32
        %dma_start3A_35 = tpu.memref_slice %arg4[%add3A_28, %dma_start3A_34] : memref<163840x512xf32, #tpu.memory_space<hbm>> -> memref<64x512xf32, #tpu.memory_space<hbm>>
        %dma_start3A_36 = arith.constant 0 : i32
        %dma_start3A_37 = tpu.memref_slice %arg4[%add3A_28, %dma_start3A_36] : memref<163840x512xf32, #tpu.memory_space<hbm>> -> memref<64x512xf32, #tpu.memory_space<hbm>>
        tpu.enqueue_dma source(%arg6 : memref<64x512xf32, #tpu.memory_space<vmem>>) target(%dma_start3A_37 : memref<64x512xf32, #tpu.memory_space<hbm>>) target_semaphore(%run_scoped3A : memref<!tpu.dma_semaphore, #tpu.memory_space<semaphore_mem>>)
        %dma_wait3A_38 = arith.constant 0 : i32
        %dma_wait3A_39 = tpu.memref_slice %arg4[%add3A_28, %dma_wait3A_38] : memref<163840x512xf32, #tpu.memory_space<hbm>> -> memref<64x512xf32, #tpu.memory_space<hbm>>
        %dma_wait3A_40 = arith.constant 0 : i32
        %dma_wait3A_41 = tpu.memref_slice %arg4[%add3A_28, %dma_wait3A_40] : memref<163840x512xf32, #tpu.memory_space<hbm>> -> memref<64x512xf32, #tpu.memory_space<hbm>>
        tpu.wait_dma2 semaphore(%run_scoped3A : memref<!tpu.dma_semaphore, #tpu.memory_space<semaphore_mem>>) src(%arg6 : memref<64x512xf32, #tpu.memory_space<vmem>>) dst(%dma_wait3A_41 : memref<64x512xf32, #tpu.memory_space<hbm>>)
        tpu.yield
      }) : () -> ()
      %dma_wait3A_29 = tpu.memref_slice %arg5[%add3A_17] : memref<5120xi32, #tpu.memory_space<vmem>> -> memref<64xi32, #tpu.memory_space<vmem>>
      %dma_wait3A_30 = arith.constant 0 : i32
      %dma_wait3A_31 = arith.constant 0 : i32
      %dma_wait3A_32 = tpu.memref_slice %arg2[%dma_wait3A_30, %dma_wait3A_31] : memref<10240x512xf32, #tpu.memory_space<hbm>> -> memref<10240x512xf32, #tpu.memory_space<hbm>>
      tpu.wait_indirect_dma semaphore(%arg9 : memref<!tpu.dma_semaphore, #tpu.memory_space<semaphore_mem>>) src(%dma_wait3A_32 : memref<10240x512xf32, #tpu.memory_space<hbm>>) dst(%arg7 : memref<64x512xf32, #tpu.memory_space<vmem>>)
      %add3A_33 = arith.addi %mul3A_2, %add3A_17 : i32
      "tpu.region"() ({
        %run_scoped3A = tpu.sem_alloc : memref<!tpu.dma_semaphore, #tpu.memory_space<semaphore_mem>>
        %dma_start3A_34 = arith.constant 0 : i32
        %dma_start3A_35 = tpu.memref_slice %arg4[%add3A_33, %dma_start3A_34] : memref<163840x512xf32, #tpu.memory_space<hbm>> -> memref<64x512xf32, #tpu.memory_space<hbm>>
        %dma_start3A_36 = arith.constant 0 : i32
        %dma_start3A_37 = tpu.memref_slice %arg4[%add3A_33, %dma_start3A_36] : memref<163840x512xf32, #tpu.memory_space<hbm>> -> memref<64x512xf32, #tpu.memory_space<hbm>>
        tpu.enqueue_dma source(%arg7 : memref<64x512xf32, #tpu.memory_space<vmem>>) target(%dma_start3A_37 : memref<64x512xf32, #tpu.memory_space<hbm>>) target_semaphore(%run_scoped3A : memref<!tpu.dma_semaphore, #tpu.memory_space<semaphore_mem>>)
        %dma_wait3A_38 = arith.constant 0 : i32
        %dma_wait3A_39 = tpu.memref_slice %arg4[%add3A_33, %dma_wait3A_38] : memref<163840x512xf32, #tpu.memory_space<hbm>> -> memref<64x512xf32, #tpu.memory_space<hbm>>
        %dma_wait3A_40 = arith.constant 0 : i32
        %dma_wait3A_41 = tpu.memref_slice %arg4[%add3A_33, %dma_wait3A_40] : memref<163840x512xf32, #tpu.memory_space<hbm>> -> memref<64x512xf32, #tpu.memory_space<hbm>>
        tpu.wait_dma2 semaphore(%run_scoped3A : memref<!tpu.dma_semaphore, #tpu.memory_space<semaphore_mem>>) src(%arg7 : memref<64x512xf32, #tpu.memory_space<vmem>>) dst(%dma_wait3A_41 : memref<64x512xf32, #tpu.memory_space<hbm>>)
        tpu.yield
      }) : () -> ()
    }
    %scan3A_6 = arith.constant 40 : i32
    return
  }
}

#map = affine_map<(d0, d1) -> (0, 0)>
#map1 = affine_map<(d0, d1) -> (0)>
module attributes {stable_mosaic.version = 14 : i64} {
  func.func @_gather_body(%arg0: i32, %arg1: i32, %arg2: memref<10240x256xf32, #tpu.memory_space<hbm>>, %arg3: memref<163840xi32, #tpu.memory_space<hbm>>, %arg4: memref<163840x256xf32, #tpu.memory_space<hbm>>, %arg5: memref<5120xi32, #tpu.memory_space<vmem>>, %arg6: memref<128x256xf32, #tpu.memory_space<vmem>>, %arg7: memref<128x256xf32, #tpu.memory_space<vmem>>, %arg8: memref<!tpu.dma_semaphore, #tpu.memory_space<semaphore_mem>>, %arg9: memref<!tpu.dma_semaphore, #tpu.memory_space<semaphore_mem>>) attributes {dimension_semantics = [#tpu.dimension_semantics<core_parallel>, #tpu.dimension_semantics<subcore_parallel>], iteration_bounds = array<i64: 2, 16>, scalar_prefetch = 0 : i64, scratch_operands = 5 : i64, tpu.core_type = #tpu.core_type<sc_vector_subcore>, window_params = [{transform_indices = #map}, {transform_indices = #map1}, {transform_indices = #map}]} {
    %mul3A = arith.constant 2 : i32
    %mul3A_0 = arith.muli %arg1, %mul3A : i32
    %add3A = arith.addi %mul3A_0, %arg0 : i32
    %mul3A_1 = arith.constant 5120 : i32
    %mul3A_2 = arith.muli %add3A, %mul3A_1 : i32
    "tpu.region"() ({
      %run_scoped3A = tpu.sem_alloc : memref<!tpu.dma_semaphore, #tpu.memory_space<semaphore_mem>>
      %dma_start3A = tpu.memref_slice %arg3[%mul3A_2] : memref<163840xi32, #tpu.memory_space<hbm>> -> memref<5120xi32, #tpu.memory_space<hbm>>
      %dma_start3A_7 = tpu.memref_slice %arg3[%mul3A_2] : memref<163840xi32, #tpu.memory_space<hbm>> -> memref<5120xi32, #tpu.memory_space<hbm>>
      tpu.enqueue_dma source(%dma_start3A_7 : memref<5120xi32, #tpu.memory_space<hbm>>) target(%arg5 : memref<5120xi32, #tpu.memory_space<vmem>>) target_semaphore(%run_scoped3A : memref<!tpu.dma_semaphore, #tpu.memory_space<semaphore_mem>>)
      %dma_wait3A = tpu.memref_slice %arg3[%mul3A_2] : memref<163840xi32, #tpu.memory_space<hbm>> -> memref<5120xi32, #tpu.memory_space<hbm>>
      %dma_wait3A_8 = tpu.memref_slice %arg3[%mul3A_2] : memref<163840xi32, #tpu.memory_space<hbm>> -> memref<5120xi32, #tpu.memory_space<hbm>>
      tpu.wait_dma2 semaphore(%run_scoped3A : memref<!tpu.dma_semaphore, #tpu.memory_space<semaphore_mem>>) src(%dma_wait3A_8 : memref<5120xi32, #tpu.memory_space<hbm>>) dst(%arg5 : memref<5120xi32, #tpu.memory_space<vmem>>)
      tpu.yield
    }) : () -> ()
    %scan3A = arith.constant 0 : i32
    %scan3A_3 = arith.constant 20 : i32
    %scan3A_4 = arith.addi %scan3A, %scan3A_3 : i32
    %scan3A_5 = arith.constant 1 : i32
    scf.for %scan3A_7 = %scan3A to %scan3A_4 step %scan3A_5  : i32 {
      %mul3A_8 = arith.constant 1 : i32
      %mul3A_9 = arith.muli %scan3A_7, %mul3A_8 : i32
      %add3A_10 = arith.constant 0 : i32
      %add3A_11 = arith.addi %add3A_10, %mul3A_9 : i32
      %mul3A_12 = arith.constant 2 : i32
      %mul3A_13 = arith.muli %mul3A_12, %add3A_11 : i32
      %mul3A_14 = arith.constant 128 : i32
      %mul3A_15 = arith.muli %mul3A_13, %mul3A_14 : i32
      %add3A_16 = arith.constant 128 : i32
      %add3A_17 = arith.addi %mul3A_15, %add3A_16 : i32
      %dma_start3A = tpu.memref_slice %arg5[%mul3A_15] : memref<5120xi32, #tpu.memory_space<vmem>> -> memref<128xi32, #tpu.memory_space<vmem>>
      %dma_start3A_18 = arith.constant 0 : i32
      %dma_start3A_19 = arith.constant 0 : i32
      %dma_start3A_20 = tpu.memref_slice %arg2[%dma_start3A_18, %dma_start3A_19] : memref<10240x256xf32, #tpu.memory_space<hbm>> -> memref<10240x256xf32, #tpu.memory_space<hbm>>
      tpu.enqueue_indirect_dma source(%dma_start3A_20 : memref<10240x256xf32, #tpu.memory_space<hbm>>) target(%arg6 : memref<128x256xf32, #tpu.memory_space<vmem>>) offsets(%dma_start3A : memref<128xi32, #tpu.memory_space<vmem>>) semaphore(%arg8 : memref<!tpu.dma_semaphore, #tpu.memory_space<semaphore_mem>>)
      %dma_start3A_21 = tpu.memref_slice %arg5[%add3A_17] : memref<5120xi32, #tpu.memory_space<vmem>> -> memref<128xi32, #tpu.memory_space<vmem>>
      %dma_start3A_22 = arith.constant 0 : i32
      %dma_start3A_23 = arith.constant 0 : i32
      %dma_start3A_24 = tpu.memref_slice %arg2[%dma_start3A_22, %dma_start3A_23] : memref<10240x256xf32, #tpu.memory_space<hbm>> -> memref<10240x256xf32, #tpu.memory_space<hbm>>
      tpu.enqueue_indirect_dma source(%dma_start3A_24 : memref<10240x256xf32, #tpu.memory_space<hbm>>) target(%arg7 : memref<128x256xf32, #tpu.memory_space<vmem>>) offsets(%dma_start3A_21 : memref<128xi32, #tpu.memory_space<vmem>>) semaphore(%arg9 : memref<!tpu.dma_semaphore, #tpu.memory_space<semaphore_mem>>)
      %dma_wait3A = tpu.memref_slice %arg5[%mul3A_15] : memref<5120xi32, #tpu.memory_space<vmem>> -> memref<128xi32, #tpu.memory_space<vmem>>
      %dma_wait3A_25 = arith.constant 0 : i32
      %dma_wait3A_26 = arith.constant 0 : i32
      %dma_wait3A_27 = tpu.memref_slice %arg2[%dma_wait3A_25, %dma_wait3A_26] : memref<10240x256xf32, #tpu.memory_space<hbm>> -> memref<10240x256xf32, #tpu.memory_space<hbm>>
      tpu.wait_indirect_dma semaphore(%arg8 : memref<!tpu.dma_semaphore, #tpu.memory_space<semaphore_mem>>) src(%dma_wait3A_27 : memref<10240x256xf32, #tpu.memory_space<hbm>>) dst(%arg6 : memref<128x256xf32, #tpu.memory_space<vmem>>)
      %add3A_28 = arith.addi %mul3A_2, %mul3A_15 : i32
      "tpu.region"() ({
        %run_scoped3A = tpu.sem_alloc : memref<!tpu.dma_semaphore, #tpu.memory_space<semaphore_mem>>
        %dma_start3A_34 = arith.constant 0 : i32
        %dma_start3A_35 = tpu.memref_slice %arg4[%add3A_28, %dma_start3A_34] : memref<163840x256xf32, #tpu.memory_space<hbm>> -> memref<128x256xf32, #tpu.memory_space<hbm>>
        %dma_start3A_36 = arith.constant 0 : i32
        %dma_start3A_37 = tpu.memref_slice %arg4[%add3A_28, %dma_start3A_36] : memref<163840x256xf32, #tpu.memory_space<hbm>> -> memref<128x256xf32, #tpu.memory_space<hbm>>
        tpu.enqueue_dma source(%arg6 : memref<128x256xf32, #tpu.memory_space<vmem>>) target(%dma_start3A_37 : memref<128x256xf32, #tpu.memory_space<hbm>>) target_semaphore(%run_scoped3A : memref<!tpu.dma_semaphore, #tpu.memory_space<semaphore_mem>>)
        %dma_wait3A_38 = arith.constant 0 : i32
        %dma_wait3A_39 = tpu.memref_slice %arg4[%add3A_28, %dma_wait3A_38] : memref<163840x256xf32, #tpu.memory_space<hbm>> -> memref<128x256xf32, #tpu.memory_space<hbm>>
        %dma_wait3A_40 = arith.constant 0 : i32
        %dma_wait3A_41 = tpu.memref_slice %arg4[%add3A_28, %dma_wait3A_40] : memref<163840x256xf32, #tpu.memory_space<hbm>> -> memref<128x256xf32, #tpu.memory_space<hbm>>
        tpu.wait_dma2 semaphore(%run_scoped3A : memref<!tpu.dma_semaphore, #tpu.memory_space<semaphore_mem>>) src(%arg6 : memref<128x256xf32, #tpu.memory_space<vmem>>) dst(%dma_wait3A_41 : memref<128x256xf32, #tpu.memory_space<hbm>>)
        tpu.yield
      }) : () -> ()
      %dma_wait3A_29 = tpu.memref_slice %arg5[%add3A_17] : memref<5120xi32, #tpu.memory_space<vmem>> -> memref<128xi32, #tpu.memory_space<vmem>>
      %dma_wait3A_30 = arith.constant 0 : i32
      %dma_wait3A_31 = arith.constant 0 : i32
      %dma_wait3A_32 = tpu.memref_slice %arg2[%dma_wait3A_30, %dma_wait3A_31] : memref<10240x256xf32, #tpu.memory_space<hbm>> -> memref<10240x256xf32, #tpu.memory_space<hbm>>
      tpu.wait_indirect_dma semaphore(%arg9 : memref<!tpu.dma_semaphore, #tpu.memory_space<semaphore_mem>>) src(%dma_wait3A_32 : memref<10240x256xf32, #tpu.memory_space<hbm>>) dst(%arg7 : memref<128x256xf32, #tpu.memory_space<vmem>>)
      %add3A_33 = arith.addi %mul3A_2, %add3A_17 : i32
      "tpu.region"() ({
        %run_scoped3A = tpu.sem_alloc : memref<!tpu.dma_semaphore, #tpu.memory_space<semaphore_mem>>
        %dma_start3A_34 = arith.constant 0 : i32
        %dma_start3A_35 = tpu.memref_slice %arg4[%add3A_33, %dma_start3A_34] : memref<163840x256xf32, #tpu.memory_space<hbm>> -> memref<128x256xf32, #tpu.memory_space<hbm>>
        %dma_start3A_36 = arith.constant 0 : i32
        %dma_start3A_37 = tpu.memref_slice %arg4[%add3A_33, %dma_start3A_36] : memref<163840x256xf32, #tpu.memory_space<hbm>> -> memref<128x256xf32, #tpu.memory_space<hbm>>
        tpu.enqueue_dma source(%arg7 : memref<128x256xf32, #tpu.memory_space<vmem>>) target(%dma_start3A_37 : memref<128x256xf32, #tpu.memory_space<hbm>>) target_semaphore(%run_scoped3A : memref<!tpu.dma_semaphore, #tpu.memory_space<semaphore_mem>>)
        %dma_wait3A_38 = arith.constant 0 : i32
        %dma_wait3A_39 = tpu.memref_slice %arg4[%add3A_33, %dma_wait3A_38] : memref<163840x256xf32, #tpu.memory_space<hbm>> -> memref<128x256xf32, #tpu.memory_space<hbm>>
        %dma_wait3A_40 = arith.constant 0 : i32
        %dma_wait3A_41 = tpu.memref_slice %arg4[%add3A_33, %dma_wait3A_40] : memref<163840x256xf32, #tpu.memory_space<hbm>> -> memref<128x256xf32, #tpu.memory_space<hbm>>
        tpu.wait_dma2 semaphore(%run_scoped3A : memref<!tpu.dma_semaphore, #tpu.memory_space<semaphore_mem>>) src(%arg7 : memref<128x256xf32, #tpu.memory_space<vmem>>) dst(%dma_wait3A_41 : memref<128x256xf32, #tpu.memory_space<hbm>>)
        tpu.yield
      }) : () -> ()
    }
    %scan3A_6 = arith.constant 20 : i32
    return
  }
}

module attributes {stable_mosaic.version = 14 : i64} {
  func.func @_deg_body(%arg0: i32, %arg1: memref<41xi32, #tpu.memory_space<smem>>, %arg2: memref<160x1x1024xi32, #tpu.memory_space<any>>, %arg3: memref<256x256xf32, #tpu.memory_space<vmem>>, %arg4: memref<256x128xf32, #tpu.memory_space<vmem>>, %arg5: memref<256x256xf32, #tpu.memory_space<vmem>>, %arg6: memref<1x1024xi32, #tpu.memory_space<vmem>>, %arg7: memref<256x128xf32, #tpu.memory_space<vmem>>, %arg8: memref<!tpu.dma_semaphore, #tpu.memory_space<semaphore_mem>>) attributes {dimension_semantics = [#tpu.dimension_semantics<arbitrary>], iteration_bounds = array<i64: 40>, scalar_prefetch = 0 : i64, scratch_operands = 3 : i64, tpu.core_type = #tpu.core_type<tc>, window_params = [{transform_indices = @transform_0, window_bounds = array<i64: 41>}, {}, {transform_indices = @transform_2, window_bounds = array<i64: 256, 256>}, {transform_indices = @transform_3, window_bounds = array<i64: 256, 128>}, {transform_indices = @transform_4, window_bounds = array<i64: 256, 256>}]} {
    %broadcast_in_dim3A = arith.constant 0.000000e+00 : f32
    %broadcast_in_dim3A_0 = vector.broadcast %broadcast_in_dim3A : f32 to vector<256x128xf32>
    %swap3A = arith.constant 0 : index
    %swap3A_1 = arith.constant 0 : index
    %swap3A_2 = vector.load %arg7[%swap3A, %swap3A_1] : memref<256x128xf32, #tpu.memory_space<vmem>>, vector<256x128xf32>
    tpu.vector_store %arg7[%swap3A, %swap3A_1], %broadcast_in_dim3A_0 {strides = array<i32>} : memref<256x128xf32, #tpu.memory_space<vmem>>, vector<256x128xf32>,
    %get3A = arith.index_cast %arg0 : i32 to index
    %get3A_3 = memref.load %arg1[%get3A] : memref<41xi32, #tpu.memory_space<smem>>
    %add3A = arith.constant 1 : i32
    %add3A_4 = arith.addi %arg0, %add3A : i32
    %get3A_5 = arith.index_cast %add3A_4 : i32 to index
    %get3A_6 = memref.load %arg1[%get3A_5] : memref<41xi32, #tpu.memory_space<smem>>
    %jit3A = arith.constant 1024 : i32
    %div3A = arith.divsi %get3A_3, %jit3A : i32
    %sign3A = arith.constant 0 : i32
    %sign3A_7 = arith.cmpi sgt, %get3A_3, %sign3A : i32
    %sign3A_8 = arith.extui %sign3A_7 : i1 to i32
    %sign3A_9 = arith.constant 0 : i32
    %sign3A_10 = arith.cmpi slt, %get3A_3, %sign3A_9 : i32
    %sign3A_11 = arith.extui %sign3A_10 : i1 to i32
    %sign3A_12 = arith.subi %sign3A_8, %sign3A_11 : i32
    %sign3A_13 = arith.constant 0 : i32
    %sign3A_14 = arith.cmpi sgt, %jit3A, %sign3A_13 : i32
    %sign3A_15 = arith.extui %sign3A_14 : i1 to i32
    %sign3A_16 = arith.constant 0 : i32
    %sign3A_17 = arith.cmpi slt, %jit3A, %sign3A_16 : i32
    %sign3A_18 = arith.extui %sign3A_17 : i1 to i32
    %sign3A_19 = arith.subi %sign3A_15, %sign3A_18 : i32
    %ne3A = arith.cmpi ne, %sign3A_12, %sign3A_19 : i32
    %rem3A = arith.remsi %get3A_3, %jit3A : i32
    %ne3A_20 = arith.constant 0 : i32
    %ne3A_21 = arith.cmpi ne, %rem3A, %ne3A_20 : i32
    %and3A = arith.andi %ne3A, %ne3A_21 : i1
    %sub3A = arith.constant 1 : i32
    %sub3A_22 = arith.subi %div3A, %sub3A : i32
    %select_n3A = arith.select %and3A, %sub3A_22, %div3A : i32
    %add3A_23 = arith.constant 1024 : i32
    %add3A_24 = arith.addi %get3A_6, %add3A_23 : i32
    %sub3A_25 = arith.constant 1 : i32
    %sub3A_26 = arith.subi %add3A_24, %sub3A_25 : i32
    %div3A_27 = arith.constant 1024 : i32
    %div3A_28 = arith.divsi %sub3A_26, %div3A_27 : i32
    %mul3A = arith.constant 256 : i32
    %mul3A_29 = arith.muli %arg0, %mul3A : i32
    %while3A = arith.constant 0 : i32
    %while3A_30 = arith.subi %div3A_28, %select_n3A : i32
    %while3A_31 = arith.addi %select_n3A, %while3A_30 : i32
    %while3A_32 = arith.constant 1 : i32
    %while3A_33 = arith.divsi %while3A_30, %while3A_32 : i32
    %while3A_34 = arith.muli %while3A_33, %while3A_32 : i32
    %while3A_35 = arith.addi %select_n3A, %while3A_34 : i32
    %while3A_36 = arith.constant 1 : i32
    scf.for %while3A_57 = %select_n3A to %while3A_35 step %while3A_36  : i32 {
      %dma_start3A = arith.constant 0 : i32
      %dma_start3A_58 = arith.constant 0 : i32
      %dma_start3A_59 = tpu.memref_slice %arg2[%while3A_57, %dma_start3A, %dma_start3A_58] : memref<160x1x1024xi32, #tpu.memory_space<any>> -> memref<1x1x1024xi32, #tpu.memory_space<any>>
      %dma_start3A_60 = tpu.memref_squeeze %dma_start3A_59 : memref<1x1x1024xi32, #tpu.memory_space<any>> -> memref<1x1024xi32, #tpu.memory_space<any>>
      tpu.enqueue_dma source(%dma_start3A_60 : memref<1x1024xi32, #tpu.memory_space<any>>) target(%arg6 : memref<1x1024xi32, #tpu.memory_space<vmem>>) target_semaphore(%arg8 : memref<!tpu.dma_semaphore, #tpu.memory_space<semaphore_mem>>)
      %dma_wait3A = arith.constant 0 : i32
      %dma_wait3A_61 = arith.constant 0 : i32
      %dma_wait3A_62 = tpu.memref_slice %arg2[%while3A_57, %dma_wait3A, %dma_wait3A_61] : memref<160x1x1024xi32, #tpu.memory_space<any>> -> memref<1x1x1024xi32, #tpu.memory_space<any>>
      %dma_wait3A_63 = tpu.memref_squeeze %dma_wait3A_62 : memref<1x1x1024xi32, #tpu.memory_space<any>> -> memref<1x1024xi32, #tpu.memory_space<any>>
      tpu.wait_dma2 semaphore(%arg8 : memref<!tpu.dma_semaphore, #tpu.memory_space<semaphore_mem>>) src(%dma_wait3A_63 : memref<1x1024xi32, #tpu.memory_space<any>>) dst(%arg6 : memref<1x1024xi32, #tpu.memory_space<vmem>>)
      %get3A_64 = arith.constant 0 : index
      %get3A_65 = arith.constant 0 : index
      %get3A_66 = vector.load %arg6[%get3A_64, %get3A_65] : memref<1x1024xi32, #tpu.memory_space<vmem>>, vector<1x1024xi32>
      %broadcast_in_dim3A_67 = vector.shape_cast %get3A_66 : vector<1x1024xi32> to vector<1x1024xi32>
      %broadcast_in_dim3A_68 = vector.broadcast %broadcast_in_dim3A_67 : vector<1x1024xi32> to vector<256x1024xi32>
      %iota3A = tpu.iota {dimensions = array<i32: 0>} : vector<256x1024xi32>
      %add3A_69 = vector.broadcast %mul3A_29 : i32 to vector<256x1024xi32>
      %add3A_70 = arith.addi %iota3A, %add3A_69 : vector<256x1024xi32>
      %eq3A = arith.cmpi eq, %add3A_70, %broadcast_in_dim3A_68 : vector<256x1024xi32>
      %jit3A_71 = arith.constant 1.000000e+00 : f32
      %jit3A_72 = arith.constant 0.000000e+00 : f32
      %broadcast_in_dim3A_73 = vector.broadcast %jit3A_71 : f32 to vector<256x1024xf32>
      %broadcast_in_dim3A_74 = vector.broadcast %jit3A_72 : f32 to vector<256x1024xf32>
      %select_n3A_75 = arith.select %eq3A, %broadcast_in_dim3A_73, %broadcast_in_dim3A_74 : vector<256x1024xi1>, vector<256x1024xf32>
      %get3A_76 = arith.constant 0 : index
      %get3A_77 = arith.constant 0 : index
      %get3A_78 = vector.load %arg7[%get3A_76, %get3A_77] : memref<256x128xf32, #tpu.memory_space<vmem>>, vector<256x128xf32>
      %reduce_sum3A = arith.constant dense<0.000000e+00> : vector<256xf32>
      %reduce_sum3A_79 = vector.multi_reduction <add>, %select_n3A_75, %reduce_sum3A [1] : vector<256x1024xf32> to vector<256xf32>
      %broadcast_in_dim3A_80 = vector.shape_cast %reduce_sum3A_79 : vector<256xf32> to vector<256x1xf32>
      %broadcast_in_dim3A_81 = vector.shape_cast %broadcast_in_dim3A_80 : vector<256x1xf32> to vector<256x1xf32>
      %broadcast_in_dim3A_82 = vector.broadcast %broadcast_in_dim3A_81 : vector<256x1xf32> to vector<256x128xf32>
      %add3A_83 = arith.addf %get3A_78, %broadcast_in_dim3A_82 : vector<256x128xf32>
      %swap3A_84 = arith.constant 0 : index
      %swap3A_85 = arith.constant 0 : index
      %swap3A_86 = vector.load %arg7[%swap3A_84, %swap3A_85] : memref<256x128xf32, #tpu.memory_space<vmem>>, vector<256x128xf32>
      tpu.vector_store %arg7[%swap3A_84, %swap3A_85], %add3A_83 {strides = array<i32>} : memref<256x128xf32, #tpu.memory_space<vmem>>, vector<256x128xf32>,
    }
    %while3A_37 = arith.constant 1 : i32
    scf.for %while3A_57 = %while3A_35 to %while3A_31 step %while3A_37  : i32 {
      %dma_start3A = arith.constant 0 : i32
      %dma_start3A_58 = arith.constant 0 : i32
      %dma_start3A_59 = tpu.memref_slice %arg2[%while3A_57, %dma_start3A, %dma_start3A_58] : memref<160x1x1024xi32, #tpu.memory_space<any>> -> memref<1x1x1024xi32, #tpu.memory_space<any>>
      %dma_start3A_60 = tpu.memref_squeeze %dma_start3A_59 : memref<1x1x1024xi32, #tpu.memory_space<any>> -> memref<1x1024xi32, #tpu.memory_space<any>>
      tpu.enqueue_dma source(%dma_start3A_60 : memref<1x1024xi32, #tpu.memory_space<any>>) target(%arg6 : memref<1x1024xi32, #tpu.memory_space<vmem>>) target_semaphore(%arg8 : memref<!tpu.dma_semaphore, #tpu.memory_space<semaphore_mem>>)
      %dma_wait3A = arith.constant 0 : i32
      %dma_wait3A_61 = arith.constant 0 : i32
      %dma_wait3A_62 = tpu.memref_slice %arg2[%while3A_57, %dma_wait3A, %dma_wait3A_61] : memref<160x1x1024xi32, #tpu.memory_space<any>> -> memref<1x1x1024xi32, #tpu.memory_space<any>>
      %dma_wait3A_63 = tpu.memref_squeeze %dma_wait3A_62 : memref<1x1x1024xi32, #tpu.memory_space<any>> -> memref<1x1024xi32, #tpu.memory_space<any>>
      tpu.wait_dma2 semaphore(%arg8 : memref<!tpu.dma_semaphore, #tpu.memory_space<semaphore_mem>>) src(%dma_wait3A_63 : memref<1x1024xi32, #tpu.memory_space<any>>) dst(%arg6 : memref<1x1024xi32, #tpu.memory_space<vmem>>)
      %get3A_64 = arith.constant 0 : index
      %get3A_65 = arith.constant 0 : index
      %get3A_66 = vector.load %arg6[%get3A_64, %get3A_65] : memref<1x1024xi32, #tpu.memory_space<vmem>>, vector<1x1024xi32>
      %broadcast_in_dim3A_67 = vector.shape_cast %get3A_66 : vector<1x1024xi32> to vector<1x1024xi32>
      %broadcast_in_dim3A_68 = vector.broadcast %broadcast_in_dim3A_67 : vector<1x1024xi32> to vector<256x1024xi32>
      %iota3A = tpu.iota {dimensions = array<i32: 0>} : vector<256x1024xi32>
      %add3A_69 = vector.broadcast %mul3A_29 : i32 to vector<256x1024xi32>
      %add3A_70 = arith.addi %iota3A, %add3A_69 : vector<256x1024xi32>
      %eq3A = arith.cmpi eq, %add3A_70, %broadcast_in_dim3A_68 : vector<256x1024xi32>
      %jit3A_71 = arith.constant 1.000000e+00 : f32
      %jit3A_72 = arith.constant 0.000000e+00 : f32
      %broadcast_in_dim3A_73 = vector.broadcast %jit3A_71 : f32 to vector<256x1024xf32>
      %broadcast_in_dim3A_74 = vector.broadcast %jit3A_72 : f32 to vector<256x1024xf32>
      %select_n3A_75 = arith.select %eq3A, %broadcast_in_dim3A_73, %broadcast_in_dim3A_74 : vector<256x1024xi1>, vector<256x1024xf32>
      %get3A_76 = arith.constant 0 : index
      %get3A_77 = arith.constant 0 : index
      %get3A_78 = vector.load %arg7[%get3A_76, %get3A_77] : memref<256x128xf32, #tpu.memory_space<vmem>>, vector<256x128xf32>
      %reduce_sum3A = arith.constant dense<0.000000e+00> : vector<256xf32>
      %reduce_sum3A_79 = vector.multi_reduction <add>, %select_n3A_75, %reduce_sum3A [1] : vector<256x1024xf32> to vector<256xf32>
      %broadcast_in_dim3A_80 = vector.shape_cast %reduce_sum3A_79 : vector<256xf32> to vector<256x1xf32>
      %broadcast_in_dim3A_81 = vector.shape_cast %broadcast_in_dim3A_80 : vector<256x1xf32> to vector<256x1xf32>
      %broadcast_in_dim3A_82 = vector.broadcast %broadcast_in_dim3A_81 : vector<256x1xf32> to vector<256x128xf32>
      %add3A_83 = arith.addf %get3A_78, %broadcast_in_dim3A_82 : vector<256x128xf32>
      %swap3A_84 = arith.constant 0 : index
      %swap3A_85 = arith.constant 0 : index
      %swap3A_86 = vector.load %arg7[%swap3A_84, %swap3A_85] : memref<256x128xf32, #tpu.memory_space<vmem>>, vector<256x128xf32>
      tpu.vector_store %arg7[%swap3A_84, %swap3A_85], %add3A_83 {strides = array<i32>} : memref<256x128xf32, #tpu.memory_space<vmem>>, vector<256x128xf32>,
    }
    %get3A_38 = arith.constant 0 : index
    %get3A_39 = arith.constant 0 : index
    %get3A_40 = vector.load %arg7[%get3A_38, %get3A_39] : memref<256x128xf32, #tpu.memory_space<vmem>>, vector<256x1xf32>
    %add3A_41 = arith.constant 1.000000e+00 : f32
    %add3A_42 = vector.broadcast %add3A_41 : f32 to vector<256x1xf32>
    %add3A_43 = arith.addf %get3A_40, %add3A_42 : vector<256x1xf32>
    %rsqrt3A = math.rsqrt %add3A_43 : vector<256x1xf32>
    %broadcast_in_dim3A_44 = vector.shape_cast %rsqrt3A : vector<256x1xf32> to vector<256x1xf32>
    %broadcast_in_dim3A_45 = vector.broadcast %broadcast_in_dim3A_44 : vector<256x1xf32> to vector<256x128xf32>
    %swap3A_46 = arith.constant 0 : index
    %swap3A_47 = arith.constant 0 : index
    %swap3A_48 = vector.load %arg4[%swap3A_46, %swap3A_47] : memref<256x128xf32, #tpu.memory_space<vmem>>, vector<256x128xf32>
    tpu.vector_store %arg4[%swap3A_46, %swap3A_47], %broadcast_in_dim3A_45 {strides = array<i32>} : memref<256x128xf32, #tpu.memory_space<vmem>>, vector<256x128xf32>,
    %get3A_49 = arith.constant 0 : index
    %get3A_50 = arith.constant 0 : index
    %get3A_51 = vector.load %arg3[%get3A_49, %get3A_50] : memref<256x256xf32, #tpu.memory_space<vmem>>, vector<256x256xf32>
    %mul3A_52 = vector.broadcast %rsqrt3A : vector<256x1xf32> to vector<256x256xf32>
    %mul3A_53 = arith.mulf %mul3A_52, %get3A_51 : vector<256x256xf32>
    %swap3A_54 = arith.constant 0 : index
    %swap3A_55 = arith.constant 0 : index
    %swap3A_56 = vector.load %arg5[%swap3A_54, %swap3A_55] : memref<256x256xf32, #tpu.memory_space<vmem>>, vector<256x256xf32>
    tpu.vector_store %arg5[%swap3A_54, %swap3A_55], %mul3A_53 {strides = array<i32>} : memref<256x256xf32, #tpu.memory_space<vmem>>, vector<256x256xf32>,
    return
  }
  func.func @transform_0(%arg0: i32) -> i32 {
    %c0_i32 = arith.constant 0 : i32
    %c0_i32_0 = arith.constant 0 : i32
    return %c0_i32 : i32
  }
  func.func @transform_2(%arg0: i32) -> (i32, i32) {
    %c0_i32 = arith.constant 0 : i32
    %c0_i32_0 = arith.constant 0 : i32
    return %arg0, %c0_i32 : i32, i32
  }
  func.func @transform_3(%arg0: i32) -> (i32, i32) {
    %c0_i32 = arith.constant 0 : i32
    %c0_i32_0 = arith.constant 0 : i32
    return %arg0, %c0_i32 : i32, i32
  }
  func.func @transform_4(%arg0: i32) -> (i32, i32) {
    %c0_i32 = arith.constant 0 : i32
    %c0_i32_0 = arith.constant 0 : i32
    return %arg0, %c0_i32 : i32, i32
  }
}

module attributes {stable_mosaic.version = 14 : i64} {
  func.func @_l1_body(%arg0: i32, %arg1: memref<41xi32, #tpu.memory_space<smem>>, %arg2: memref<160x1x1024xi32, #tpu.memory_space<any>>, %arg3: memref<163840x256xf32, #tpu.memory_space<any>>, %arg4: memref<256x256xf32, #tpu.memory_space<vmem>>, %arg5: memref<256x128xf32, #tpu.memory_space<vmem>>, %arg6: memref<256x512xf32, #tpu.memory_space<vmem>>, %arg7: memref<1x512xf32, #tpu.memory_space<vmem>>, %arg8: memref<256x512xf32, #tpu.memory_space<vmem>>, %arg9: memref<1x1024xi32, #tpu.memory_space<vmem>>, %arg10: memref<1024x256xf32, #tpu.memory_space<vmem>>, %arg11: memref<256x256xf32, #tpu.memory_space<vmem>>, %arg12: memref<!tpu.dma_semaphore, #tpu.memory_space<semaphore_mem>>, %arg13: memref<!tpu.dma_semaphore, #tpu.memory_space<semaphore_mem>>) attributes {dimension_semantics = [#tpu.dimension_semantics<arbitrary>], iteration_bounds = array<i64: 40>, scalar_prefetch = 0 : i64, scratch_operands = 5 : i64, tpu.core_type = #tpu.core_type<tc>, window_params = [{transform_indices = @transform_0, window_bounds = array<i64: 41>}, {}, {}, {transform_indices = @transform_3, window_bounds = array<i64: 256, 256>}, {transform_indices = @transform_4, window_bounds = array<i64: 256, 128>}, {pipeline_mode = #tpu.pipeline_mode<synchronous>, transform_indices = @transform_5, window_bounds = array<i64: 256, 512>}, {pipeline_mode = #tpu.pipeline_mode<synchronous>, transform_indices = @transform_6, window_bounds = array<i64: 1, 512>}, {transform_indices = @transform_7, window_bounds = array<i64: 256, 512>}]} {
    %broadcast_in_dim3A = arith.constant 0.000000e+00 : f32
    %broadcast_in_dim3A_0 = vector.broadcast %broadcast_in_dim3A : f32 to vector<256x256xf32>
    %swap3A = arith.constant 0 : index
    %swap3A_1 = arith.constant 0 : index
    %swap3A_2 = vector.load %arg11[%swap3A, %swap3A_1] : memref<256x256xf32, #tpu.memory_space<vmem>>, vector<256x256xf32>
    tpu.vector_store %arg11[%swap3A, %swap3A_1], %broadcast_in_dim3A_0 {strides = array<i32>} : memref<256x256xf32, #tpu.memory_space<vmem>>, vector<256x256xf32>,
    %get3A = arith.index_cast %arg0 : i32 to index
    %get3A_3 = memref.load %arg1[%get3A] : memref<41xi32, #tpu.memory_space<smem>>
    %add3A = arith.constant 1 : i32
    %add3A_4 = arith.addi %arg0, %add3A : i32
    %get3A_5 = arith.index_cast %add3A_4 : i32 to index
    %get3A_6 = memref.load %arg1[%get3A_5] : memref<41xi32, #tpu.memory_space<smem>>
    %jit3A = arith.constant 1024 : i32
    %div3A = arith.divsi %get3A_3, %jit3A : i32
    %sign3A = arith.constant 0 : i32
    %sign3A_7 = arith.cmpi sgt, %get3A_3, %sign3A : i32
    %sign3A_8 = arith.extui %sign3A_7 : i1 to i32
    %sign3A_9 = arith.constant 0 : i32
    %sign3A_10 = arith.cmpi slt, %get3A_3, %sign3A_9 : i32
    %sign3A_11 = arith.extui %sign3A_10 : i1 to i32
    %sign3A_12 = arith.subi %sign3A_8, %sign3A_11 : i32
    %sign3A_13 = arith.constant 0 : i32
    %sign3A_14 = arith.cmpi sgt, %jit3A, %sign3A_13 : i32
    %sign3A_15 = arith.extui %sign3A_14 : i1 to i32
    %sign3A_16 = arith.constant 0 : i32
    %sign3A_17 = arith.cmpi slt, %jit3A, %sign3A_16 : i32
    %sign3A_18 = arith.extui %sign3A_17 : i1 to i32
    %sign3A_19 = arith.subi %sign3A_15, %sign3A_18 : i32
    %ne3A = arith.cmpi ne, %sign3A_12, %sign3A_19 : i32
    %rem3A = arith.remsi %get3A_3, %jit3A : i32
    %ne3A_20 = arith.constant 0 : i32
    %ne3A_21 = arith.cmpi ne, %rem3A, %ne3A_20 : i32
    %and3A = arith.andi %ne3A, %ne3A_21 : i1
    %sub3A = arith.constant 1 : i32
    %sub3A_22 = arith.subi %div3A, %sub3A : i32
    %select_n3A = arith.select %and3A, %sub3A_22, %div3A : i32
    %add3A_23 = arith.constant 1024 : i32
    %add3A_24 = arith.addi %get3A_6, %add3A_23 : i32
    %sub3A_25 = arith.constant 1 : i32
    %sub3A_26 = arith.subi %add3A_24, %sub3A_25 : i32
    %div3A_27 = arith.constant 1024 : i32
    %div3A_28 = arith.divsi %sub3A_26, %div3A_27 : i32
    %mul3A = arith.constant 256 : i32
    %mul3A_29 = arith.muli %arg0, %mul3A : i32
    %while3A = arith.constant 0 : i32
    %while3A_30 = arith.subi %div3A_28, %select_n3A : i32
    %while3A_31 = arith.addi %select_n3A, %while3A_30 : i32
    %while3A_32 = arith.constant 1 : i32
    %while3A_33 = arith.divsi %while3A_30, %while3A_32 : i32
    %while3A_34 = arith.muli %while3A_33, %while3A_32 : i32
    %while3A_35 = arith.addi %select_n3A, %while3A_34 : i32
    %while3A_36 = arith.constant 1 : i32
    scf.for %while3A_66 = %select_n3A to %while3A_35 step %while3A_36  : i32 {
      %dma_start3A = arith.constant 0 : i32
      %dma_start3A_67 = arith.constant 0 : i32
      %dma_start3A_68 = tpu.memref_slice %arg2[%while3A_66, %dma_start3A, %dma_start3A_67] : memref<160x1x1024xi32, #tpu.memory_space<any>> -> memref<1x1x1024xi32, #tpu.memory_space<any>>
      %dma_start3A_69 = tpu.memref_squeeze %dma_start3A_68 : memref<1x1x1024xi32, #tpu.memory_space<any>> -> memref<1x1024xi32, #tpu.memory_space<any>>
      tpu.enqueue_dma source(%dma_start3A_69 : memref<1x1024xi32, #tpu.memory_space<any>>) target(%arg9 : memref<1x1024xi32, #tpu.memory_space<vmem>>) target_semaphore(%arg12 : memref<!tpu.dma_semaphore, #tpu.memory_space<semaphore_mem>>)
      %mul3A_70 = arith.constant 1024 : i32
      %mul3A_71 = arith.muli %while3A_66, %mul3A_70 : i32
      %dma_start3A_72 = arith.constant 0 : i32
      %dma_start3A_73 = tpu.memref_slice %arg3[%mul3A_71, %dma_start3A_72] : memref<163840x256xf32, #tpu.memory_space<any>> -> memref<1024x256xf32, #tpu.memory_space<any>>
      tpu.enqueue_dma source(%dma_start3A_73 : memref<1024x256xf32, #tpu.memory_space<any>>) target(%arg10 : memref<1024x256xf32, #tpu.memory_space<vmem>>) target_semaphore(%arg13 : memref<!tpu.dma_semaphore, #tpu.memory_space<semaphore_mem>>)
      %dma_wait3A = arith.constant 0 : i32
      %dma_wait3A_74 = arith.constant 0 : i32
      %dma_wait3A_75 = tpu.memref_slice %arg2[%while3A_66, %dma_wait3A, %dma_wait3A_74] : memref<160x1x1024xi32, #tpu.memory_space<any>> -> memref<1x1x1024xi32, #tpu.memory_space<any>>
      %dma_wait3A_76 = tpu.memref_squeeze %dma_wait3A_75 : memref<1x1x1024xi32, #tpu.memory_space<any>> -> memref<1x1024xi32, #tpu.memory_space<any>>
      tpu.wait_dma2 semaphore(%arg12 : memref<!tpu.dma_semaphore, #tpu.memory_space<semaphore_mem>>) src(%dma_wait3A_76 : memref<1x1024xi32, #tpu.memory_space<any>>) dst(%arg9 : memref<1x1024xi32, #tpu.memory_space<vmem>>)
      %get3A_77 = arith.constant 0 : index
      %get3A_78 = arith.constant 0 : index
      %get3A_79 = vector.load %arg9[%get3A_77, %get3A_78] : memref<1x1024xi32, #tpu.memory_space<vmem>>, vector<1x1024xi32>
      %broadcast_in_dim3A_80 = vector.shape_cast %get3A_79 : vector<1x1024xi32> to vector<1x1024xi32>
      %broadcast_in_dim3A_81 = vector.broadcast %broadcast_in_dim3A_80 : vector<1x1024xi32> to vector<256x1024xi32>
      %iota3A = tpu.iota {dimensions = array<i32: 0>} : vector<256x1024xi32>
      %add3A_82 = vector.broadcast %mul3A_29 : i32 to vector<256x1024xi32>
      %add3A_83 = arith.addi %iota3A, %add3A_82 : vector<256x1024xi32>
      %eq3A = arith.cmpi eq, %add3A_83, %broadcast_in_dim3A_81 : vector<256x1024xi32>
      %jit3A_84 = arith.constant 1.000000e+00 : f32
      %jit3A_85 = arith.constant 0.000000e+00 : f32
      %broadcast_in_dim3A_86 = vector.broadcast %jit3A_84 : f32 to vector<256x1024xf32>
      %broadcast_in_dim3A_87 = vector.broadcast %jit3A_85 : f32 to vector<256x1024xf32>
      %select_n3A_88 = arith.select %eq3A, %broadcast_in_dim3A_86, %broadcast_in_dim3A_87 : vector<256x1024xi1>, vector<256x1024xf32>
      %dma_wait3A_89 = arith.constant 0 : i32
      %dma_wait3A_90 = tpu.memref_slice %arg3[%mul3A_71, %dma_wait3A_89] : memref<163840x256xf32, #tpu.memory_space<any>> -> memref<1024x256xf32, #tpu.memory_space<any>>
      tpu.wait_dma2 semaphore(%arg13 : memref<!tpu.dma_semaphore, #tpu.memory_space<semaphore_mem>>) src(%dma_wait3A_90 : memref<1024x256xf32, #tpu.memory_space<any>>) dst(%arg10 : memref<1024x256xf32, #tpu.memory_space<vmem>>)
      %get3A_91 = arith.constant 0 : index
      %get3A_92 = arith.constant 0 : index
      %get3A_93 = vector.load %arg11[%get3A_91, %get3A_92] : memref<256x256xf32, #tpu.memory_space<vmem>>, vector<256x256xf32>
      %get3A_94 = arith.constant 0 : index
      %get3A_95 = arith.constant 0 : index
      %get3A_96 = vector.load %arg10[%get3A_94, %get3A_95] : memref<1024x256xf32, #tpu.memory_space<vmem>>, vector<1024x256xf32>
      %dot_general3A_97 = arith.constant dense<0.000000e+00> : vector<256x256xf32>
      %dot_general3A_98 = tpu.matmul %select_n3A_88, %get3A_96, %dot_general3A_97 {dimension_numbers = #tpu.dot_dimension_numbers<[1], [0], [0], [1], [0, 0, 1, 1], [], []>, transpose_lhs_hint = false} : vector<256x1024xf32>, vector<1024x256xf32>, vector<256x256xf32> -> vector<256x256xf32>
      %add3A_99 = arith.addf %get3A_93, %dot_general3A_98 : vector<256x256xf32>
      %swap3A_100 = arith.constant 0 : index
      %swap3A_101 = arith.constant 0 : index
      %swap3A_102 = vector.load %arg11[%swap3A_100, %swap3A_101] : memref<256x256xf32, #tpu.memory_space<vmem>>, vector<256x256xf32>
      tpu.vector_store %arg11[%swap3A_100, %swap3A_101], %add3A_99 {strides = array<i32>} : memref<256x256xf32, #tpu.memory_space<vmem>>, vector<256x256xf32>,
    }
    %while3A_37 = arith.constant 1 : i32
    scf.for %while3A_66 = %while3A_35 to %while3A_31 step %while3A_37  : i32 {
      %dma_start3A = arith.constant 0 : i32
      %dma_start3A_67 = arith.constant 0 : i32
      %dma_start3A_68 = tpu.memref_slice %arg2[%while3A_66, %dma_start3A, %dma_start3A_67] : memref<160x1x1024xi32, #tpu.memory_space<any>> -> memref<1x1x1024xi32, #tpu.memory_space<any>>
      %dma_start3A_69 = tpu.memref_squeeze %dma_start3A_68 : memref<1x1x1024xi32, #tpu.memory_space<any>> -> memref<1x1024xi32, #tpu.memory_space<any>>
      tpu.enqueue_dma source(%dma_start3A_69 : memref<1x1024xi32, #tpu.memory_space<any>>) target(%arg9 : memref<1x1024xi32, #tpu.memory_space<vmem>>) target_semaphore(%arg12 : memref<!tpu.dma_semaphore, #tpu.memory_space<semaphore_mem>>)
      %mul3A_70 = arith.constant 1024 : i32
      %mul3A_71 = arith.muli %while3A_66, %mul3A_70 : i32
      %dma_start3A_72 = arith.constant 0 : i32
      %dma_start3A_73 = tpu.memref_slice %arg3[%mul3A_71, %dma_start3A_72] : memref<163840x256xf32, #tpu.memory_space<any>> -> memref<1024x256xf32, #tpu.memory_space<any>>
      tpu.enqueue_dma source(%dma_start3A_73 : memref<1024x256xf32, #tpu.memory_space<any>>) target(%arg10 : memref<1024x256xf32, #tpu.memory_space<vmem>>) target_semaphore(%arg13 : memref<!tpu.dma_semaphore, #tpu.memory_space<semaphore_mem>>)
      %dma_wait3A = arith.constant 0 : i32
      %dma_wait3A_74 = arith.constant 0 : i32
      %dma_wait3A_75 = tpu.memref_slice %arg2[%while3A_66, %dma_wait3A, %dma_wait3A_74] : memref<160x1x1024xi32, #tpu.memory_space<any>> -> memref<1x1x1024xi32, #tpu.memory_space<any>>
      %dma_wait3A_76 = tpu.memref_squeeze %dma_wait3A_75 : memref<1x1x1024xi32, #tpu.memory_space<any>> -> memref<1x1024xi32, #tpu.memory_space<any>>
      tpu.wait_dma2 semaphore(%arg12 : memref<!tpu.dma_semaphore, #tpu.memory_space<semaphore_mem>>) src(%dma_wait3A_76 : memref<1x1024xi32, #tpu.memory_space<any>>) dst(%arg9 : memref<1x1024xi32, #tpu.memory_space<vmem>>)
      %get3A_77 = arith.constant 0 : index
      %get3A_78 = arith.constant 0 : index
      %get3A_79 = vector.load %arg9[%get3A_77, %get3A_78] : memref<1x1024xi32, #tpu.memory_space<vmem>>, vector<1x1024xi32>
      %broadcast_in_dim3A_80 = vector.shape_cast %get3A_79 : vector<1x1024xi32> to vector<1x1024xi32>
      %broadcast_in_dim3A_81 = vector.broadcast %broadcast_in_dim3A_80 : vector<1x1024xi32> to vector<256x1024xi32>
      %iota3A = tpu.iota {dimensions = array<i32: 0>} : vector<256x1024xi32>
      %add3A_82 = vector.broadcast %mul3A_29 : i32 to vector<256x1024xi32>
      %add3A_83 = arith.addi %iota3A, %add3A_82 : vector<256x1024xi32>
      %eq3A = arith.cmpi eq, %add3A_83, %broadcast_in_dim3A_81 : vector<256x1024xi32>
      %jit3A_84 = arith.constant 1.000000e+00 : f32
      %jit3A_85 = arith.constant 0.000000e+00 : f32
      %broadcast_in_dim3A_86 = vector.broadcast %jit3A_84 : f32 to vector<256x1024xf32>
      %broadcast_in_dim3A_87 = vector.broadcast %jit3A_85 : f32 to vector<256x1024xf32>
      %select_n3A_88 = arith.select %eq3A, %broadcast_in_dim3A_86, %broadcast_in_dim3A_87 : vector<256x1024xi1>, vector<256x1024xf32>
      %dma_wait3A_89 = arith.constant 0 : i32
      %dma_wait3A_90 = tpu.memref_slice %arg3[%mul3A_71, %dma_wait3A_89] : memref<163840x256xf32, #tpu.memory_space<any>> -> memref<1024x256xf32, #tpu.memory_space<any>>
      tpu.wait_dma2 semaphore(%arg13 : memref<!tpu.dma_semaphore, #tpu.memory_space<semaphore_mem>>) src(%dma_wait3A_90 : memref<1024x256xf32, #tpu.memory_space<any>>) dst(%arg10 : memref<1024x256xf32, #tpu.memory_space<vmem>>)
      %get3A_91 = arith.constant 0 : index
      %get3A_92 = arith.constant 0 : index
      %get3A_93 = vector.load %arg11[%get3A_91, %get3A_92] : memref<256x256xf32, #tpu.memory_space<vmem>>, vector<256x256xf32>
      %get3A_94 = arith.constant 0 : index
      %get3A_95 = arith.constant 0 : index
      %get3A_96 = vector.load %arg10[%get3A_94, %get3A_95] : memref<1024x256xf32, #tpu.memory_space<vmem>>, vector<1024x256xf32>
      %dot_general3A_97 = arith.constant dense<0.000000e+00> : vector<256x256xf32>
      %dot_general3A_98 = tpu.matmul %select_n3A_88, %get3A_96, %dot_general3A_97 {dimension_numbers = #tpu.dot_dimension_numbers<[1], [0], [0], [1], [0, 0, 1, 1], [], []>, transpose_lhs_hint = false} : vector<256x1024xf32>, vector<1024x256xf32>, vector<256x256xf32> -> vector<256x256xf32>
      %add3A_99 = arith.addf %get3A_93, %dot_general3A_98 : vector<256x256xf32>
      %swap3A_100 = arith.constant 0 : index
      %swap3A_101 = arith.constant 0 : index
      %swap3A_102 = vector.load %arg11[%swap3A_100, %swap3A_101] : memref<256x256xf32, #tpu.memory_space<vmem>>, vector<256x256xf32>
      tpu.vector_store %arg11[%swap3A_100, %swap3A_101], %add3A_99 {strides = array<i32>} : memref<256x256xf32, #tpu.memory_space<vmem>>, vector<256x256xf32>,
    }
    %get3A_38 = arith.constant 0 : index
    %get3A_39 = arith.constant 0 : index
    %get3A_40 = vector.load %arg5[%get3A_38, %get3A_39] : memref<256x128xf32, #tpu.memory_space<vmem>>, vector<256x1xf32>
    %get3A_41 = arith.constant 0 : index
    %get3A_42 = arith.constant 0 : index
    %get3A_43 = vector.load %arg11[%get3A_41, %get3A_42] : memref<256x256xf32, #tpu.memory_space<vmem>>, vector<256x256xf32>
    %get3A_44 = arith.constant 0 : index
    %get3A_45 = arith.constant 0 : index
    %get3A_46 = vector.load %arg4[%get3A_44, %get3A_45] : memref<256x256xf32, #tpu.memory_space<vmem>>, vector<256x256xf32>
    %add3A_47 = arith.addf %get3A_43, %get3A_46 : vector<256x256xf32>
    %mul3A_48 = vector.broadcast %get3A_40 : vector<256x1xf32> to vector<256x256xf32>
    %mul3A_49 = arith.mulf %mul3A_48, %add3A_47 : vector<256x256xf32>
    %get3A_50 = arith.constant 0 : index
    %get3A_51 = arith.constant 0 : index
    %get3A_52 = vector.load %arg6[%get3A_50, %get3A_51] : memref<256x512xf32, #tpu.memory_space<vmem>>, vector<256x512xf32>
    %dot_general3A = arith.constant dense<0.000000e+00> : vector<256x512xf32>
    %dot_general3A_53 = tpu.matmul %mul3A_49, %get3A_52, %dot_general3A {dimension_numbers = #tpu.dot_dimension_numbers<[1], [0], [0], [1], [0, 0, 1, 1], [], []>, transpose_lhs_hint = false} : vector<256x256xf32>, vector<256x512xf32>, vector<256x512xf32> -> vector<256x512xf32>
    %get3A_54 = arith.constant 0 : index
    %get3A_55 = arith.constant 0 : index
    %get3A_56 = vector.load %arg7[%get3A_54, %get3A_55] : memref<1x512xf32, #tpu.memory_space<vmem>>, vector<1x512xf32>
    %add3A_57 = vector.broadcast %get3A_56 : vector<1x512xf32> to vector<256x512xf32>
    %add3A_58 = arith.addf %dot_general3A_53, %add3A_57 : vector<256x512xf32>
    %max3A = arith.constant 0.000000e+00 : f32
    %max3A_59 = vector.broadcast %max3A : f32 to vector<256x512xf32>
    %max3A_60 = arith.maximumf %add3A_58, %max3A_59 : vector<256x512xf32>
    %mul3A_61 = vector.broadcast %get3A_40 : vector<256x1xf32> to vector<256x512xf32>
    %mul3A_62 = arith.mulf %mul3A_61, %max3A_60 : vector<256x512xf32>
    %swap3A_63 = arith.constant 0 : index
    %swap3A_64 = arith.constant 0 : index
    %swap3A_65 = vector.load %arg8[%swap3A_63, %swap3A_64] : memref<256x512xf32, #tpu.memory_space<vmem>>, vector<256x512xf32>
    tpu.vector_store %arg8[%swap3A_63, %swap3A_64], %mul3A_62 {strides = array<i32>} : memref<256x512xf32, #tpu.memory_space<vmem>>, vector<256x512xf32>,
    return
  }
  func.func @transform_0(%arg0: i32) -> i32 {
    %c0_i32 = arith.constant 0 : i32
    %c0_i32_0 = arith.constant 0 : i32
    return %c0_i32 : i32
  }
  func.func @transform_3(%arg0: i32) -> (i32, i32) {
    %c0_i32 = arith.constant 0 : i32
    %c0_i32_0 = arith.constant 0 : i32
    return %arg0, %c0_i32 : i32, i32
  }
  func.func @transform_4(%arg0: i32) -> (i32, i32) {
    %c0_i32 = arith.constant 0 : i32
    %c0_i32_0 = arith.constant 0 : i32
    return %arg0, %c0_i32 : i32, i32
  }
  func.func @transform_5(%arg0: i32) -> (i32, i32) {
    %c0_i32 = arith.constant 0 : i32
    %c0_i32_0 = arith.constant 0 : i32
    %c0_i32_1 = arith.constant 0 : i32
    return %c0_i32, %c0_i32_0 : i32, i32
  }
  func.func @transform_6(%arg0: i32) -> (i32, i32) {
    %c0_i32 = arith.constant 0 : i32
    %c0_i32_0 = arith.constant 0 : i32
    %c0_i32_1 = arith.constant 0 : i32
    return %c0_i32, %c0_i32_0 : i32, i32
  }
  func.func @transform_7(%arg0: i32) -> (i32, i32) {
    %c0_i32 = arith.constant 0 : i32
    %c0_i32_0 = arith.constant 0 : i32
    return %arg0, %c0_i32 : i32, i32
  }
}

module attributes {stable_mosaic.version = 14 : i64} {
  func.func @_l2_body(%arg0: i32, %arg1: memref<41xi32, #tpu.memory_space<smem>>, %arg2: memref<160x1x1024xi32, #tpu.memory_space<any>>, %arg3: memref<163840x512xf32, #tpu.memory_space<any>>, %arg4: memref<256x512xf32, #tpu.memory_space<vmem>>, %arg5: memref<256x128xf32, #tpu.memory_space<vmem>>, %arg6: memref<512x512xf32, #tpu.memory_space<vmem>>, %arg7: memref<1x512xf32, #tpu.memory_space<vmem>>, %arg8: memref<512x256xf32, #tpu.memory_space<vmem>>, %arg9: memref<256x256xf32, #tpu.memory_space<vmem>>, %arg10: memref<1x1024xi32, #tpu.memory_space<vmem>>, %arg11: memref<1024x512xf32, #tpu.memory_space<vmem>>, %arg12: memref<256x512xf32, #tpu.memory_space<vmem>>, %arg13: memref<!tpu.dma_semaphore, #tpu.memory_space<semaphore_mem>>, %arg14: memref<!tpu.dma_semaphore, #tpu.memory_space<semaphore_mem>>) attributes {dimension_semantics = [#tpu.dimension_semantics<arbitrary>], iteration_bounds = array<i64: 40>, scalar_prefetch = 0 : i64, scratch_operands = 5 : i64, tpu.core_type = #tpu.core_type<tc>, window_params = [{transform_indices = @transform_0, window_bounds = array<i64: 41>}, {}, {}, {transform_indices = @transform_3, window_bounds = array<i64: 256, 512>}, {transform_indices = @transform_4, window_bounds = array<i64: 256, 128>}, {pipeline_mode = #tpu.pipeline_mode<synchronous>, transform_indices = @transform_5, window_bounds = array<i64: 512, 512>}, {pipeline_mode = #tpu.pipeline_mode<synchronous>, transform_indices = @transform_6, window_bounds = array<i64: 1, 512>}, {pipeline_mode = #tpu.pipeline_mode<synchronous>, transform_indices = @transform_7, window_bounds = array<i64: 512, 256>}, {transform_indices = @transform_8, window_bounds = array<i64: 256, 256>}]} {
    %broadcast_in_dim3A = arith.constant 0.000000e+00 : f32
    %broadcast_in_dim3A_0 = vector.broadcast %broadcast_in_dim3A : f32 to vector<256x512xf32>
    %swap3A = arith.constant 0 : index
    %swap3A_1 = arith.constant 0 : index
    %swap3A_2 = vector.load %arg12[%swap3A, %swap3A_1] : memref<256x512xf32, #tpu.memory_space<vmem>>, vector<256x512xf32>
    tpu.vector_store %arg12[%swap3A, %swap3A_1], %broadcast_in_dim3A_0 {strides = array<i32>} : memref<256x512xf32, #tpu.memory_space<vmem>>, vector<256x512xf32>,
    %get3A = arith.index_cast %arg0 : i32 to index
    %get3A_3 = memref.load %arg1[%get3A] : memref<41xi32, #tpu.memory_space<smem>>
    %add3A = arith.constant 1 : i32
    %add3A_4 = arith.addi %arg0, %add3A : i32
    %get3A_5 = arith.index_cast %add3A_4 : i32 to index
    %get3A_6 = memref.load %arg1[%get3A_5] : memref<41xi32, #tpu.memory_space<smem>>
    %jit3A = arith.constant 1024 : i32
    %div3A = arith.divsi %get3A_3, %jit3A : i32
    %sign3A = arith.constant 0 : i32
    %sign3A_7 = arith.cmpi sgt, %get3A_3, %sign3A : i32
    %sign3A_8 = arith.extui %sign3A_7 : i1 to i32
    %sign3A_9 = arith.constant 0 : i32
    %sign3A_10 = arith.cmpi slt, %get3A_3, %sign3A_9 : i32
    %sign3A_11 = arith.extui %sign3A_10 : i1 to i32
    %sign3A_12 = arith.subi %sign3A_8, %sign3A_11 : i32
    %sign3A_13 = arith.constant 0 : i32
    %sign3A_14 = arith.cmpi sgt, %jit3A, %sign3A_13 : i32
    %sign3A_15 = arith.extui %sign3A_14 : i1 to i32
    %sign3A_16 = arith.constant 0 : i32
    %sign3A_17 = arith.cmpi slt, %jit3A, %sign3A_16 : i32
    %sign3A_18 = arith.extui %sign3A_17 : i1 to i32
    %sign3A_19 = arith.subi %sign3A_15, %sign3A_18 : i32
    %ne3A = arith.cmpi ne, %sign3A_12, %sign3A_19 : i32
    %rem3A = arith.remsi %get3A_3, %jit3A : i32
    %ne3A_20 = arith.constant 0 : i32
    %ne3A_21 = arith.cmpi ne, %rem3A, %ne3A_20 : i32
    %and3A = arith.andi %ne3A, %ne3A_21 : i1
    %sub3A = arith.constant 1 : i32
    %sub3A_22 = arith.subi %div3A, %sub3A : i32
    %select_n3A = arith.select %and3A, %sub3A_22, %div3A : i32
    %add3A_23 = arith.constant 1024 : i32
    %add3A_24 = arith.addi %get3A_6, %add3A_23 : i32
    %sub3A_25 = arith.constant 1 : i32
    %sub3A_26 = arith.subi %add3A_24, %sub3A_25 : i32
    %div3A_27 = arith.constant 1024 : i32
    %div3A_28 = arith.divsi %sub3A_26, %div3A_27 : i32
    %mul3A = arith.constant 256 : i32
    %mul3A_29 = arith.muli %arg0, %mul3A : i32
    %while3A = arith.constant 0 : i32
    %while3A_30 = arith.subi %div3A_28, %select_n3A : i32
    %while3A_31 = arith.addi %select_n3A, %while3A_30 : i32
    %while3A_32 = arith.constant 1 : i32
    %while3A_33 = arith.divsi %while3A_30, %while3A_32 : i32
    %while3A_34 = arith.muli %while3A_33, %while3A_32 : i32
    %while3A_35 = arith.addi %select_n3A, %while3A_34 : i32
    %while3A_36 = arith.constant 1 : i32
    scf.for %while3A_71 = %select_n3A to %while3A_35 step %while3A_36  : i32 {
      %dma_start3A = arith.constant 0 : i32
      %dma_start3A_72 = arith.constant 0 : i32
      %dma_start3A_73 = tpu.memref_slice %arg2[%while3A_71, %dma_start3A, %dma_start3A_72] : memref<160x1x1024xi32, #tpu.memory_space<any>> -> memref<1x1x1024xi32, #tpu.memory_space<any>>
      %dma_start3A_74 = tpu.memref_squeeze %dma_start3A_73 : memref<1x1x1024xi32, #tpu.memory_space<any>> -> memref<1x1024xi32, #tpu.memory_space<any>>
      tpu.enqueue_dma source(%dma_start3A_74 : memref<1x1024xi32, #tpu.memory_space<any>>) target(%arg10 : memref<1x1024xi32, #tpu.memory_space<vmem>>) target_semaphore(%arg13 : memref<!tpu.dma_semaphore, #tpu.memory_space<semaphore_mem>>)
      %mul3A_75 = arith.constant 1024 : i32
      %mul3A_76 = arith.muli %while3A_71, %mul3A_75 : i32
      %dma_start3A_77 = arith.constant 0 : i32
      %dma_start3A_78 = tpu.memref_slice %arg3[%mul3A_76, %dma_start3A_77] : memref<163840x512xf32, #tpu.memory_space<any>> -> memref<1024x512xf32, #tpu.memory_space<any>>
      tpu.enqueue_dma source(%dma_start3A_78 : memref<1024x512xf32, #tpu.memory_space<any>>) target(%arg11 : memref<1024x512xf32, #tpu.memory_space<vmem>>) target_semaphore(%arg14 : memref<!tpu.dma_semaphore, #tpu.memory_space<semaphore_mem>>)
      %dma_wait3A = arith.constant 0 : i32
      %dma_wait3A_79 = arith.constant 0 : i32
      %dma_wait3A_80 = tpu.memref_slice %arg2[%while3A_71, %dma_wait3A, %dma_wait3A_79] : memref<160x1x1024xi32, #tpu.memory_space<any>> -> memref<1x1x1024xi32, #tpu.memory_space<any>>
      %dma_wait3A_81 = tpu.memref_squeeze %dma_wait3A_80 : memref<1x1x1024xi32, #tpu.memory_space<any>> -> memref<1x1024xi32, #tpu.memory_space<any>>
      tpu.wait_dma2 semaphore(%arg13 : memref<!tpu.dma_semaphore, #tpu.memory_space<semaphore_mem>>) src(%dma_wait3A_81 : memref<1x1024xi32, #tpu.memory_space<any>>) dst(%arg10 : memref<1x1024xi32, #tpu.memory_space<vmem>>)
      %get3A_82 = arith.constant 0 : index
      %get3A_83 = arith.constant 0 : index
      %get3A_84 = vector.load %arg10[%get3A_82, %get3A_83] : memref<1x1024xi32, #tpu.memory_space<vmem>>, vector<1x1024xi32>
      %broadcast_in_dim3A_85 = vector.shape_cast %get3A_84 : vector<1x1024xi32> to vector<1x1024xi32>
      %broadcast_in_dim3A_86 = vector.broadcast %broadcast_in_dim3A_85 : vector<1x1024xi32> to vector<256x1024xi32>
      %iota3A = tpu.iota {dimensions = array<i32: 0>} : vector<256x1024xi32>
      %add3A_87 = vector.broadcast %mul3A_29 : i32 to vector<256x1024xi32>
      %add3A_88 = arith.addi %iota3A, %add3A_87 : vector<256x1024xi32>
      %eq3A = arith.cmpi eq, %add3A_88, %broadcast_in_dim3A_86 : vector<256x1024xi32>
      %jit3A_89 = arith.constant 1.000000e+00 : f32
      %jit3A_90 = arith.constant 0.000000e+00 : f32
      %broadcast_in_dim3A_91 = vector.broadcast %jit3A_89 : f32 to vector<256x1024xf32>
      %broadcast_in_dim3A_92 = vector.broadcast %jit3A_90 : f32 to vector<256x1024xf32>
      %select_n3A_93 = arith.select %eq3A, %broadcast_in_dim3A_91, %broadcast_in_dim3A_92 : vector<256x1024xi1>, vector<256x1024xf32>
      %dma_wait3A_94 = arith.constant 0 : i32
      %dma_wait3A_95 = tpu.memref_slice %arg3[%mul3A_76, %dma_wait3A_94] : memref<163840x512xf32, #tpu.memory_space<any>> -> memref<1024x512xf32, #tpu.memory_space<any>>
      tpu.wait_dma2 semaphore(%arg14 : memref<!tpu.dma_semaphore, #tpu.memory_space<semaphore_mem>>) src(%dma_wait3A_95 : memref<1024x512xf32, #tpu.memory_space<any>>) dst(%arg11 : memref<1024x512xf32, #tpu.memory_space<vmem>>)
      %get3A_96 = arith.constant 0 : index
      %get3A_97 = arith.constant 0 : index
      %get3A_98 = vector.load %arg12[%get3A_96, %get3A_97] : memref<256x512xf32, #tpu.memory_space<vmem>>, vector<256x512xf32>
      %get3A_99 = arith.constant 0 : index
      %get3A_100 = arith.constant 0 : index
      %get3A_101 = vector.load %arg11[%get3A_99, %get3A_100] : memref<1024x512xf32, #tpu.memory_space<vmem>>, vector<1024x512xf32>
      %dot_general3A_102 = arith.constant dense<0.000000e+00> : vector<256x512xf32>
      %dot_general3A_103 = tpu.matmul %select_n3A_93, %get3A_101, %dot_general3A_102 {dimension_numbers = #tpu.dot_dimension_numbers<[1], [0], [0], [1], [0, 0, 1, 1], [], []>, transpose_lhs_hint = false} : vector<256x1024xf32>, vector<1024x512xf32>, vector<256x512xf32> -> vector<256x512xf32>
      %add3A_104 = arith.addf %get3A_98, %dot_general3A_103 : vector<256x512xf32>
      %swap3A_105 = arith.constant 0 : index
      %swap3A_106 = arith.constant 0 : index
      %swap3A_107 = vector.load %arg12[%swap3A_105, %swap3A_106] : memref<256x512xf32, #tpu.memory_space<vmem>>, vector<256x512xf32>
      tpu.vector_store %arg12[%swap3A_105, %swap3A_106], %add3A_104 {strides = array<i32>} : memref<256x512xf32, #tpu.memory_space<vmem>>, vector<256x512xf32>,
    }
    %while3A_37 = arith.constant 1 : i32
    scf.for %while3A_71 = %while3A_35 to %while3A_31 step %while3A_37  : i32 {
      %dma_start3A = arith.constant 0 : i32
      %dma_start3A_72 = arith.constant 0 : i32
      %dma_start3A_73 = tpu.memref_slice %arg2[%while3A_71, %dma_start3A, %dma_start3A_72] : memref<160x1x1024xi32, #tpu.memory_space<any>> -> memref<1x1x1024xi32, #tpu.memory_space<any>>
      %dma_start3A_74 = tpu.memref_squeeze %dma_start3A_73 : memref<1x1x1024xi32, #tpu.memory_space<any>> -> memref<1x1024xi32, #tpu.memory_space<any>>
      tpu.enqueue_dma source(%dma_start3A_74 : memref<1x1024xi32, #tpu.memory_space<any>>) target(%arg10 : memref<1x1024xi32, #tpu.memory_space<vmem>>) target_semaphore(%arg13 : memref<!tpu.dma_semaphore, #tpu.memory_space<semaphore_mem>>)
      %mul3A_75 = arith.constant 1024 : i32
      %mul3A_76 = arith.muli %while3A_71, %mul3A_75 : i32
      %dma_start3A_77 = arith.constant 0 : i32
      %dma_start3A_78 = tpu.memref_slice %arg3[%mul3A_76, %dma_start3A_77] : memref<163840x512xf32, #tpu.memory_space<any>> -> memref<1024x512xf32, #tpu.memory_space<any>>
      tpu.enqueue_dma source(%dma_start3A_78 : memref<1024x512xf32, #tpu.memory_space<any>>) target(%arg11 : memref<1024x512xf32, #tpu.memory_space<vmem>>) target_semaphore(%arg14 : memref<!tpu.dma_semaphore, #tpu.memory_space<semaphore_mem>>)
      %dma_wait3A = arith.constant 0 : i32
      %dma_wait3A_79 = arith.constant 0 : i32
      %dma_wait3A_80 = tpu.memref_slice %arg2[%while3A_71, %dma_wait3A, %dma_wait3A_79] : memref<160x1x1024xi32, #tpu.memory_space<any>> -> memref<1x1x1024xi32, #tpu.memory_space<any>>
      %dma_wait3A_81 = tpu.memref_squeeze %dma_wait3A_80 : memref<1x1x1024xi32, #tpu.memory_space<any>> -> memref<1x1024xi32, #tpu.memory_space<any>>
      tpu.wait_dma2 semaphore(%arg13 : memref<!tpu.dma_semaphore, #tpu.memory_space<semaphore_mem>>) src(%dma_wait3A_81 : memref<1x1024xi32, #tpu.memory_space<any>>) dst(%arg10 : memref<1x1024xi32, #tpu.memory_space<vmem>>)
      %get3A_82 = arith.constant 0 : index
      %get3A_83 = arith.constant 0 : index
      %get3A_84 = vector.load %arg10[%get3A_82, %get3A_83] : memref<1x1024xi32, #tpu.memory_space<vmem>>, vector<1x1024xi32>
      %broadcast_in_dim3A_85 = vector.shape_cast %get3A_84 : vector<1x1024xi32> to vector<1x1024xi32>
      %broadcast_in_dim3A_86 = vector.broadcast %broadcast_in_dim3A_85 : vector<1x1024xi32> to vector<256x1024xi32>
      %iota3A = tpu.iota {dimensions = array<i32: 0>} : vector<256x1024xi32>
      %add3A_87 = vector.broadcast %mul3A_29 : i32 to vector<256x1024xi32>
      %add3A_88 = arith.addi %iota3A, %add3A_87 : vector<256x1024xi32>
      %eq3A = arith.cmpi eq, %add3A_88, %broadcast_in_dim3A_86 : vector<256x1024xi32>
      %jit3A_89 = arith.constant 1.000000e+00 : f32
      %jit3A_90 = arith.constant 0.000000e+00 : f32
      %broadcast_in_dim3A_91 = vector.broadcast %jit3A_89 : f32 to vector<256x1024xf32>
      %broadcast_in_dim3A_92 = vector.broadcast %jit3A_90 : f32 to vector<256x1024xf32>
      %select_n3A_93 = arith.select %eq3A, %broadcast_in_dim3A_91, %broadcast_in_dim3A_92 : vector<256x1024xi1>, vector<256x1024xf32>
      %dma_wait3A_94 = arith.constant 0 : i32
      %dma_wait3A_95 = tpu.memref_slice %arg3[%mul3A_76, %dma_wait3A_94] : memref<163840x512xf32, #tpu.memory_space<any>> -> memref<1024x512xf32, #tpu.memory_space<any>>
      tpu.wait_dma2 semaphore(%arg14 : memref<!tpu.dma_semaphore, #tpu.memory_space<semaphore_mem>>) src(%dma_wait3A_95 : memref<1024x512xf32, #tpu.memory_space<any>>) dst(%arg11 : memref<1024x512xf32, #tpu.memory_space<vmem>>)
      %get3A_96 = arith.constant 0 : index
      %get3A_97 = arith.constant 0 : index
      %get3A_98 = vector.load %arg12[%get3A_96, %get3A_97] : memref<256x512xf32, #tpu.memory_space<vmem>>, vector<256x512xf32>
      %get3A_99 = arith.constant 0 : index
      %get3A_100 = arith.constant 0 : index
      %get3A_101 = vector.load %arg11[%get3A_99, %get3A_100] : memref<1024x512xf32, #tpu.memory_space<vmem>>, vector<1024x512xf32>
      %dot_general3A_102 = arith.constant dense<0.000000e+00> : vector<256x512xf32>
      %dot_general3A_103 = tpu.matmul %select_n3A_93, %get3A_101, %dot_general3A_102 {dimension_numbers = #tpu.dot_dimension_numbers<[1], [0], [0], [1], [0, 0, 1, 1], [], []>, transpose_lhs_hint = false} : vector<256x1024xf32>, vector<1024x512xf32>, vector<256x512xf32> -> vector<256x512xf32>
      %add3A_104 = arith.addf %get3A_98, %dot_general3A_103 : vector<256x512xf32>
      %swap3A_105 = arith.constant 0 : index
      %swap3A_106 = arith.constant 0 : index
      %swap3A_107 = vector.load %arg12[%swap3A_105, %swap3A_106] : memref<256x512xf32, #tpu.memory_space<vmem>>, vector<256x512xf32>
      tpu.vector_store %arg12[%swap3A_105, %swap3A_106], %add3A_104 {strides = array<i32>} : memref<256x512xf32, #tpu.memory_space<vmem>>, vector<256x512xf32>,
    }
    %get3A_38 = arith.constant 0 : index
    %get3A_39 = arith.constant 0 : index
    %get3A_40 = vector.load %arg5[%get3A_38, %get3A_39] : memref<256x128xf32, #tpu.memory_space<vmem>>, vector<256x1xf32>
    %get3A_41 = arith.constant 0 : index
    %get3A_42 = arith.constant 0 : index
    %get3A_43 = vector.load %arg12[%get3A_41, %get3A_42] : memref<256x512xf32, #tpu.memory_space<vmem>>, vector<256x512xf32>
    %get3A_44 = arith.constant 0 : index
    %get3A_45 = arith.constant 0 : index
    %get3A_46 = vector.load %arg4[%get3A_44, %get3A_45] : memref<256x512xf32, #tpu.memory_space<vmem>>, vector<256x512xf32>
    %add3A_47 = arith.addf %get3A_43, %get3A_46 : vector<256x512xf32>
    %mul3A_48 = vector.broadcast %get3A_40 : vector<256x1xf32> to vector<256x512xf32>
    %mul3A_49 = arith.mulf %mul3A_48, %add3A_47 : vector<256x512xf32>
    %get3A_50 = arith.constant 0 : index
    %get3A_51 = arith.constant 0 : index
    %get3A_52 = vector.load %arg6[%get3A_50, %get3A_51] : memref<512x512xf32, #tpu.memory_space<vmem>>, vector<512x512xf32>
    %dot_general3A = arith.constant dense<0.000000e+00> : vector<256x512xf32>
    %dot_general3A_53 = tpu.matmul %mul3A_49, %get3A_52, %dot_general3A {dimension_numbers = #tpu.dot_dimension_numbers<[1], [0], [0], [1], [0, 0, 1, 1], [], []>, transpose_lhs_hint = false} : vector<256x512xf32>, vector<512x512xf32>, vector<256x512xf32> -> vector<256x512xf32>
    %get3A_54 = arith.constant 0 : index
    %get3A_55 = arith.constant 0 : index
    %get3A_56 = vector.load %arg7[%get3A_54, %get3A_55] : memref<1x512xf32, #tpu.memory_space<vmem>>, vector<1x512xf32>
    %add3A_57 = vector.broadcast %get3A_56 : vector<1x512xf32> to vector<256x512xf32>
    %add3A_58 = arith.addf %dot_general3A_53, %add3A_57 : vector<256x512xf32>
    %max3A = arith.constant 0.000000e+00 : f32
    %max3A_59 = vector.broadcast %max3A : f32 to vector<256x512xf32>
    %max3A_60 = arith.maximumf %add3A_58, %max3A_59 : vector<256x512xf32>
    %mul3A_61 = vector.broadcast %get3A_40 : vector<256x1xf32> to vector<256x512xf32>
    %mul3A_62 = arith.mulf %mul3A_61, %max3A_60 : vector<256x512xf32>
    %get3A_63 = arith.constant 0 : index
    %get3A_64 = arith.constant 0 : index
    %get3A_65 = vector.load %arg8[%get3A_63, %get3A_64] : memref<512x256xf32, #tpu.memory_space<vmem>>, vector<512x256xf32>
    %dot_general3A_66 = arith.constant dense<0.000000e+00> : vector<256x256xf32>
    %dot_general3A_67 = tpu.matmul %mul3A_62, %get3A_65, %dot_general3A_66 {dimension_numbers = #tpu.dot_dimension_numbers<[1], [0], [0], [1], [0, 0, 1, 1], [], []>, transpose_lhs_hint = false} : vector<256x512xf32>, vector<512x256xf32>, vector<256x256xf32> -> vector<256x256xf32>
    %swap3A_68 = arith.constant 0 : index
    %swap3A_69 = arith.constant 0 : index
    %swap3A_70 = vector.load %arg9[%swap3A_68, %swap3A_69] : memref<256x256xf32, #tpu.memory_space<vmem>>, vector<256x256xf32>
    tpu.vector_store %arg9[%swap3A_68, %swap3A_69], %dot_general3A_67 {strides = array<i32>} : memref<256x256xf32, #tpu.memory_space<vmem>>, vector<256x256xf32>,
    return
  }
  func.func @transform_0(%arg0: i32) -> i32 {
    %c0_i32 = arith.constant 0 : i32
    %c0_i32_0 = arith.constant 0 : i32
    return %c0_i32 : i32
  }
  func.func @transform_3(%arg0: i32) -> (i32, i32) {
    %c0_i32 = arith.constant 0 : i32
    %c0_i32_0 = arith.constant 0 : i32
    return %arg0, %c0_i32 : i32, i32
  }
  func.func @transform_4(%arg0: i32) -> (i32, i32) {
    %c0_i32 = arith.constant 0 : i32
    %c0_i32_0 = arith.constant 0 : i32
    return %arg0, %c0_i32 : i32, i32
  }
  func.func @transform_5(%arg0: i32) -> (i32, i32) {
    %c0_i32 = arith.constant 0 : i32
    %c0_i32_0 = arith.constant 0 : i32
    %c0_i32_1 = arith.constant 0 : i32
    return %c0_i32, %c0_i32_0 : i32, i32
  }
  func.func @transform_6(%arg0: i32) -> (i32, i32) {
    %c0_i32 = arith.constant 0 : i32
    %c0_i32_0 = arith.constant 0 : i32
    %c0_i32_1 = arith.constant 0 : i32
    return %c0_i32, %c0_i32_0 : i32, i32
  }
  func.func @transform_7(%arg0: i32) -> (i32, i32) {
    %c0_i32 = arith.constant 0 : i32
    %c0_i32_0 = arith.constant 0 : i32
    %c0_i32_1 = arith.constant 0 : i32
    return %c0_i32, %c0_i32_0 : i32, i32
  }
  func.func @transform_8(%arg0: i32) -> (i32, i32) {
    %c0_i32 = arith.constant 0 : i32
    %c0_i32_0 = arith.constant 0 : i32
    return %arg0, %c0_i32 : i32, i32
  }
}

module attributes {stable_mosaic.version = 14 : i64} {
  func.func @_l3_body(%arg0: i32, %arg1: memref<41xi32, #tpu.memory_space<smem>>, %arg2: memref<160x1x1024xi32, #tpu.memory_space<any>>, %arg3: memref<163840x256xf32, #tpu.memory_space<any>>, %arg4: memref<256x256xf32, #tpu.memory_space<vmem>>, %arg5: memref<256x128xf32, #tpu.memory_space<vmem>>, %arg6: memref<1x256xf32, #tpu.memory_space<vmem>>, %arg7: memref<256x256xf32, #tpu.memory_space<vmem>>, %arg8: memref<1x1024xi32, #tpu.memory_space<vmem>>, %arg9: memref<1024x256xf32, #tpu.memory_space<vmem>>, %arg10: memref<256x256xf32, #tpu.memory_space<vmem>>, %arg11: memref<!tpu.dma_semaphore, #tpu.memory_space<semaphore_mem>>, %arg12: memref<!tpu.dma_semaphore, #tpu.memory_space<semaphore_mem>>) attributes {dimension_semantics = [#tpu.dimension_semantics<arbitrary>], iteration_bounds = array<i64: 40>, scalar_prefetch = 0 : i64, scratch_operands = 5 : i64, tpu.core_type = #tpu.core_type<tc>, window_params = [{transform_indices = @transform_0, window_bounds = array<i64: 41>}, {}, {}, {transform_indices = @transform_3, window_bounds = array<i64: 256, 256>}, {transform_indices = @transform_4, window_bounds = array<i64: 256, 128>}, {pipeline_mode = #tpu.pipeline_mode<synchronous>, transform_indices = @transform_5, window_bounds = array<i64: 1, 256>}, {transform_indices = @transform_6, window_bounds = array<i64: 256, 256>}]} {
    %broadcast_in_dim3A = arith.constant 0.000000e+00 : f32
    %broadcast_in_dim3A_0 = vector.broadcast %broadcast_in_dim3A : f32 to vector<256x256xf32>
    %swap3A = arith.constant 0 : index
    %swap3A_1 = arith.constant 0 : index
    %swap3A_2 = vector.load %arg10[%swap3A, %swap3A_1] : memref<256x256xf32, #tpu.memory_space<vmem>>, vector<256x256xf32>
    tpu.vector_store %arg10[%swap3A, %swap3A_1], %broadcast_in_dim3A_0 {strides = array<i32>} : memref<256x256xf32, #tpu.memory_space<vmem>>, vector<256x256xf32>,
    %get3A = arith.index_cast %arg0 : i32 to index
    %get3A_3 = memref.load %arg1[%get3A] : memref<41xi32, #tpu.memory_space<smem>>
    %add3A = arith.constant 1 : i32
    %add3A_4 = arith.addi %arg0, %add3A : i32
    %get3A_5 = arith.index_cast %add3A_4 : i32 to index
    %get3A_6 = memref.load %arg1[%get3A_5] : memref<41xi32, #tpu.memory_space<smem>>
    %jit3A = arith.constant 1024 : i32
    %div3A = arith.divsi %get3A_3, %jit3A : i32
    %sign3A = arith.constant 0 : i32
    %sign3A_7 = arith.cmpi sgt, %get3A_3, %sign3A : i32
    %sign3A_8 = arith.extui %sign3A_7 : i1 to i32
    %sign3A_9 = arith.constant 0 : i32
    %sign3A_10 = arith.cmpi slt, %get3A_3, %sign3A_9 : i32
    %sign3A_11 = arith.extui %sign3A_10 : i1 to i32
    %sign3A_12 = arith.subi %sign3A_8, %sign3A_11 : i32
    %sign3A_13 = arith.constant 0 : i32
    %sign3A_14 = arith.cmpi sgt, %jit3A, %sign3A_13 : i32
    %sign3A_15 = arith.extui %sign3A_14 : i1 to i32
    %sign3A_16 = arith.constant 0 : i32
    %sign3A_17 = arith.cmpi slt, %jit3A, %sign3A_16 : i32
    %sign3A_18 = arith.extui %sign3A_17 : i1 to i32
    %sign3A_19 = arith.subi %sign3A_15, %sign3A_18 : i32
    %ne3A = arith.cmpi ne, %sign3A_12, %sign3A_19 : i32
    %rem3A = arith.remsi %get3A_3, %jit3A : i32
    %ne3A_20 = arith.constant 0 : i32
    %ne3A_21 = arith.cmpi ne, %rem3A, %ne3A_20 : i32
    %and3A = arith.andi %ne3A, %ne3A_21 : i1
    %sub3A = arith.constant 1 : i32
    %sub3A_22 = arith.subi %div3A, %sub3A : i32
    %select_n3A = arith.select %and3A, %sub3A_22, %div3A : i32
    %add3A_23 = arith.constant 1024 : i32
    %add3A_24 = arith.addi %get3A_6, %add3A_23 : i32
    %sub3A_25 = arith.constant 1 : i32
    %sub3A_26 = arith.subi %add3A_24, %sub3A_25 : i32
    %div3A_27 = arith.constant 1024 : i32
    %div3A_28 = arith.divsi %sub3A_26, %div3A_27 : i32
    %mul3A = arith.constant 256 : i32
    %mul3A_29 = arith.muli %arg0, %mul3A : i32
    %while3A = arith.constant 0 : i32
    %while3A_30 = arith.subi %div3A_28, %select_n3A : i32
    %while3A_31 = arith.addi %select_n3A, %while3A_30 : i32
    %while3A_32 = arith.constant 1 : i32
    %while3A_33 = arith.divsi %while3A_30, %while3A_32 : i32
    %while3A_34 = arith.muli %while3A_33, %while3A_32 : i32
    %while3A_35 = arith.addi %select_n3A, %while3A_34 : i32
    %while3A_36 = arith.constant 1 : i32
    scf.for %while3A_58 = %select_n3A to %while3A_35 step %while3A_36  : i32 {
      %dma_start3A = arith.constant 0 : i32
      %dma_start3A_59 = arith.constant 0 : i32
      %dma_start3A_60 = tpu.memref_slice %arg2[%while3A_58, %dma_start3A, %dma_start3A_59] : memref<160x1x1024xi32, #tpu.memory_space<any>> -> memref<1x1x1024xi32, #tpu.memory_space<any>>
      %dma_start3A_61 = tpu.memref_squeeze %dma_start3A_60 : memref<1x1x1024xi32, #tpu.memory_space<any>> -> memref<1x1024xi32, #tpu.memory_space<any>>
      tpu.enqueue_dma source(%dma_start3A_61 : memref<1x1024xi32, #tpu.memory_space<any>>) target(%arg8 : memref<1x1024xi32, #tpu.memory_space<vmem>>) target_semaphore(%arg11 : memref<!tpu.dma_semaphore, #tpu.memory_space<semaphore_mem>>)
      %mul3A_62 = arith.constant 1024 : i32
      %mul3A_63 = arith.muli %while3A_58, %mul3A_62 : i32
      %dma_start3A_64 = arith.constant 0 : i32
      %dma_start3A_65 = tpu.memref_slice %arg3[%mul3A_63, %dma_start3A_64] : memref<163840x256xf32, #tpu.memory_space<any>> -> memref<1024x256xf32, #tpu.memory_space<any>>
      tpu.enqueue_dma source(%dma_start3A_65 : memref<1024x256xf32, #tpu.memory_space<any>>) target(%arg9 : memref<1024x256xf32, #tpu.memory_space<vmem>>) target_semaphore(%arg12 : memref<!tpu.dma_semaphore, #tpu.memory_space<semaphore_mem>>)
      %dma_wait3A = arith.constant 0 : i32
      %dma_wait3A_66 = arith.constant 0 : i32
      %dma_wait3A_67 = tpu.memref_slice %arg2[%while3A_58, %dma_wait3A, %dma_wait3A_66] : memref<160x1x1024xi32, #tpu.memory_space<any>> -> memref<1x1x1024xi32, #tpu.memory_space<any>>
      %dma_wait3A_68 = tpu.memref_squeeze %dma_wait3A_67 : memref<1x1x1024xi32, #tpu.memory_space<any>> -> memref<1x1024xi32, #tpu.memory_space<any>>
      tpu.wait_dma2 semaphore(%arg11 : memref<!tpu.dma_semaphore, #tpu.memory_space<semaphore_mem>>) src(%dma_wait3A_68 : memref<1x1024xi32, #tpu.memory_space<any>>) dst(%arg8 : memref<1x1024xi32, #tpu.memory_space<vmem>>)
      %get3A_69 = arith.constant 0 : index
      %get3A_70 = arith.constant 0 : index
      %get3A_71 = vector.load %arg8[%get3A_69, %get3A_70] : memref<1x1024xi32, #tpu.memory_space<vmem>>, vector<1x1024xi32>
      %broadcast_in_dim3A_72 = vector.shape_cast %get3A_71 : vector<1x1024xi32> to vector<1x1024xi32>
      %broadcast_in_dim3A_73 = vector.broadcast %broadcast_in_dim3A_72 : vector<1x1024xi32> to vector<256x1024xi32>
      %iota3A = tpu.iota {dimensions = array<i32: 0>} : vector<256x1024xi32>
      %add3A_74 = vector.broadcast %mul3A_29 : i32 to vector<256x1024xi32>
      %add3A_75 = arith.addi %iota3A, %add3A_74 : vector<256x1024xi32>
      %eq3A = arith.cmpi eq, %add3A_75, %broadcast_in_dim3A_73 : vector<256x1024xi32>
      %jit3A_76 = arith.constant 1.000000e+00 : f32
      %jit3A_77 = arith.constant 0.000000e+00 : f32
      %broadcast_in_dim3A_78 = vector.broadcast %jit3A_76 : f32 to vector<256x1024xf32>
      %broadcast_in_dim3A_79 = vector.broadcast %jit3A_77 : f32 to vector<256x1024xf32>
      %select_n3A_80 = arith.select %eq3A, %broadcast_in_dim3A_78, %broadcast_in_dim3A_79 : vector<256x1024xi1>, vector<256x1024xf32>
      %dma_wait3A_81 = arith.constant 0 : i32
      %dma_wait3A_82 = tpu.memref_slice %arg3[%mul3A_63, %dma_wait3A_81] : memref<163840x256xf32, #tpu.memory_space<any>> -> memref<1024x256xf32, #tpu.memory_space<any>>
      tpu.wait_dma2 semaphore(%arg12 : memref<!tpu.dma_semaphore, #tpu.memory_space<semaphore_mem>>) src(%dma_wait3A_82 : memref<1024x256xf32, #tpu.memory_space<any>>) dst(%arg9 : memref<1024x256xf32, #tpu.memory_space<vmem>>)
      %get3A_83 = arith.constant 0 : index
      %get3A_84 = arith.constant 0 : index
      %get3A_85 = vector.load %arg10[%get3A_83, %get3A_84] : memref<256x256xf32, #tpu.memory_space<vmem>>, vector<256x256xf32>
      %get3A_86 = arith.constant 0 : index
      %get3A_87 = arith.constant 0 : index
      %get3A_88 = vector.load %arg9[%get3A_86, %get3A_87] : memref<1024x256xf32, #tpu.memory_space<vmem>>, vector<1024x256xf32>
      %dot_general3A = arith.constant dense<0.000000e+00> : vector<256x256xf32>
      %dot_general3A_89 = tpu.matmul %select_n3A_80, %get3A_88, %dot_general3A {dimension_numbers = #tpu.dot_dimension_numbers<[1], [0], [0], [1], [0, 0, 1, 1], [], []>, transpose_lhs_hint = false} : vector<256x1024xf32>, vector<1024x256xf32>, vector<256x256xf32> -> vector<256x256xf32>
      %add3A_90 = arith.addf %get3A_85, %dot_general3A_89 : vector<256x256xf32>
      %swap3A_91 = arith.constant 0 : index
      %swap3A_92 = arith.constant 0 : index
      %swap3A_93 = vector.load %arg10[%swap3A_91, %swap3A_92] : memref<256x256xf32, #tpu.memory_space<vmem>>, vector<256x256xf32>
      tpu.vector_store %arg10[%swap3A_91, %swap3A_92], %add3A_90 {strides = array<i32>} : memref<256x256xf32, #tpu.memory_space<vmem>>, vector<256x256xf32>,
    }
    %while3A_37 = arith.constant 1 : i32
    scf.for %while3A_58 = %while3A_35 to %while3A_31 step %while3A_37  : i32 {
      %dma_start3A = arith.constant 0 : i32
      %dma_start3A_59 = arith.constant 0 : i32
      %dma_start3A_60 = tpu.memref_slice %arg2[%while3A_58, %dma_start3A, %dma_start3A_59] : memref<160x1x1024xi32, #tpu.memory_space<any>> -> memref<1x1x1024xi32, #tpu.memory_space<any>>
      %dma_start3A_61 = tpu.memref_squeeze %dma_start3A_60 : memref<1x1x1024xi32, #tpu.memory_space<any>> -> memref<1x1024xi32, #tpu.memory_space<any>>
      tpu.enqueue_dma source(%dma_start3A_61 : memref<1x1024xi32, #tpu.memory_space<any>>) target(%arg8 : memref<1x1024xi32, #tpu.memory_space<vmem>>) target_semaphore(%arg11 : memref<!tpu.dma_semaphore, #tpu.memory_space<semaphore_mem>>)
      %mul3A_62 = arith.constant 1024 : i32
      %mul3A_63 = arith.muli %while3A_58, %mul3A_62 : i32
      %dma_start3A_64 = arith.constant 0 : i32
      %dma_start3A_65 = tpu.memref_slice %arg3[%mul3A_63, %dma_start3A_64] : memref<163840x256xf32, #tpu.memory_space<any>> -> memref<1024x256xf32, #tpu.memory_space<any>>
      tpu.enqueue_dma source(%dma_start3A_65 : memref<1024x256xf32, #tpu.memory_space<any>>) target(%arg9 : memref<1024x256xf32, #tpu.memory_space<vmem>>) target_semaphore(%arg12 : memref<!tpu.dma_semaphore, #tpu.memory_space<semaphore_mem>>)
      %dma_wait3A = arith.constant 0 : i32
      %dma_wait3A_66 = arith.constant 0 : i32
      %dma_wait3A_67 = tpu.memref_slice %arg2[%while3A_58, %dma_wait3A, %dma_wait3A_66] : memref<160x1x1024xi32, #tpu.memory_space<any>> -> memref<1x1x1024xi32, #tpu.memory_space<any>>
      %dma_wait3A_68 = tpu.memref_squeeze %dma_wait3A_67 : memref<1x1x1024xi32, #tpu.memory_space<any>> -> memref<1x1024xi32, #tpu.memory_space<any>>
      tpu.wait_dma2 semaphore(%arg11 : memref<!tpu.dma_semaphore, #tpu.memory_space<semaphore_mem>>) src(%dma_wait3A_68 : memref<1x1024xi32, #tpu.memory_space<any>>) dst(%arg8 : memref<1x1024xi32, #tpu.memory_space<vmem>>)
      %get3A_69 = arith.constant 0 : index
      %get3A_70 = arith.constant 0 : index
      %get3A_71 = vector.load %arg8[%get3A_69, %get3A_70] : memref<1x1024xi32, #tpu.memory_space<vmem>>, vector<1x1024xi32>
      %broadcast_in_dim3A_72 = vector.shape_cast %get3A_71 : vector<1x1024xi32> to vector<1x1024xi32>
      %broadcast_in_dim3A_73 = vector.broadcast %broadcast_in_dim3A_72 : vector<1x1024xi32> to vector<256x1024xi32>
      %iota3A = tpu.iota {dimensions = array<i32: 0>} : vector<256x1024xi32>
      %add3A_74 = vector.broadcast %mul3A_29 : i32 to vector<256x1024xi32>
      %add3A_75 = arith.addi %iota3A, %add3A_74 : vector<256x1024xi32>
      %eq3A = arith.cmpi eq, %add3A_75, %broadcast_in_dim3A_73 : vector<256x1024xi32>
      %jit3A_76 = arith.constant 1.000000e+00 : f32
      %jit3A_77 = arith.constant 0.000000e+00 : f32
      %broadcast_in_dim3A_78 = vector.broadcast %jit3A_76 : f32 to vector<256x1024xf32>
      %broadcast_in_dim3A_79 = vector.broadcast %jit3A_77 : f32 to vector<256x1024xf32>
      %select_n3A_80 = arith.select %eq3A, %broadcast_in_dim3A_78, %broadcast_in_dim3A_79 : vector<256x1024xi1>, vector<256x1024xf32>
      %dma_wait3A_81 = arith.constant 0 : i32
      %dma_wait3A_82 = tpu.memref_slice %arg3[%mul3A_63, %dma_wait3A_81] : memref<163840x256xf32, #tpu.memory_space<any>> -> memref<1024x256xf32, #tpu.memory_space<any>>
      tpu.wait_dma2 semaphore(%arg12 : memref<!tpu.dma_semaphore, #tpu.memory_space<semaphore_mem>>) src(%dma_wait3A_82 : memref<1024x256xf32, #tpu.memory_space<any>>) dst(%arg9 : memref<1024x256xf32, #tpu.memory_space<vmem>>)
      %get3A_83 = arith.constant 0 : index
      %get3A_84 = arith.constant 0 : index
      %get3A_85 = vector.load %arg10[%get3A_83, %get3A_84] : memref<256x256xf32, #tpu.memory_space<vmem>>, vector<256x256xf32>
      %get3A_86 = arith.constant 0 : index
      %get3A_87 = arith.constant 0 : index
      %get3A_88 = vector.load %arg9[%get3A_86, %get3A_87] : memref<1024x256xf32, #tpu.memory_space<vmem>>, vector<1024x256xf32>
      %dot_general3A = arith.constant dense<0.000000e+00> : vector<256x256xf32>
      %dot_general3A_89 = tpu.matmul %select_n3A_80, %get3A_88, %dot_general3A {dimension_numbers = #tpu.dot_dimension_numbers<[1], [0], [0], [1], [0, 0, 1, 1], [], []>, transpose_lhs_hint = false} : vector<256x1024xf32>, vector<1024x256xf32>, vector<256x256xf32> -> vector<256x256xf32>
      %add3A_90 = arith.addf %get3A_85, %dot_general3A_89 : vector<256x256xf32>
      %swap3A_91 = arith.constant 0 : index
      %swap3A_92 = arith.constant 0 : index
      %swap3A_93 = vector.load %arg10[%swap3A_91, %swap3A_92] : memref<256x256xf32, #tpu.memory_space<vmem>>, vector<256x256xf32>
      tpu.vector_store %arg10[%swap3A_91, %swap3A_92], %add3A_90 {strides = array<i32>} : memref<256x256xf32, #tpu.memory_space<vmem>>, vector<256x256xf32>,
    }
    %get3A_38 = arith.constant 0 : index
    %get3A_39 = arith.constant 0 : index
    %get3A_40 = vector.load %arg5[%get3A_38, %get3A_39] : memref<256x128xf32, #tpu.memory_space<vmem>>, vector<256x1xf32>
    %get3A_41 = arith.constant 0 : index
    %get3A_42 = arith.constant 0 : index
    %get3A_43 = vector.load %arg10[%get3A_41, %get3A_42] : memref<256x256xf32, #tpu.memory_space<vmem>>, vector<256x256xf32>
    %get3A_44 = arith.constant 0 : index
    %get3A_45 = arith.constant 0 : index
    %get3A_46 = vector.load %arg4[%get3A_44, %get3A_45] : memref<256x256xf32, #tpu.memory_space<vmem>>, vector<256x256xf32>
    %add3A_47 = arith.addf %get3A_43, %get3A_46 : vector<256x256xf32>
    %mul3A_48 = vector.broadcast %get3A_40 : vector<256x1xf32> to vector<256x256xf32>
    %mul3A_49 = arith.mulf %mul3A_48, %add3A_47 : vector<256x256xf32>
    %get3A_50 = arith.constant 0 : index
    %get3A_51 = arith.constant 0 : index
    %get3A_52 = vector.load %arg6[%get3A_50, %get3A_51] : memref<1x256xf32, #tpu.memory_space<vmem>>, vector<1x256xf32>
    %add3A_53 = vector.broadcast %get3A_52 : vector<1x256xf32> to vector<256x256xf32>
    %add3A_54 = arith.addf %mul3A_49, %add3A_53 : vector<256x256xf32>
    %swap3A_55 = arith.constant 0 : index
    %swap3A_56 = arith.constant 0 : index
    %swap3A_57 = vector.load %arg7[%swap3A_55, %swap3A_56] : memref<256x256xf32, #tpu.memory_space<vmem>>, vector<256x256xf32>
    tpu.vector_store %arg7[%swap3A_55, %swap3A_56], %add3A_54 {strides = array<i32>} : memref<256x256xf32, #tpu.memory_space<vmem>>, vector<256x256xf32>,
    return
  }
  func.func @transform_0(%arg0: i32) -> i32 {
    %c0_i32 = arith.constant 0 : i32
    %c0_i32_0 = arith.constant 0 : i32
    return %c0_i32 : i32
  }
  func.func @transform_3(%arg0: i32) -> (i32, i32) {
    %c0_i32 = arith.constant 0 : i32
    %c0_i32_0 = arith.constant 0 : i32
    return %arg0, %c0_i32 : i32, i32
  }
  func.func @transform_4(%arg0: i32) -> (i32, i32) {
    %c0_i32 = arith.constant 0 : i32
    %c0_i32_0 = arith.constant 0 : i32
    return %arg0, %c0_i32 : i32, i32
  }
  func.func @transform_5(%arg0: i32) -> (i32, i32) {
    %c0_i32 = arith.constant 0 : i32
    %c0_i32_0 = arith.constant 0 : i32
    %c0_i32_1 = arith.constant 0 : i32
    return %c0_i32, %c0_i32_0 : i32, i32
  }
  func.func @transform_6(%arg0: i32) -> (i32, i32) {
    %c0_i32 = arith.constant 0 : i32
    %c0_i32_0 = arith.constant 0 : i32
    return %arg0, %c0_i32 : i32, i32
  }
}

</mosaic_0001>

<sc_bundles>
// kernel: gather_offload_async_start.1
scs
__scs_entry_jumppad:
0x0: {  	(pc) =	sbr.rel $0x88, $3  }
0x1: {  	(tag) =	ssettag $0x0;
	lr =	simm.s32 $0x1  }
0x2: {  	[smem:$0x3F99] =	sst lr;
	_ =	strace $0xD0000000  }
0x3: {  	_ = 	snop  }
0x4: {  	_ = 	snop  }
0x5: {  	_ = 	snop  }
0x6: {  	_ = 	snop  }
0x7: {  	_ = 	snop  }
__scs_overlays_trampoline_lowered:
0x8: {  	[smem:$0x3FA8] =	sst s0  }
0x9: {  	[smem:$0x3FA9] =	sst s1  }
0xa: {  	[smem:$0x3FAA] =	sst s2  }
0xb: {  	[smem:$0x3FAB] =	sst s3  }
0xc: {  	[smem:$0x3FAC] =	sst s4  }
0xd: {  	[smem:$0x3FAD] =	sst s5  }
0xe: {  	[smem:$0x3FAE] =	sst s6  }
0xf: {  	[smem:$0x3FAF] =	sst s7  }
0x10: {  	[smem:$0x3FB0] =	sst s8  }
0x11: {  	[smem:$0x3FB1] =	sst s9;
	s0 =	simm.s32 @!p0 $0x0  }
0x12: {  	s1 =	sld [smem:$0x3F97];
	s0 =	simm.s32 @p0 $0x1  }
0x13: {  	[smem:$0x3FB2] =	sst s0;
	s0 =	simm.s32 @!p1 $0x0  }
0x14: {  	s2 =	sld [smem:$0x3F96];
	s0 =	simm.s32 @p1 $0x1  }
0x15: {  	[smem:$0x3FB3] =	sst s0;
	s0 =	simm.s32 @!p2 $0x0  }
0x16: {  	s3 =	sld [smem:$0x3FDB];
	s0 =	simm.s32 @p2 $0x1  }
0x17: {  	s4 =	simm.s32 $0x1BF5;
	[smem:$0x3FB5] =	sst s0  }
0x18: {  	s0 =	sld [smem:$0x3F98];
	_ =	swait.ge [sflag:s4], $0x0  }
0x19: {  	s7 =	sld [smem:$0x3F99]  }
0x1a: {  	s8 =	sadd.s32 $0xFFFFE003, lr  }
0x1b: {  	s9 =	sadd.s32 $0xFFFFFEF7, lr;
	s5 =	simm.s32 $0xFFFFFFFF;
	p2 =	slt.u32 s8, $0xFFFFF086  }
0x1c: {  	p1 =	slt.u32 s9, $0xF7A;
	s5 =	simm.s32 @!p2 $0x0  }
0x1d: {  	s5 =	simm.s32 @p1 $0x1;
	p0 =	seq.s32 s7, s2  }
0x1e: {  	s7 =	smul.u32 @!p0 $0xF7A, s2;
	p2 =	seq.s32 @!p0 s5, $0x0  }
0x1f: {  	s9 =	smul.u32 $0xF7A, s1;
	s8 =	simm.s32 @!p0 $0x1BF5;
	p2 =	por !p2, p0  }
0x20: {  	[sflag:s8] =	ssyncset.s32 @!p0 $0xFFFFF086;
	s6 =	sadd.s32 @!p0 s3, s7;
	s7 =	simm.s32 @!p0 $0x108  }
0x21: {  	s3 =	sadd.s32 s3, s9;
	s6 =	sadd.s32 @!p0 $0x88, s6;
	s7 =	simm.s32 @p2 $0x1082  }
0x22: {  	[simem:s7], [sflag:s8] =	dma.local @!p0 [hbm:s6], $0xF7A  }
0x23: {  	s9 =	sor.u32 $0xD0000000, s2;
	s6 =	simm.s32 $0x108;
	_ =	swait.ge @!p0 [sflag:s8], $0x0  }
0x24: {  	s3 =	sadd.s32 $0x88, s3;
	s6 =	simm.s32 @!p1 $0x1082;
	[sflag:s4] =	ssyncset.s32 $0xFFFFF086  }
0x25: {  	[simem:s6], [sflag:s4] =	dma.local [hbm:s3], $0xF7A  }
0x26: {  	[smem:$0x3F99] =	sst s1;
	(tag) =	ssettag s2;
	_ =	strace s9  }
0x27: {  	s1 =	sld [smem:$0x3FA9]  }
0x28: {  	s2 =	sld [smem:$0x3FAA]  }
0x29: {  	s4 =	sld [smem:$0x3FAC]  }
0x2a: {  	p0 =	seq.s32 s5, $0x0;
	s5 =	sld [smem:$0x3FAD]  }
0x2b: {  	s6 =	sld [smem:$0x3FAE]  }
0x2c: {  	s7 =	sld [smem:$0x3FAF]  }
0x2d: {  	s3 =	simm.s32 $0x108;
	s8 =	sld [smem:$0x3FB0]  }
0x2e: {  	s3 =	simm.s32 @!p0 $0x1082;
	s9 =	sld [smem:$0x3FB1]  }
0x2f: {  	lr =	sadd.s32 s0, s3;
	s0 =	sld [smem:$0x3FA8]  }
0x30: {  	s3 =	sld [smem:$0x3FAB]  }
0x31: {  	[smem:$0x3FB4] =	sst s10  }
0x32: {  	s10 =	sld [smem:$0x3FB2];
	_ =	sdelay $0x3  }
0x33: {  	p0 =	seq.s32 s10, $0x1;
	s10 =	sld [smem:$0x3FB4];
	_ =	sdelay $0x3  }
0x34: {  	[smem:$0x3FB4] =	sst s10  }
0x35: {  	s10 =	sld [smem:$0x3FB3];
	_ =	sdelay $0x3  }
0x36: {  	p1 =	seq.s32 s10, $0x1;
	s10 =	sld [smem:$0x3FB4];
	_ =	sdelay $0x3  }
0x37: {  	[smem:$0x3FB4] =	sst s10  }
0x38: {  	s10 =	sld [smem:$0x3FB5]  }
0x39: {  	_ = 	snop;
	(pc) =	sbr.ind lr, $3  }
0x3a: {  	_ = 	snop  }
0x3b: {  	_ = 	snop  }
0x3c: {  	p2 =	seq.s32 s10, $0x1;
	s10 =	sld [smem:$0x3FB4]  }
0x3d: {  	_ =	shalt  }
0x3e: {  	_ =	shalt  }
0x3f: {  	_ =	shalt  }
0x40: {  	_ =	shalt  }
0x41: {  	_ =	shalt  }
0x42: {  	_ =	shalt  }
0x43: {  	_ =	shalt  }
0x44: {  	_ =	shalt  }
0x45: {  	_ =	shalt  }
0x46: {  	_ =	shalt  }
0x47: {  	_ =	shalt  }
0x48: {  	_ =	shalt  }
0x49: {  	_ =	shalt  }
0x4a: {  	_ =	shalt  }
0x4b: {  	_ =	shalt  }
0x4c: {  	_ =	shalt  }
0x4d: {  	_ =	shalt  }
0x4e: {  	_ =	shalt  }
0x4f: {  	_ =	shalt  }
0x50: {  	_ =	shalt  }
0x51: {  	_ =	shalt  }
0x52: {  	_ =	shalt  }
0x53: {  	_ =	shalt  }
0x54: {  	_ =	shalt  }
0x55: {  	_ =	shalt  }
0x56: {  	_ =	shalt  }
0x57: {  	_ =	shalt  }
0x58: {  	_ =	shalt  }
0x59: {  	_ =	shalt  }
0x5a: {  	_ =	shalt  }
0x5b: {  	_ =	shalt  }
0x5c: {  	_ =	shalt  }
0x5d: {  	_ =	shalt  }
0x5e: {  	_ =	shalt  }
0x5f: {  	_ =	shalt  }
0x60: {  	_ =	shalt  }
0x61: {  	_ =	shalt  }
0x62: {  	_ =	shalt  }
0x63: {  	_ =	shalt  }
0x64: {  	_ =	shalt  }
0x65: {  	_ =	shalt  }
0x66: {  	_ =	shalt  }
0x67: {  	_ =	shalt  }
0x68: {  	_ =	shalt  }
0x69: {  	_ =	shalt  }
0x6a: {  	_ =	shalt  }
0x6b: {  	_ =	shalt  }
0x6c: {  	_ =	shalt  }
0x6d: {  	_ =	shalt  }
0x6e: {  	_ =	shalt  }
0x6f: {  	_ =	shalt  }
0x70: {  	_ =	shalt  }
0x71: {  	_ =	shalt  }
0x72: {  	_ =	shalt  }
0x73: {  	_ =	shalt  }
0x74: {  	_ =	shalt  }
0x75: {  	_ =	shalt  }
0x76: {  	_ =	shalt  }
0x77: {  	_ =	shalt  }
0x78: {  	_ =	shalt  }
0x79: {  	_ =	shalt  }
0x7a: {  	_ =	shalt  }
0x7b: {  	_ =	shalt  }
0x7c: {  	_ =	shalt  }
0x7d: {  	_ =	shalt  }
0x7e: {  	_ =	shalt  }
0x7f: {  	_ =	shalt  }
0x80: {  	_ =	shalt  }
0x81: {  	_ =	shalt  }
0x82: {  	_ =	shalt  }
0x83: {  	_ =	shalt  }
0x84: {  	_ =	shalt  }
0x85: {  	_ =	shalt  }
0x86: {  	_ =	shalt  }
0x87: {  	_ =	shalt  }
.Lfunc_end0:
.L_simem_size_0:
called_computation.1_lowered:
.L_overlay_start_0:
0x88: {  	s2 =	sld [smem:$0x3FD9]  }
0x89: {  	s3 =	sld [smem:$0x3FFE];
	_ =	sdelay $0x1  }
0x8a: {  	s1 =	srdreg.scid  }
0x8b: {  	s0 =	sand.u32 $0x1, s1  }
0x8c: {  	s16 =	sshll.u32 s0, $0xA;
	s2 =	sadd.s32 s3, s2  }
0x8d: {  	s2 =	sadd.s32 s2, s16  }
0x8e: {  	[smem:$0x3FC0] =	sst s2  }
0x8f: {  	_ = 	snop  }
0x90: {  	(tm) =	ssettm $0x1  }
0x91: {  	s17 =	sld [smem:$0x3FFB];
	_ =	sdelay $0x3  }
0x92: {  	_ =	strace s17  }
0x93: {  	s2 =	sld [smem:$0x3FFC];
	_ =	sdelay $0x3  }
0x94: {  	_ =	strace s2  }
0x95: {  	s2 =	sld [smem:$0x3FFD];
	_ =	sdelay $0x3  }
0x96: {  	_ =	strace s2  }
0x97: {  	_ =	strace $0x8FFFFFFF  }
0x98: {  	s18 =	sld [smem:$0x3FDB];
	_ =	sdelay $0x1  }
0x99: {  	s19 =	simm.s32 $_scs_section_size  }
0x9a: {  	s4 =	simm.s32 $_size__tile_overlayer_lowered;
	s5 =	simm.s32 $_tile_overlayer_lowered  }
0x9b: {  	s22 =	simm.s32 $0x1BFF;
	s21 =	sshll.u32 s5, $0x1;
	s2 =	sadd.s32 s19, s18  }
0x9c: {  	s6 =	simm.s32 $0x0;
	s20 =	sshll.u32 s4, $0x1;
	s4 =	sadd.s32 s21, s2  }
0x9d: {  	[timem:s6], [sflag:s22] =	dma.local [hbm:s4], s20  }
0x9e: {  	_ =	swait.ge [sflag:s22], s20  }
0x9f: {  	s3 =	ssub.s32 $0x0, s20;
	[sflag:s22] =	ssyncset.done $0x0  }
0xa0: {  	[sflag:s22] =	ssyncadd.s32 s3;
	_ =	sdelay $0x1  }
0xa1: {  	s23 =	simm.s32 $0x1B8B  }
0xa2: {  	_ =	swait.ge [sflag:s23], $0x1  }
0xa3: {  	[sflag:s23] =	ssyncset.done $0x0  }
0xa4: {  	s25 =	simm.s32 $0x1B8E;
	s24 =	sld [smem:$0x3FFE];
	[sflag:s23] =	ssyncadd.s32 $0xFFFFFFFF  }
0xa5: {  	s26 =	simm.s32 $execute0_lowered;
	[smem:$0x3FD2] =	sst s25  }
0xa6: {  	s4 =	sshll.u32 s26, $0x1;
	_ =	strace $0x80000049;
	[dreg:$0x1] =	wrdreg $0xFFFFFFFF  }
0xa7: {  	s28 =	simm.s32 $_size_execute0_lowered;
	s2 =	sadd.s32 s2, s4;
	[dreg:$0x0] =	wrdreg $0x0  }
0xa8: {  	s4 =	sshll.u32 s28, $0x1;
	[dreg:$0x2] =	wrdreg s2  }
0xa9: {  	[dreg:$0x3] =	wrdreg s4  }
0xaa: {  	[dreg:$0x4] =	wrdreg $0xC0  }
0xab: {  	_ =	task [dreg:s6], $0x5FFFF  }
0xac: {  	[dreg:$0x1] =	wrdreg $0xFFFFFFFF  }
0xad: {  	[dreg:$0x0] =	wrdreg $0x60  }
0xae: {  	[dreg:$0x2] =	wrdreg s24  }
0xaf: {  	[dreg:$0x3] =	wrdreg $0x9  }
0xb0: {  	_ =	task.clear_ibuf [dreg:s6], $0x4FFFF;
	_ =	strace $0x90000049  }
0xb1: {  	s29 =	simm.s32 $0x9;
	_ =	strace $0x8000004B  }
0xb2: {  	_ =	swait.ge [sflag:s29], $0x1  }
0xb3: {  	[sflag:s29] =	ssyncadd.s32 $0xFFFFFFFF  }
0xb4: {  	_ =	strace $0x9000004B  }
0xb5: {  	_ =	sfence  }
0xb6: {  	s30 =	sld [smem:$0x0];
	_ =	sdelay $0x2  }
0xb7: {  	s31 =	sshll.u32 s1, $0xD;
	s1 =	sshrl.u32 s1, $0x2  }
0xb8: {  	s3 =	sand.u32 $0x4000, s31;
	s1 =	sadd.s32 s1, s30  }
0xb9: {  	s0 =	sor.u32 s3, s0;
	s1 =	sshll.u32 s1, $0x11  }
0xba: {  	s0 =	sor.u32 s1, s0  }
0xbb: {  	s0 =	sadd.s32 $0x8F2B, s0  }
0xbc: {  	[sflag:s0] =	ssyncadd.remote.s32 $0x1  }
0xbd: {  	_ =	sfence.sel $0xFFFF  }
0xbe: {  	[dreg:$0x0] =	wrdreg $0xFFFFFFFF;
	(pc) =	sbr.abs _section_cstart, $3  }
0xbf: {  	[dreg:$0x1] =	wrdreg $0xFFFFFFFF  }
0xc0: {  	_ =	task.clear_ibuf [dreg:s6], $0x2FFFF;
	_ =	strace $0x9FFFFFFF  }
0xc1: {  	(tm) =	ssettm $0x7FFFFFFF  }
tec
execute0_lowered:
.L_overlay_start_1:
0x0: {  	(tag) =	ssettag $0x1  }
0x1: {  	s0 =	srdreg.scid;
	s5 =	rddreg [dreg:$0x0]  }
0x2: {  	s1 =	stileid.u32;
	s6 =	simm.s32 $0x1;
	s9 =	simm.s32 $0x1  }
0x3: {  	s10 =	simm.s32 $0x3;
	s13 =	simm.s32 $0x0;
	s2 =	sshll.u32 s0, $0xC  }
0x4: {  	s12 =	simm.s32 $0x0;
	s3 =	sshll.u32 s1, $0xD;
	s2 =	sand.u32 $0x1000, s2  }
0x5: {  	s0 =	rddreg [dreg:$0x1];
	_ =	strace $0x8000004A;
	s2 =	sor.u32 s3, s2  }
0x6: {  	s4 =	sadd.s32 $0x8A00, s5;
	[sflag:s6] =	ssyncpa.u1 $0x0;
	s8 =	ssub.s32 $0x28000, s2  }
.Ltmp0:
0x7: {  	s3 =	sadd.s32 $0x3A00, s5;
	s7 =	sand.u32 $0x1F000, s8;
	(pc) =	sbr.rel .LBB2_1-.Ltmp0, $4  }
0x8: {  	s5 =	sadd.s32 $0x62A00, s5;
	s11 =	smov.u32 s2;
	p0 =	sne.s32 s7, $0x0  }
0x9: {  	s8 =	sshrl.u32 s8, $0x11;
	s7 =	simm.s32 $0x2;
	s9 =	simm.s32 @!p0 $0x0  }
0xa: {  	[sflag:s7] =	ssyncpa.u1 $0x0;
	p0 =	por $0x0, $0x0;
	s8 =	sadd.s32 s9, s8  }
0xb: {  	vm0 =	vmmov $0xffff;
	[sflag:s10] =	ssyncpa.u1 $0x0;
	s10 =	simm.s32 $0x0;
	s9 =	sadd.s32 $0x1, s8  }
.LBB2_4:
0xc: {  	v2 =	vnsel vm1, $0x0, v2  }
0xd: {  	vm1 =	vgt.s32 v0, $0x0;
	v2 =	vmin.u32 v2, $0x27FFF  }
0xe: {  	v0 =	vnsel vm1, $0x0, v0  }
0xf: {  	v0 =	vmin.u32 v0, $0x27FFF  }
0x10: {  	[tilespmem:s15], [sflag:$0x1] =	stream.indirect_vreg.gather [hbm4b:s3+s10], $0x1, v1, vm0, $0x4038;
	[tilespmem:$0x4000] =	vst v63  }
0x11: {  	(ifvalue) =	ssetifvalue $0x7FFFFFFF  }
0x12: {  	[tilespmem:s16], [sflag:$0x1] =	stream.indirect_vreg.gather [hbm4b:s3+s10], $0x1, v2, vm0, $0x4038;
	[tilespmem:$0x4000] =	vst v63  }
0x13: {  	s29 =	sadd.s32 $0x10, s16;
	(ifvalue) =	ssetifvalue $0x7FFFFFFF  }
0x14: {  	[tilespmem:s29], [sflag:$0x1] =	stream.indirect_vreg.gather [hbm4b:s3+s10], $0x1, v0, vm0, $0x4038;
	[tilespmem:$0x4000] =	vst v63  }
0x15: {  	_ =	swait.ge [sflag:s6], $0x1000  }
0x16: {  	s30 =	sshrl.u32 s13, $0x3;
	[sflag:s6] =	ssyncset.done $0x0  }
0x17: {  	s31 =	sand.u32 $0x7, s13;
	s15 =	sadd.s32 s5, s30;
	[sflag:s6] =	ssyncadd.s32 $0xFFFFF000  }
0x18: {  	[hbm4b:s15+s31] =	stream.linear.scatter [tilespmem:s14], [sflag:$0x3], $0x1000, $0x38;
	[tilespmem:$0x4000] =	vst v63  }
.LBB2_5:
0x19: {  	s15 =	sadd.s32 $0x20000, s11  }
0x1a: {  	p2 =	sgt.s32 s15, $0x27FFF  }
0x1b: {  	s15 =	smov.u32 @p2 s2;
	p2 =	sne.s32 s12, s9  }
.Ltmp1:
0x1c: {  	p1 =	slt.u32 s12, $0x2;
	(pc) =	sbr.rel @!p2 .LBB2_6-.Ltmp1, $4  }
0x1d: {  	s14 =	simm.s32 @!p1 $0x3  }
0x1e: {  	s16 =	sadd.s32 $0x1, s12;
	_ =	swait.ge @!p1 [sflag:s14], $0x1000  }
0x1f: {  	s13 =	smov.u32 s11;
	p0 =	por !p0, !p0;
	[sflag:s14] =	ssyncset.done @!p1 $0x0  }
0x20: {  	s12 =	smov.u32 s16;
	s11 =	smov.u32 s15;
	[sflag:s14] =	ssyncadd.s32 @!p1 $0xFFFFF000  }
.LBB2_1:
0x21: {  	p1 =	sge.u32 s12, s8  }
0x22: {  	s14 =	sxor.u32 @!p1 $0xFFFFFFFF, s12  }
0x23: {  	s31 =	sadd.s32 $0xFFFFFFFF, s12;
	s15 =	sshrl.u32 @!p1 s11, $0x3;
	s14 =	sshll.u32 @!p1 s14, $0xC  }
0x24: {  	s16 =	sand.u32 @!p1 $0x7, s11;
	s15 =	sadd.s32 @!p1 s4, s15;
	s14 =	sand.u32 @!p1 $0x1000, s14  }
0x25: {  	[tilespmem:s14], [sflag:$0x2] =	stream.linear.gather @!p1 [hbm4b:s15+s16], $0x1000, $0x38;
	[tilespmem:$0x4000] =	vst v63  }
0x26: {  	p1 =	sge.u32 s31, s8  }
.Ltmp2:
0x27: {  	_ = 	snop;
	(pc) =	sbr.rel @p1 .LBB2_5-.Ltmp2, $1  }
0x28: {  	_ =	sdelay $0x3  }
0x29: {  	s14 =	simm.s32 $0x1  }
0x2a: {  	_ =	swait.ge [sflag:s7], $0x1000;
	s14 =	simm.s32 @!p0 $0x0  }
0x2b: {  	[sflag:s7] =	ssyncset.done $0x0;
	s14 =	sshll.u32 s14, $0xC  }
0x2c: {  	[sflag:s7] =	ssyncadd.s32 $0xFFFFF000;
	(ifvalue) =	ssetifvalue $0x7FFFFFFF;
	v0 =	vld.msk [tilespmem:s14+$0x0 ss:$0x1], $0xffff;
	_ =	sdelay $0x4  }
0x2d: {  	s15 =	sadd.s32 $0x10, s14;
	vm1 =	vgt.s32 v0, $0x0  }
0x2e: {  	v2 =	vld.msk [tilespmem:s15+$0x0 ss:$0x1], $0xffff;
	v1 =	vnsel vm1, $0x0, v0  }
0x2f: {  	v1 =	vmin.u32 v1, $0x27FFF;
	_ =	sdelay $0x1  }
0x30: {  	s16 =	sshll.u32 s12, $0xC;
	s18 =	simm.s32 $0x20  }
0x31: {  	s16 =	sand.u32 $0x1000, s16;
	s17 =	sadd.s32 $0x10, s15;
	s15 =	sor.u32 $0x2000, s14  }
0x32: {  	s14 =	sor.u32 $0x2000, s16;
	s16 =	sadd.s32 $0x10, s15;
	v0 =	vld.msk [tilespmem:s17+$0x0 ss:$0x1], $0xffff;
	vm1 =	vgt.s32 v2, $0x0;
	(ifvalue) =	ssetifvalue $0x7FFFFFFF  }
.LBB2_3:
0x33: {  	[tilespmem:s15], [sflag:$0x1] =	stream.indirect_vreg.gather [hbm4b:s3+s10], $0x1, v1, vm0, $0x4038;
	[tilespmem:$0x4000] =	vst v63  }
0x34: {  	s18 =	sadd.s32 $0x10, s18  }
0x35: {  	v2 =	vnsel vm1, $0x0, v2;
	p1 =	slt.u32 s18, $0xFF0  }
.Ltmp3:
0x36: {  	s15 =	smov.u32 s16;
	v1 =	vmin.u32 v2, $0x27FFF;
	(pc) =	sbr.rel @p1 .LBB2_3-.Ltmp3, $3  }
0x37: {  	_ =	sdelay $0x1  }
0x38: {  	s17 =	sadd.s32 $0x10, s17  }
0x39: {  	vm1 =	vgt.s32 v0, $0x0;
	s16 =	sadd.s32 $0x10, s16;
	v2 =	vmov v0;
	(ifvalue) =	ssetifvalue $0x7FFFFFFF;
	v0 =	vld.msk [tilespmem:s17+$0x0 ss:$0x1], $0xffff  }
.Ltmp4:
0x3a: {  	_ = 	snop;
	(pc) =	sbr.rel .LBB2_4-.Ltmp4, $1  }
0x3b: {  	_ =	sdelay $0x3  }
.LBB2_6:
0x3c: {  	_ =	sfence.sel $0x180000  }
0x3d: {  	s2 =	simm.s32 $0x2;
	[bflag:$0x0] =	sbarrier.arrive $0xFFFF  }
0x3e: {  	s30 =	simm.s32 $0x3;
	[sflag:s2] =	ssyncpa.u1 $0x1  }
0x3f: {  	s31 =	simm.s32 $0x1;
	[sflag:s30] =	ssyncpa.u1 $0x1  }
0x40: {  	[sflag:s31] =	ssyncpa.u1 $0x1  }
0x41: {  	p0 =	sne.s32 s1, $0x0;
	_ =	strace $0x9000004A  }
0x42: {  	s0 =	sadd.s32 @!p0 $0x100000, s0;
	[bflag:$0x2] =	sbarrier.arrive $0xFFFF  }
0x43: {  	[sflag:s0] =	ssyncadd.tile.s32 @!p0 $0x1;
	_ =	shalt  }
.Lfunc_end2:
_tile_overlayer_lowered:
.L_overlay_start_2:
0x44: {  	(tag) =	ssettag $0x2  }
0x45: {  	s0 =	rddreg [dreg:$0x0];
	s2 =	stileid.u32  }
0x46: {  	s1 =	rddreg [dreg:$0x1];
	p0 =	sne.s32 s2, $0x0  }
0x47: {  	s3 =	rddreg [dreg:$0x2];
	[bflag:$0x3] =	sbarrier.arrive $0xFFFF;
	s2 =	simm.s32 @!p0 $0x1C01  }
0x48: {  	[timem:s3], [sflag:s2] =	dma.local @!p0 [hbm:s0], s1  }
0x49: {  	s0 =	simm.s32 @!p0 $0x1  }
0x4a: {  	_ =	swait.ge @!p0 [sflag:s0], s1  }
0x4b: {  	s1 =	ssub.s32 @!p0 $0x0, s1;
	[sflag:s0] =	ssyncset.done @!p0 $0x0  }
0x4c: {  	[sflag:s0] =	ssyncadd.s32 @!p0 s1  }
0x4d: {  	[bflag:$0x3] =	sbarrier.arrive $0xFFFF  }
0x4e: {  	_ =	shalt  }

// kernel: gather_offload_async_start
scs
__scs_entry_jumppad:
0x0: {  	(pc) =	sbr.rel $0x88, $3  }
0x1: {  	(tag) =	ssettag $0x0;
	lr =	simm.s32 $0x1  }
0x2: {  	[smem:$0x3F99] =	sst lr;
	_ =	strace $0xD0000000  }
0x3: {  	_ = 	snop  }
0x4: {  	_ = 	snop  }
0x5: {  	_ = 	snop  }
0x6: {  	_ = 	snop  }
0x7: {  	_ = 	snop  }
__scs_overlays_trampoline_lowered:
0x8: {  	[smem:$0x3FA8] =	sst s0  }
0x9: {  	[smem:$0x3FA9] =	sst s1  }
0xa: {  	[smem:$0x3FAA] =	sst s2  }
0xb: {  	[smem:$0x3FAB] =	sst s3  }
0xc: {  	[smem:$0x3FAC] =	sst s4  }
0xd: {  	[smem:$0x3FAD] =	sst s5  }
0xe: {  	[smem:$0x3FAE] =	sst s6  }
0xf: {  	[smem:$0x3FAF] =	sst s7  }
0x10: {  	[smem:$0x3FB0] =	sst s8  }
0x11: {  	[smem:$0x3FB1] =	sst s9;
	s0 =	simm.s32 @!p0 $0x0  }
0x12: {  	s1 =	sld [smem:$0x3F97];
	s0 =	simm.s32 @p0 $0x1  }
0x13: {  	[smem:$0x3FB2] =	sst s0;
	s0 =	simm.s32 @!p1 $0x0  }
0x14: {  	s2 =	sld [smem:$0x3F96];
	s0 =	simm.s32 @p1 $0x1  }
0x15: {  	[smem:$0x3FB3] =	sst s0;
	s0 =	simm.s32 @!p2 $0x0  }
0x16: {  	s3 =	sld [smem:$0x3FDB];
	s0 =	simm.s32 @p2 $0x1  }
0x17: {  	s4 =	simm.s32 $0x1BF5;
	[smem:$0x3FB5] =	sst s0  }
0x18: {  	s0 =	sld [smem:$0x3F98];
	_ =	swait.ge [sflag:s4], $0x0  }
0x19: {  	s7 =	sld [smem:$0x3F99]  }
0x1a: {  	s8 =	sadd.s32 $0xFFFFE003, lr  }
0x1b: {  	s9 =	sadd.s32 $0xFFFFFEF7, lr;
	s5 =	simm.s32 $0xFFFFFFFF;
	p2 =	slt.u32 s8, $0xFFFFF086  }
0x1c: {  	p1 =	slt.u32 s9, $0xF7A;
	s5 =	simm.s32 @!p2 $0x0  }
0x1d: {  	s5 =	simm.s32 @p1 $0x1;
	p0 =	seq.s32 s7, s2  }
0x1e: {  	s7 =	smul.u32 @!p0 $0xF7A, s2;
	p2 =	seq.s32 @!p0 s5, $0x0  }
0x1f: {  	s9 =	smul.u32 $0xF7A, s1;
	s8 =	simm.s32 @!p0 $0x1BF5;
	p2 =	por !p2, p0  }
0x20: {  	[sflag:s8] =	ssyncset.s32 @!p0 $0xFFFFF086;
	s6 =	sadd.s32 @!p0 s3, s7;
	s7 =	simm.s32 @!p0 $0x108  }
0x21: {  	s3 =	sadd.s32 s3, s9;
	s6 =	sadd.s32 @!p0 $0x88, s6;
	s7 =	simm.s32 @p2 $0x1082  }
0x22: {  	[simem:s7], [sflag:s8] =	dma.local @!p0 [hbm:s6], $0xF7A  }
0x23: {  	s9 =	sor.u32 $0xD0000000, s2;
	s6 =	simm.s32 $0x108;
	_ =	swait.ge @!p0 [sflag:s8], $0x0  }
0x24: {  	s3 =	sadd.s32 $0x88, s3;
	s6 =	simm.s32 @!p1 $0x1082;
	[sflag:s4] =	ssyncset.s32 $0xFFFFF086  }
0x25: {  	[simem:s6], [sflag:s4] =	dma.local [hbm:s3], $0xF7A  }
0x26: {  	[smem:$0x3F99] =	sst s1;
	(tag) =	ssettag s2;
	_ =	strace s9  }
0x27: {  	s1 =	sld [smem:$0x3FA9]  }
0x28: {  	s2 =	sld [smem:$0x3FAA]  }
0x29: {  	s4 =	sld [smem:$0x3FAC]  }
0x2a: {  	p0 =	seq.s32 s5, $0x0;
	s5 =	sld [smem:$0x3FAD]  }
0x2b: {  	s6 =	sld [smem:$0x3FAE]  }
0x2c: {  	s7 =	sld [smem:$0x3FAF]  }
0x2d: {  	s3 =	simm.s32 $0x108;
	s8 =	sld [smem:$0x3FB0]  }
0x2e: {  	s3 =	simm.s32 @!p0 $0x1082;
	s9 =	sld [smem:$0x3FB1]  }
0x2f: {  	lr =	sadd.s32 s0, s3;
	s0 =	sld [smem:$0x3FA8]  }
0x30: {  	s3 =	sld [smem:$0x3FAB]  }
0x31: {  	[smem:$0x3FB4] =	sst s10  }
0x32: {  	s10 =	sld [smem:$0x3FB2];
	_ =	sdelay $0x3  }
0x33: {  	p0 =	seq.s32 s10, $0x1;
	s10 =	sld [smem:$0x3FB4];
	_ =	sdelay $0x3  }
0x34: {  	[smem:$0x3FB4] =	sst s10  }
0x35: {  	s10 =	sld [smem:$0x3FB3];
	_ =	sdelay $0x3  }
0x36: {  	p1 =	seq.s32 s10, $0x1;
	s10 =	sld [smem:$0x3FB4];
	_ =	sdelay $0x3  }
0x37: {  	[smem:$0x3FB4] =	sst s10  }
0x38: {  	s10 =	sld [smem:$0x3FB5]  }
0x39: {  	_ = 	snop;
	(pc) =	sbr.ind lr, $3  }
0x3a: {  	_ = 	snop  }
0x3b: {  	_ = 	snop  }
0x3c: {  	p2 =	seq.s32 s10, $0x1;
	s10 =	sld [smem:$0x3FB4]  }
0x3d: {  	_ =	shalt  }
0x3e: {  	_ =	shalt  }
0x3f: {  	_ =	shalt  }
0x40: {  	_ =	shalt  }
0x41: {  	_ =	shalt  }
0x42: {  	_ =	shalt  }
0x43: {  	_ =	shalt  }
0x44: {  	_ =	shalt  }
0x45: {  	_ =	shalt  }
0x46: {  	_ =	shalt  }
0x47: {  	_ =	shalt  }
0x48: {  	_ =	shalt  }
0x49: {  	_ =	shalt  }
0x4a: {  	_ =	shalt  }
0x4b: {  	_ =	shalt  }
0x4c: {  	_ =	shalt  }
0x4d: {  	_ =	shalt  }
0x4e: {  	_ =	shalt  }
0x4f: {  	_ =	shalt  }
0x50: {  	_ =	shalt  }
0x51: {  	_ =	shalt  }
0x52: {  	_ =	shalt  }
0x53: {  	_ =	shalt  }
0x54: {  	_ =	shalt  }
0x55: {  	_ =	shalt  }
0x56: {  	_ =	shalt  }
0x57: {  	_ =	shalt  }
0x58: {  	_ =	shalt  }
0x59: {  	_ =	shalt  }
0x5a: {  	_ =	shalt  }
0x5b: {  	_ =	shalt  }
0x5c: {  	_ =	shalt  }
0x5d: {  	_ =	shalt  }
0x5e: {  	_ =	shalt  }
0x5f: {  	_ =	shalt  }
0x60: {  	_ =	shalt  }
0x61: {  	_ =	shalt  }
0x62: {  	_ =	shalt  }
0x63: {  	_ =	shalt  }
0x64: {  	_ =	shalt  }
0x65: {  	_ =	shalt  }
0x66: {  	_ =	shalt  }
0x67: {  	_ =	shalt  }
0x68: {  	_ =	shalt  }
0x69: {  	_ =	shalt  }
0x6a: {  	_ =	shalt  }
0x6b: {  	_ =	shalt  }
0x6c: {  	_ =	shalt  }
0x6d: {  	_ =	shalt  }
0x6e: {  	_ =	shalt  }
0x6f: {  	_ =	shalt  }
0x70: {  	_ =	shalt  }
0x71: {  	_ =	shalt  }
0x72: {  	_ =	shalt  }
0x73: {  	_ =	shalt  }
0x74: {  	_ =	shalt  }
0x75: {  	_ =	shalt  }
0x76: {  	_ =	shalt  }
0x77: {  	_ =	shalt  }
0x78: {  	_ =	shalt  }
0x79: {  	_ =	shalt  }
0x7a: {  	_ =	shalt  }
0x7b: {  	_ =	shalt  }
0x7c: {  	_ =	shalt  }
0x7d: {  	_ =	shalt  }
0x7e: {  	_ =	shalt  }
0x7f: {  	_ =	shalt  }
0x80: {  	_ =	shalt  }
0x81: {  	_ =	shalt  }
0x82: {  	_ =	shalt  }
0x83: {  	_ =	shalt  }
0x84: {  	_ =	shalt  }
0x85: {  	_ =	shalt  }
0x86: {  	_ =	shalt  }
0x87: {  	_ =	shalt  }
.Lfunc_end0:
.L_simem_size_0:
called_computation_lowered:
.L_overlay_start_0:
0x88: {  	s2 =	sld [smem:$0x3FD9]  }
0x89: {  	s3 =	sld [smem:$0x3FFE];
	_ =	sdelay $0x1  }
0x8a: {  	s1 =	srdreg.scid  }
0x8b: {  	s0 =	sand.u32 $0x1, s1  }
0x8c: {  	s17 =	sshll.u32 s0, $0xA;
	s2 =	sadd.s32 s3, s2  }
0x8d: {  	s2 =	sadd.s32 s2, s17  }
0x8e: {  	[smem:$0x3FC0] =	sst s2  }
0x8f: {  	_ = 	snop  }
0x90: {  	s2 =	sld [smem:$0x3FD0];
	(tm) =	ssettm $0x1  }
0x91: {  	s18 =	sld [smem:$0x3FFB];
	_ =	sdelay $0x3  }
0x92: {  	_ =	strace s18  }
0x93: {  	s3 =	sld [smem:$0x3FFC];
	_ =	sdelay $0x3  }
0x94: {  	_ =	strace s3  }
0x95: {  	s3 =	sld [smem:$0x3FFD];
	_ =	sdelay $0x3  }
0x96: {  	_ =	strace s3  }
0x97: {  	_ =	strace $0x8FFFFFFF  }
0x98: {  	s19 =	sld [smem:$0x3FDB];
	_ =	sdelay $0x1  }
0x99: {  	s4 =	simm.s32 $_scs_section_size  }
0x9a: {  	s5 =	simm.s32 $_size__tile_overlayer_lowered;
	s6 =	simm.s32 $_tile_overlayer_lowered  }
0x9b: {  	s22 =	simm.s32 $0x1BFF;
	s21 =	sshll.u32 s6, $0x1;
	s3 =	sadd.s32 s4, s19  }
0x9c: {  	s7 =	simm.s32 $0x0;
	s20 =	sshll.u32 s5, $0x1;
	s5 =	sadd.s32 s21, s3  }
0x9d: {  	[timem:s7], [sflag:s22] =	dma.local [hbm:s5], s20  }
0x9e: {  	_ =	swait.ge [sflag:s22], s20  }
0x9f: {  	s4 =	ssub.s32 $0x0, s20;
	[sflag:s22] =	ssyncset.done $0x0  }
0xa0: {  	[sflag:s22] =	ssyncadd.s32 s4;
	_ =	sdelay $0x1  }
0xa1: {  	s23 =	simm.s32 $0x1B8B  }
0xa2: {  	_ =	swait.ge [sflag:s23], $0x1  }
0xa3: {  	[sflag:s23] =	ssyncset.done $0x0  }
0xa4: {  	s25 =	simm.s32 $0x1B8E;
	s24 =	sld [smem:$0x3FFE];
	[sflag:s23] =	ssyncadd.s32 $0xFFFFFFFF  }
0xa5: {  	s26 =	simm.s32 $execute0_lowered;
	[smem:$0x3FD2] =	sst s25  }
0xa6: {  	s5 =	sshll.u32 s26, $0x1;
	_ =	strace $0x80000046;
	[dreg:$0x1] =	wrdreg $0xFFFFFFFF  }
0xa7: {  	s28 =	simm.s32 $_size_execute0_lowered;
	s3 =	sadd.s32 s3, s5;
	[dreg:$0x0] =	wrdreg $0x0  }
0xa8: {  	s5 =	sshll.u32 s28, $0x1;
	[dreg:$0x2] =	wrdreg s3  }
0xa9: {  	[dreg:$0x3] =	wrdreg s5  }
0xaa: {  	[dreg:$0x4] =	wrdreg $0xC0  }
0xab: {  	_ =	task [dreg:s7], $0x5FFFF  }
0xac: {  	[dreg:$0x1] =	wrdreg $0xFFFFFFFF  }
0xad: {  	[dreg:$0x0] =	wrdreg $0x60  }
0xae: {  	[dreg:$0x2] =	wrdreg s2  }
0xaf: {  	[dreg:$0x3] =	wrdreg s24  }
0xb0: {  	[dreg:$0x4] =	wrdreg $0x9  }
0xb1: {  	_ =	task.clear_ibuf [dreg:s7], $0x5FFFF;
	_ =	strace $0x90000046  }
0xb2: {  	s29 =	simm.s32 $0x9;
	_ =	strace $0x80000048  }
0xb3: {  	_ =	swait.ge [sflag:s29], $0x1  }
0xb4: {  	[sflag:s29] =	ssyncadd.s32 $0xFFFFFFFF  }
0xb5: {  	_ =	strace $0x90000048  }
0xb6: {  	_ =	sfence  }
0xb7: {  	s30 =	sld [smem:$0x0];
	_ =	sdelay $0x2  }
0xb8: {  	s31 =	sshll.u32 s1, $0xD;
	s1 =	sshrl.u32 s1, $0x2  }
0xb9: {  	s3 =	sand.u32 $0x4000, s31;
	s1 =	sadd.s32 s1, s30  }
0xba: {  	s0 =	sor.u32 s3, s0;
	s1 =	sshll.u32 s1, $0x11  }
0xbb: {  	s0 =	sor.u32 s1, s0  }
0xbc: {  	s0 =	sadd.s32 $0x8F2B, s0  }
0xbd: {  	[sflag:s0] =	ssyncadd.remote.s32 $0x1  }
0xbe: {  	_ =	sfence.sel $0xFFFF  }
0xbf: {  	[dreg:$0x0] =	wrdreg $0xFFFFFFFF;
	(pc) =	sbr.abs _section_cstart, $3  }
0xc0: {  	[dreg:$0x1] =	wrdreg $0xFFFFFFFF  }
0xc1: {  	_ =	task.clear_ibuf [dreg:s7], $0x2FFFF;
	_ =	strace $0x9FFFFFFF  }
0xc2: {  	(tm) =	ssettm $0x7FFFFFFF  }
0xc3: {  	_ =	shalt  }
tec
execute0_lowered:
.L_overlay_start_1:
0x0: {  	(tag) =	ssettag $0x1  }
0x1: {  	s1 =	srdreg.scid;
	s2 =	rddreg [dreg:$0x0]  }
0x2: {  	s0 =	stileid.u32;
	s5 =	rddreg [dreg:$0x1];
	s6 =	simm.s32 $0x1  }
0x3: {  	s9 =	simm.s32 $0x1;
	s10 =	simm.s32 $0x3;
	s1 =	sshll.u32 s1, $0xC  }
0x4: {  	s13 =	simm.s32 $0x0;
	s3 =	sshll.u32 s0, $0xD;
	s4 =	sand.u32 $0x1000, s1  }
0x5: {  	s12 =	simm.s32 $0x0;
	s1 =	rddreg [dreg:$0x2];
	s3 =	sor.u32 s3, s4  }
0x6: {  	_ =	strace $0x80000047;
	s4 =	sadd.s32 $0x8A00, s5;
	s8 =	ssub.s32 $0x28000, s3  }
.Ltmp0:
0x7: {  	s5 =	sadd.s32 $0xDA00, s5;
	s7 =	sand.u32 $0x1F000, s8;
	(pc) =	sbr.rel .LBB2_1-.Ltmp0, $4  }
0x8: {  	[sflag:s6] =	ssyncpa.u1 $0x0;
	s11 =	smov.u32 s3;
	p0 =	sne.s32 s7, $0x0  }
0x9: {  	s8 =	sshrl.u32 s8, $0x11;
	s7 =	simm.s32 $0x2;
	s9 =	simm.s32 @!p0 $0x0  }
0xa: {  	[sflag:s7] =	ssyncpa.u1 $0x0;
	p0 =	por $0x0, $0x0;
	s8 =	sadd.s32 s9, s8  }
0xb: {  	vm0 =	vmmov $0xffff;
	[sflag:s10] =	ssyncpa.u1 $0x0;
	s10 =	simm.s32 $0x0;
	s9 =	sadd.s32 $0x1, s8  }
.LBB2_4:
0xc: {  	v2 =	vnsel vm1, $0x0, v2  }
0xd: {  	vm1 =	vgt.s32 v0, $0x0;
	v2 =	vmin.u32 v2, $0x27FFF  }
0xe: {  	v0 =	vnsel vm1, $0x0, v0  }
0xf: {  	v0 =	vmin.u32 v0, $0x27FFF  }
0x10: {  	[tilespmem:s15], [sflag:$0x1] =	stream.indirect_vreg.gather [hbm4b:s2+s10], $0x1, v1, vm0, $0x4038;
	[tilespmem:$0x4000] =	vst v63  }
0x11: {  	(ifvalue) =	ssetifvalue $0x7FFFFFFF  }
0x12: {  	[tilespmem:s16], [sflag:$0x1] =	stream.indirect_vreg.gather [hbm4b:s2+s10], $0x1, v2, vm0, $0x4038;
	[tilespmem:$0x4000] =	vst v63  }
0x13: {  	s29 =	sadd.s32 $0x10, s16;
	(ifvalue) =	ssetifvalue $0x7FFFFFFF  }
0x14: {  	[tilespmem:s29], [sflag:$0x1] =	stream.indirect_vreg.gather [hbm4b:s2+s10], $0x1, v0, vm0, $0x4038;
	[tilespmem:$0x4000] =	vst v63  }
0x15: {  	_ =	swait.ge [sflag:s6], $0x1000  }
0x16: {  	s30 =	sshrl.u32 s13, $0x3;
	[sflag:s6] =	ssyncset.done $0x0  }
0x17: {  	s31 =	sand.u32 $0x7, s13;
	s15 =	sadd.s32 s5, s30;
	[sflag:s6] =	ssyncadd.s32 $0xFFFFF000  }
0x18: {  	[hbm4b:s15+s31] =	stream.linear.scatter [tilespmem:s14], [sflag:$0x3], $0x1000, $0x38;
	[tilespmem:$0x4000] =	vst v63  }
.LBB2_5:
0x19: {  	s15 =	sadd.s32 $0x20000, s11  }
0x1a: {  	p2 =	sgt.s32 s15, $0x27FFF  }
0x1b: {  	s15 =	smov.u32 @p2 s3;
	p2 =	sne.s32 s12, s9  }
.Ltmp1:
0x1c: {  	p1 =	slt.u32 s12, $0x2;
	(pc) =	sbr.rel @!p2 .LBB2_6-.Ltmp1, $4  }
0x1d: {  	s14 =	simm.s32 @!p1 $0x3  }
0x1e: {  	s16 =	sadd.s32 $0x1, s12;
	_ =	swait.ge @!p1 [sflag:s14], $0x1000  }
0x1f: {  	s13 =	smov.u32 s11;
	p0 =	por !p0, !p0;
	[sflag:s14] =	ssyncset.done @!p1 $0x0  }
0x20: {  	s12 =	smov.u32 s16;
	s11 =	smov.u32 s15;
	[sflag:s14] =	ssyncadd.s32 @!p1 $0xFFFFF000  }
.LBB2_1:
0x21: {  	p1 =	sge.u32 s12, s8  }
0x22: {  	s14 =	sxor.u32 @!p1 $0xFFFFFFFF, s12  }
0x23: {  	s31 =	sadd.s32 $0xFFFFFFFF, s12;
	s15 =	sshrl.u32 @!p1 s11, $0x3;
	s14 =	sshll.u32 @!p1 s14, $0xC  }
0x24: {  	s16 =	sand.u32 @!p1 $0x7, s11;
	s15 =	sadd.s32 @!p1 s4, s15;
	s14 =	sand.u32 @!p1 $0x1000, s14  }
0x25: {  	[tilespmem:s14], [sflag:$0x2] =	stream.linear.gather @!p1 [hbm4b:s15+s16], $0x1000, $0x38;
	[tilespmem:$0x4000] =	vst v63  }
0x26: {  	p1 =	sge.u32 s31, s8  }
.Ltmp2:
0x27: {  	_ = 	snop;
	(pc) =	sbr.rel @p1 .LBB2_5-.Ltmp2, $1  }
0x28: {  	_ =	sdelay $0x3  }
0x29: {  	s14 =	simm.s32 $0x1  }
0x2a: {  	_ =	swait.ge [sflag:s7], $0x1000;
	s14 =	simm.s32 @!p0 $0x0  }
0x2b: {  	[sflag:s7] =	ssyncset.done $0x0;
	s14 =	sshll.u32 s14, $0xC  }
0x2c: {  	[sflag:s7] =	ssyncadd.s32 $0xFFFFF000;
	(ifvalue) =	ssetifvalue $0x7FFFFFFF;
	v0 =	vld.msk [tilespmem:s14+$0x0 ss:$0x1], $0xffff;
	_ =	sdelay $0x4  }
0x2d: {  	s15 =	sadd.s32 $0x10, s14;
	vm1 =	vgt.s32 v0, $0x0  }
0x2e: {  	v2 =	vld.msk [tilespmem:s15+$0x0 ss:$0x1], $0xffff;
	v1 =	vnsel vm1, $0x0, v0  }
0x2f: {  	v1 =	vmin.u32 v1, $0x27FFF;
	_ =	sdelay $0x1  }
0x30: {  	s16 =	sshll.u32 s12, $0xC;
	s18 =	simm.s32 $0x20  }
0x31: {  	s16 =	sand.u32 $0x1000, s16;
	s17 =	sadd.s32 $0x10, s15;
	s15 =	sor.u32 $0x2000, s14  }
0x32: {  	s14 =	sor.u32 $0x2000, s16;
	s16 =	sadd.s32 $0x10, s15;
	v0 =	vld.msk [tilespmem:s17+$0x0 ss:$0x1], $0xffff;
	vm1 =	vgt.s32 v2, $0x0;
	(ifvalue) =	ssetifvalue $0x7FFFFFFF  }
.LBB2_3:
0x33: {  	[tilespmem:s15], [sflag:$0x1] =	stream.indirect_vreg.gather [hbm4b:s2+s10], $0x1, v1, vm0, $0x4038;
	[tilespmem:$0x4000] =	vst v63  }
0x34: {  	s18 =	sadd.s32 $0x10, s18  }
0x35: {  	v2 =	vnsel vm1, $0x0, v2;
	p1 =	slt.u32 s18, $0xFF0  }
.Ltmp3:
0x36: {  	s15 =	smov.u32 s16;
	v1 =	vmin.u32 v2, $0x27FFF;
	(pc) =	sbr.rel @p1 .LBB2_3-.Ltmp3, $3  }
0x37: {  	_ =	sdelay $0x1  }
0x38: {  	s17 =	sadd.s32 $0x10, s17  }
0x39: {  	vm1 =	vgt.s32 v0, $0x0;
	s16 =	sadd.s32 $0x10, s16;
	v2 =	vmov v0;
	(ifvalue) =	ssetifvalue $0x7FFFFFFF;
	v0 =	vld.msk [tilespmem:s17+$0x0 ss:$0x1], $0xffff  }
.Ltmp4:
0x3a: {  	_ = 	snop;
	(pc) =	sbr.rel .LBB2_4-.Ltmp4, $1  }
0x3b: {  	_ =	sdelay $0x3  }
.LBB2_6:
0x3c: {  	_ =	sfence.sel $0x180000  }
0x3d: {  	s2 =	simm.s32 $0x2;
	[bflag:$0x0] =	sbarrier.arrive $0xFFFF  }
0x3e: {  	s30 =	simm.s32 $0x3;
	[sflag:s2] =	ssyncpa.u1 $0x1  }
0x3f: {  	s31 =	simm.s32 $0x1;
	[sflag:s30] =	ssyncpa.u1 $0x1  }
0x40: {  	[sflag:s31] =	ssyncpa.u1 $0x1  }
0x41: {  	p0 =	sne.s32 s0, $0x0;
	_ =	strace $0x90000047  }
0x42: {  	s0 =	sadd.s32 @!p0 $0x100000, s1;
	[bflag:$0x2] =	sbarrier.arrive $0xFFFF  }
0x43: {  	[sflag:s0] =	ssyncadd.tile.s32 @!p0 $0x1;
	_ =	shalt  }
.Lfunc_end2:
_tile_overlayer_lowered:
.L_overlay_start_2:
0x44: {  	(tag) =	ssettag $0x2  }
0x45: {  	s0 =	rddreg [dreg:$0x0];
	s2 =	stileid.u32  }
0x46: {  	s1 =	rddreg [dreg:$0x1];
	p0 =	sne.s32 s2, $0x0  }
0x47: {  	s3 =	rddreg [dreg:$0x2];
	[bflag:$0x3] =	sbarrier.arrive $0xFFFF;
	s2 =	simm.s32 @!p0 $0x1C01  }
0x48: {  	[timem:s3], [sflag:s2] =	dma.local @!p0 [hbm:s0], s1  }
0x49: {  	s0 =	simm.s32 @!p0 $0x1  }
0x4a: {  	_ =	swait.ge @!p0 [sflag:s0], s1  }
0x4b: {  	s1 =	ssub.s32 @!p0 $0x0, s1;
	[sflag:s0] =	ssyncset.done @!p0 $0x0  }
0x4c: {  	[sflag:s0] =	ssyncadd.s32 @!p0 s1  }
0x4d: {  	[bflag:$0x3] =	sbarrier.arrive $0xFFFF  }
0x4e: {  	_ =	shalt  }

// kernel: kernel.12.cloned.1.call-start
scs
__scs_entry_jumppad:
0x0: {  	(pc) =	sbr.rel $0x88, $3  }
0x1: {  	(tag) =	ssettag $0x0;
	lr =	simm.s32 $0x1  }
0x2: {  	[smem:$0x3F99] =	sst lr;
	_ =	strace $0xD0000000  }
0x3: {  	_ = 	snop  }
0x4: {  	_ = 	snop  }
0x5: {  	_ = 	snop  }
0x6: {  	_ = 	snop  }
0x7: {  	_ = 	snop  }
__scs_overlays_trampoline_lowered:
0x8: {  	[smem:$0x3FA8] =	sst s0  }
0x9: {  	[smem:$0x3FA9] =	sst s1  }
0xa: {  	[smem:$0x3FAA] =	sst s2  }
0xb: {  	[smem:$0x3FAB] =	sst s3  }
0xc: {  	[smem:$0x3FAC] =	sst s4  }
0xd: {  	[smem:$0x3FAD] =	sst s5  }
0xe: {  	[smem:$0x3FAE] =	sst s6  }
0xf: {  	[smem:$0x3FAF] =	sst s7  }
0x10: {  	[smem:$0x3FB0] =	sst s8  }
0x11: {  	[smem:$0x3FB1] =	sst s9;
	s0 =	simm.s32 @!p0 $0x0  }
0x12: {  	s1 =	sld [smem:$0x3F97];
	s0 =	simm.s32 @p0 $0x1  }
0x13: {  	[smem:$0x3FB2] =	sst s0;
	s0 =	simm.s32 @!p1 $0x0  }
0x14: {  	s2 =	sld [smem:$0x3F96];
	s0 =	simm.s32 @p1 $0x1  }
0x15: {  	[smem:$0x3FB3] =	sst s0;
	s0 =	simm.s32 @!p2 $0x0  }
0x16: {  	s3 =	sld [smem:$0x3FDB];
	s0 =	simm.s32 @p2 $0x1  }
0x17: {  	s4 =	simm.s32 $0x1BF5;
	[smem:$0x3FB5] =	sst s0  }
0x18: {  	s0 =	sld [smem:$0x3F98];
	_ =	swait.ge [sflag:s4], $0x0  }
0x19: {  	s7 =	sld [smem:$0x3F99]  }
0x1a: {  	s8 =	sadd.s32 $0xFFFFE003, lr  }
0x1b: {  	s9 =	sadd.s32 $0xFFFFFEF7, lr;
	s5 =	simm.s32 $0xFFFFFFFF;
	p2 =	slt.u32 s8, $0xFFFFF086  }
0x1c: {  	p1 =	slt.u32 s9, $0xF7A;
	s5 =	simm.s32 @!p2 $0x0  }
0x1d: {  	s5 =	simm.s32 @p1 $0x1;
	p0 =	seq.s32 s7, s2  }
0x1e: {  	s7 =	smul.u32 @!p0 $0xF7A, s2;
	p2 =	seq.s32 @!p0 s5, $0x0  }
0x1f: {  	s9 =	smul.u32 $0xF7A, s1;
	s8 =	simm.s32 @!p0 $0x1BF5;
	p2 =	por !p2, p0  }
0x20: {  	[sflag:s8] =	ssyncset.s32 @!p0 $0xFFFFF086;
	s6 =	sadd.s32 @!p0 s3, s7;
	s7 =	simm.s32 @!p0 $0x108  }
0x21: {  	s3 =	sadd.s32 s3, s9;
	s6 =	sadd.s32 @!p0 $0x88, s6;
	s7 =	simm.s32 @p2 $0x1082  }
0x22: {  	[simem:s7], [sflag:s8] =	dma.local @!p0 [hbm:s6], $0xF7A  }
0x23: {  	s9 =	sor.u32 $0xD0000000, s2;
	s6 =	simm.s32 $0x108;
	_ =	swait.ge @!p0 [sflag:s8], $0x0  }
0x24: {  	s3 =	sadd.s32 $0x88, s3;
	s6 =	simm.s32 @!p1 $0x1082;
	[sflag:s4] =	ssyncset.s32 $0xFFFFF086  }
0x25: {  	[simem:s6], [sflag:s4] =	dma.local [hbm:s3], $0xF7A  }
0x26: {  	[smem:$0x3F99] =	sst s1;
	(tag) =	ssettag s2;
	_ =	strace s9  }
0x27: {  	s1 =	sld [smem:$0x3FA9]  }
0x28: {  	s2 =	sld [smem:$0x3FAA]  }
0x29: {  	s4 =	sld [smem:$0x3FAC]  }
0x2a: {  	p0 =	seq.s32 s5, $0x0;
	s5 =	sld [smem:$0x3FAD]  }
0x2b: {  	s6 =	sld [smem:$0x3FAE]  }
0x2c: {  	s7 =	sld [smem:$0x3FAF]  }
0x2d: {  	s3 =	simm.s32 $0x108;
	s8 =	sld [smem:$0x3FB0]  }
0x2e: {  	s3 =	simm.s32 @!p0 $0x1082;
	s9 =	sld [smem:$0x3FB1]  }
0x2f: {  	lr =	sadd.s32 s0, s3;
	s0 =	sld [smem:$0x3FA8]  }
0x30: {  	s3 =	sld [smem:$0x3FAB]  }
0x31: {  	[smem:$0x3FB4] =	sst s10  }
0x32: {  	s10 =	sld [smem:$0x3FB2];
	_ =	sdelay $0x3  }
0x33: {  	p0 =	seq.s32 s10, $0x1;
	s10 =	sld [smem:$0x3FB4];
	_ =	sdelay $0x3  }
0x34: {  	[smem:$0x3FB4] =	sst s10  }
0x35: {  	s10 =	sld [smem:$0x3FB3];
	_ =	sdelay $0x3  }
0x36: {  	p1 =	seq.s32 s10, $0x1;
	s10 =	sld [smem:$0x3FB4];
	_ =	sdelay $0x3  }
0x37: {  	[smem:$0x3FB4] =	sst s10  }
0x38: {  	s10 =	sld [smem:$0x3FB5]  }
0x39: {  	_ = 	snop;
	(pc) =	sbr.ind lr, $3  }
0x3a: {  	_ = 	snop  }
0x3b: {  	_ = 	snop  }
0x3c: {  	p2 =	seq.s32 s10, $0x1;
	s10 =	sld [smem:$0x3FB4]  }
0x3d: {  	_ =	shalt  }
0x3e: {  	_ =	shalt  }
0x3f: {  	_ =	shalt  }
0x40: {  	_ =	shalt  }
0x41: {  	_ =	shalt  }
0x42: {  	_ =	shalt  }
0x43: {  	_ =	shalt  }
0x44: {  	_ =	shalt  }
0x45: {  	_ =	shalt  }
0x46: {  	_ =	shalt  }
0x47: {  	_ =	shalt  }
0x48: {  	_ =	shalt  }
0x49: {  	_ =	shalt  }
0x4a: {  	_ =	shalt  }
0x4b: {  	_ =	shalt  }
0x4c: {  	_ =	shalt  }
0x4d: {  	_ =	shalt  }
0x4e: {  	_ =	shalt  }
0x4f: {  	_ =	shalt  }
0x50: {  	_ =	shalt  }
0x51: {  	_ =	shalt  }
0x52: {  	_ =	shalt  }
0x53: {  	_ =	shalt  }
0x54: {  	_ =	shalt  }
0x55: {  	_ =	shalt  }
0x56: {  	_ =	shalt  }
0x57: {  	_ =	shalt  }
0x58: {  	_ =	shalt  }
0x59: {  	_ =	shalt  }
0x5a: {  	_ =	shalt  }
0x5b: {  	_ =	shalt  }
0x5c: {  	_ =	shalt  }
0x5d: {  	_ =	shalt  }
0x5e: {  	_ =	shalt  }
0x5f: {  	_ =	shalt  }
0x60: {  	_ =	shalt  }
0x61: {  	_ =	shalt  }
0x62: {  	_ =	shalt  }
0x63: {  	_ =	shalt  }
0x64: {  	_ =	shalt  }
0x65: {  	_ =	shalt  }
0x66: {  	_ =	shalt  }
0x67: {  	_ =	shalt  }
0x68: {  	_ =	shalt  }
0x69: {  	_ =	shalt  }
0x6a: {  	_ =	shalt  }
0x6b: {  	_ =	shalt  }
0x6c: {  	_ =	shalt  }
0x6d: {  	_ =	shalt  }
0x6e: {  	_ =	shalt  }
0x6f: {  	_ =	shalt  }
0x70: {  	_ =	shalt  }
0x71: {  	_ =	shalt  }
0x72: {  	_ =	shalt  }
0x73: {  	_ =	shalt  }
0x74: {  	_ =	shalt  }
0x75: {  	_ =	shalt  }
0x76: {  	_ =	shalt  }
0x77: {  	_ =	shalt  }
0x78: {  	_ =	shalt  }
0x79: {  	_ =	shalt  }
0x7a: {  	_ =	shalt  }
0x7b: {  	_ =	shalt  }
0x7c: {  	_ =	shalt  }
0x7d: {  	_ =	shalt  }
0x7e: {  	_ =	shalt  }
0x7f: {  	_ =	shalt  }
0x80: {  	_ =	shalt  }
0x81: {  	_ =	shalt  }
0x82: {  	_ =	shalt  }
0x83: {  	_ =	shalt  }
0x84: {  	_ =	shalt  }
0x85: {  	_ =	shalt  }
0x86: {  	_ =	shalt  }
0x87: {  	_ =	shalt  }
.Lfunc_end0:
.L_simem_size_0:
called_computation.3_lowered:
.L_overlay_start_0:
0x88: {  	s2 =	sld [smem:$0x3FD9]  }
0x89: {  	s3 =	sld [smem:$0x3FFE];
	_ =	sdelay $0x1  }
0x8a: {  	s1 =	srdreg.scid  }
0x8b: {  	s0 =	sand.u32 $0x1, s1  }
0x8c: {  	s16 =	sshll.u32 s0, $0xA;
	s2 =	sadd.s32 s3, s2  }
0x8d: {  	s2 =	sadd.s32 s2, s16  }
0x8e: {  	[smem:$0x3FC0] =	sst s2  }
0x8f: {  	_ = 	snop  }
0x90: {  	(tm) =	ssettm $0x1  }
0x91: {  	s17 =	sld [smem:$0x3FFB];
	_ =	sdelay $0x3  }
0x92: {  	_ =	strace s17  }
0x93: {  	s2 =	sld [smem:$0x3FFC];
	_ =	sdelay $0x3  }
0x94: {  	_ =	strace s2  }
0x95: {  	s2 =	sld [smem:$0x3FFD];
	_ =	sdelay $0x3  }
0x96: {  	_ =	strace s2  }
0x97: {  	_ =	strace $0x8FFFFFFF  }
0x98: {  	s18 =	sld [smem:$0x3FDB];
	_ =	sdelay $0x1  }
0x99: {  	s19 =	simm.s32 $_scs_section_size  }
0x9a: {  	s4 =	simm.s32 $_size__tile_overlayer_lowered;
	s5 =	simm.s32 $_tile_overlayer_lowered  }
0x9b: {  	s22 =	simm.s32 $0x1BFF;
	s21 =	sshll.u32 s5, $0x1;
	s2 =	sadd.s32 s19, s18  }
0x9c: {  	s6 =	simm.s32 $0x0;
	s20 =	sshll.u32 s4, $0x1;
	s4 =	sadd.s32 s21, s2  }
0x9d: {  	[timem:s6], [sflag:s22] =	dma.local [hbm:s4], s20  }
0x9e: {  	_ =	swait.ge [sflag:s22], s20  }
0x9f: {  	s3 =	ssub.s32 $0x0, s20;
	[sflag:s22] =	ssyncset.done $0x0  }
0xa0: {  	[sflag:s22] =	ssyncadd.s32 s3;
	_ =	sdelay $0x1  }
0xa1: {  	s23 =	simm.s32 $0x1B8B  }
0xa2: {  	_ =	swait.ge [sflag:s23], $0x1  }
0xa3: {  	[sflag:s23] =	ssyncset.done $0x0  }
0xa4: {  	s25 =	simm.s32 $0x1B8E;
	s24 =	sld [smem:$0x3FFE];
	[sflag:s23] =	ssyncadd.s32 $0xFFFFFFFF  }
0xa5: {  	s26 =	simm.s32 $execute0_lowered;
	[smem:$0x3FD2] =	sst s25  }
0xa6: {  	s4 =	sshll.u32 s26, $0x1;
	_ =	strace $0x8000004F;
	[dreg:$0x1] =	wrdreg $0xFFFFFFFF  }
0xa7: {  	s28 =	simm.s32 $_size_execute0_lowered;
	s2 =	sadd.s32 s2, s4;
	[dreg:$0x0] =	wrdreg $0x0  }
0xa8: {  	s4 =	sshll.u32 s28, $0x1;
	[dreg:$0x2] =	wrdreg s2  }
0xa9: {  	[dreg:$0x3] =	wrdreg s4  }
0xaa: {  	[dreg:$0x4] =	wrdreg $0xC0  }
0xab: {  	_ =	task [dreg:s6], $0x5FFFF  }
0xac: {  	[dreg:$0x1] =	wrdreg $0xFFFFFFFF  }
0xad: {  	[dreg:$0x0] =	wrdreg $0x60  }
0xae: {  	[dreg:$0x2] =	wrdreg s24  }
0xaf: {  	[dreg:$0x3] =	wrdreg $0x9  }
0xb0: {  	_ =	task.clear_ibuf [dreg:s6], $0x4FFFF;
	_ =	strace $0x9000004F  }
0xb1: {  	s29 =	simm.s32 $0x9;
	_ =	strace $0x80000051  }
0xb2: {  	_ =	swait.ge [sflag:s29], $0x1  }
0xb3: {  	[sflag:s29] =	ssyncadd.s32 $0xFFFFFFFF  }
0xb4: {  	_ =	strace $0x90000051  }
0xb5: {  	_ =	sfence  }
0xb6: {  	s30 =	sld [smem:$0x0];
	_ =	sdelay $0x2  }
0xb7: {  	s31 =	sshll.u32 s1, $0xD;
	s1 =	sshrl.u32 s1, $0x2  }
0xb8: {  	s3 =	sand.u32 $0x4000, s31;
	s1 =	sadd.s32 s1, s30  }
0xb9: {  	s0 =	sor.u32 s3, s0;
	s1 =	sshll.u32 s1, $0x11  }
0xba: {  	s0 =	sor.u32 s1, s0  }
0xbb: {  	s0 =	sadd.s32 $0x8F2B, s0  }
0xbc: {  	[sflag:s0] =	ssyncadd.remote.s32 $0x1  }
0xbd: {  	_ =	sfence.sel $0xFFFF  }
0xbe: {  	[dreg:$0x0] =	wrdreg $0xFFFFFFFF;
	(pc) =	sbr.abs _section_cstart, $3  }
0xbf: {  	[dreg:$0x1] =	wrdreg $0xFFFFFFFF  }
0xc0: {  	_ =	task.clear_ibuf [dreg:s6], $0x2FFFF;
	_ =	strace $0x9FFFFFFF  }
0xc1: {  	(tm) =	ssettm $0x7FFFFFFF  }
tec
execute0_lowered:
.L_overlay_start_1:
0x0: {  	(tag) =	ssettag $0x1  }
0x1: {  	s1 =	srdreg.scid;
	s5 =	rddreg [dreg:$0x0];
	s2 =	simm.s32 $0x0  }
0x2: {  	s0 =	stileid.u32;
	s14 =	simm.s32 $0x1C00;
	[smem:$0x7FF] =	sst s2  }
0x3: {  	s16 =	simm.s32 $0x2400;
	_ =	strace $0x80000050;
	[dreg:$0x3] =	wrdreg s14  }
0x4: {  	s17 =	simm.s32 $0x2C00;
	s6 =	simm.s32 $0x3400;
	[dreg:$0x4] =	wrdreg s16  }
0x5: {  	s18 =	simm.s32 $0x3C00;
	s19 =	simm.s32 $0x4400;
	[dreg:$0x5] =	wrdreg s17  }
0x6: {  	s20 =	simm.s32 $0x4C00;
	s21 =	simm.s32 $0x5400;
	[dreg:$0x6] =	wrdreg s6  }
0x7: {  	s22 =	simm.s32 $0x5C00;
	s23 =	simm.s32 $0x6400;
	[dreg:$0x7] =	wrdreg s18  }
0x8: {  	s25 =	simm.s32 $0x6C00;
	s26 =	simm.s32 $0x7400;
	[dreg:$0x8] =	wrdreg s19  }
0x9: {  	s31 =	simm.s32 $0x7C00;
	s8 =	simm.s32 $0x1400;
	[dreg:$0x9] =	wrdreg s20  }
0xa: {  	s9 =	simm.s32 $0x8400;
	s10 =	simm.s32 $0x8C00;
	[dreg:$0xa] =	wrdreg s21  }
0xb: {  	s11 =	simm.s32 $0x9400;
	s12 =	simm.s32 $0x9C00;
	[dreg:$0xb] =	wrdreg s22  }
0xc: {  	s13 =	simm.s32 $0xA400;
	s28 =	simm.s32 $0x1;
	[dreg:$0xc] =	wrdreg s23  }
0xd: {  	s29 =	simm.s32 $0x2;
	s30 =	simm.s32 $0x0;
	[dreg:$0xd] =	wrdreg s25  }
0xe: {  	s1 =	sand.u32 $0x1, s1;
	s3 =	smul.u32 $0xA0000, s0;
	[dreg:$0xe] =	wrdreg s26  }
0xf: {  	s15 =	sshll.u32 s0, $0x1;
	s4 =	smul.u32 $0x50000, s1;
	[dreg:$0xf] =	wrdreg s31  }
0x10: {  	s14 =	simm.s32 $0xAC00;
	s16 =	simm.s32 $0xBC00;
	s17 =	simm.s32 $0xC400  }
0x11: {  	s18 =	simm.s32 $0xCC00;
	s19 =	simm.s32 $0xD400;
	s20 =	simm.s32 $0xDC00  }
0x12: {  	s21 =	simm.s32 $0xE400;
	s22 =	simm.s32 $0xEC00;
	s3 =	sadd.s32 s3, s5  }
0x13: {  	s23 =	simm.s32 $0xF400;
	s3 =	sadd.s32 s4, s3;
	s4 =	sor.u32 s1, s15  }
0x14: {  	s25 =	simm.s32 $0x10400;
	s26 =	simm.s32 $0x10C00;
	s4 =	smul.u32 $0x1400, s4  }
0x15: {  	s1 =	ssub.s32 $0x2, s1;
	s15 =	simm.s32 $0xB400;
	s3 =	sadd.s32 $0x607A00, s3  }
0x16: {  	s7 =	sshrl.u32 s1, $0x1;
	[dreg:$0x2] =	wrdreg s3;
	s4 =	sshrl.u32 s4, $0x3  }
0x17: {  	v2 =	vlaneseq.u32;
	s3 =	sadd.s32 $0x567A00, s5;
	s1 =	ssub.s32 s1, s7;
	s4 =	sadd.s32 s4, s5  }
0x18: {  	vm0 =	vmmov $0xffff;
	v1 =	vshrl.u32 v2, $0x3;
	s7 =	simm.s32 $0x3;
	s6 =	smax.u32 s1, $0x1;
	s24 =	sadd.s32 $0x62A00, s4  }
0x19: {  	v0 =	vand.u32 $0x7, v2;
	v2 =	vor.u32 $0x8, v2;
	v1 =	vmul.u32 $0x8, v1;
	s5 =	sadd.s32 $0x567B00, s5;
	[dreg:$0x10] =	wrdreg s24;
	s24 =	simm.s32 $0xFC00  }
.LBB2_1:
0x1a: {  	s0 =	rddreg [dreg:$0x10]  }
0x1b: {  	[tilespmem:s2], [sflag:$0x3] =	stream.linear.gather [hbm4b:s0+s2], $0x1400, $0x38;
	[tilespmem:$0x11400] =	vst v63  }
0x1c: {  	_ =	swait.ge [sflag:s7], $0x1400  }
0x1d: {  	[sflag:s7] =	ssyncset.done $0x0  }
0x1e: {  	s31 =	simm.s32 $0x40;
	s1 =	simm.s32 $0x0;
	[sflag:s7] =	ssyncadd.s32 $0xFFFFEC00  }
.LBB2_2:
0x1f: {  	v3 =	vld [tilespmem:s31+$0xFFFFFFC0];
	_ =	sdelay $0x4  }
0x20: {  	v4 =	vshll.u32 v3, $0x2  }
0x21: {  	v3 =	vand.u32 $0x7, v3;
	v4 =	vand.u32 $0xFFFFFFE0, v4  }
0x22: {  	v3 =	vor.u32 v3, v4  }
0x23: {  	v4 =	vperm.xlane v3, v0;
	_ =	sdelay $0x1  }
0x24: {  	v4 =	vadd.s32 v1, v4;
	_ =	sdelay $0x1  }
0x25: {  	v3 =	vperm.xlane v3, v2;
	_ =	sdelay $0x1  }
0x26: {  	v3 =	vadd.s32 v1, v3  }
0x27: {  	[tilespmem:s8], [sflag:$0x1] =	stream.indirect_vreg.gather [hbm4b:s3+s2], $0x80, v4, vm0, $0xb8;
	[tilespmem:$0x11400] =	vst v63  }
0x28: {  	s0 =	rddreg [dreg:$0x3]  }
0x29: {  	[tilespmem:s0], [sflag:$0x1] =	stream.indirect_vreg.gather [hbm4b:s5+s2], $0x80, v4, vm0, $0xb8;
	[tilespmem:$0x11400] =	vst v63  }
0x2a: {  	s4 =	rddreg [dreg:$0x4]  }
0x2b: {  	[tilespmem:s4], [sflag:$0x1] =	stream.indirect_vreg.gather [hbm4b:s3+s2], $0x80, v3, vm0, $0xb8;
	[tilespmem:$0x11400] =	vst v63  }
0x2c: {  	s0 =	rddreg [dreg:$0x5]  }
0x2d: {  	[tilespmem:s0], [sflag:$0x1] =	stream.indirect_vreg.gather [hbm4b:s5+s2], $0x80, v3, vm0, $0xb8;
	[tilespmem:$0x11400] =	vst v63  }
0x2e: {  	v3 =	vld [tilespmem:s31+$0xFFFFFFD0];
	_ =	sdelay $0x4  }
0x2f: {  	v57 =	vshll.u32 v3, $0x2  }
0x30: {  	v3 =	vand.u32 $0x7, v3;
	v4 =	vand.u32 $0xFFFFFFE0, v57  }
0x31: {  	v3 =	vor.u32 v3, v4  }
0x32: {  	v4 =	vperm.xlane v3, v0;
	_ =	sdelay $0x1  }
0x33: {  	v4 =	vadd.s32 v1, v4;
	_ =	sdelay $0x1  }
0x34: {  	v3 =	vperm.xlane v3, v2;
	_ =	sdelay $0x1  }
0x35: {  	s0 =	rddreg [dreg:$0x6];
	v3 =	vadd.s32 v1, v3  }
0x36: {  	[tilespmem:s0], [sflag:$0x1] =	stream.indirect_vreg.gather [hbm4b:s3+s2], $0x80, v4, vm0, $0xb8;
	[tilespmem:$0x11400] =	vst v63  }
0x37: {  	s4 =	rddreg [dreg:$0x7]  }
0x38: {  	[tilespmem:s4], [sflag:$0x1] =	stream.indirect_vreg.gather [hbm4b:s5+s2], $0x80, v4, vm0, $0xb8;
	[tilespmem:$0x11400] =	vst v63  }
0x39: {  	s0 =	rddreg [dreg:$0x8]  }
0x3a: {  	[tilespmem:s0], [sflag:$0x1] =	stream.indirect_vreg.gather [hbm4b:s3+s2], $0x80, v3, vm0, $0xb8;
	[tilespmem:$0x11400] =	vst v63  }
0x3b: {  	s4 =	rddreg [dreg:$0x9]  }
0x3c: {  	[tilespmem:s4], [sflag:$0x1] =	stream.indirect_vreg.gather [hbm4b:s5+s2], $0x80, v3, vm0, $0xb8;
	[tilespmem:$0x11400] =	vst v63  }
0x3d: {  	v3 =	vld [tilespmem:s31+$0xFFFFFFE0];
	_ =	sdelay $0x4  }
0x3e: {  	v58 =	vshll.u32 v3, $0x2  }
0x3f: {  	v3 =	vand.u32 $0x7, v3;
	v4 =	vand.u32 $0xFFFFFFE0, v58  }
0x40: {  	v3 =	vor.u32 v3, v4  }
0x41: {  	v4 =	vperm.xlane v3, v0;
	_ =	sdelay $0x1  }
0x42: {  	v4 =	vadd.s32 v1, v4;
	_ =	sdelay $0x1  }
0x43: {  	v3 =	vperm.xlane v3, v2;
	_ =	sdelay $0x1  }
0x44: {  	s0 =	rddreg [dreg:$0xa];
	v3 =	vadd.s32 v1, v3  }
0x45: {  	[tilespmem:s0], [sflag:$0x1] =	stream.indirect_vreg.gather [hbm4b:s3+s2], $0x80, v4, vm0, $0xb8;
	[tilespmem:$0x11400] =	vst v63  }
0x46: {  	s4 =	rddreg [dreg:$0xb]  }
0x47: {  	[tilespmem:s4], [sflag:$0x1] =	stream.indirect_vreg.gather [hbm4b:s5+s2], $0x80, v4, vm0, $0xb8;
	[tilespmem:$0x11400] =	vst v63  }
0x48: {  	s0 =	rddreg [dreg:$0xc]  }
0x49: {  	[tilespmem:s0], [sflag:$0x1] =	stream.indirect_vreg.gather [hbm4b:s3+s2], $0x80, v3, vm0, $0xb8;
	[tilespmem:$0x11400] =	vst v63  }
0x4a: {  	s4 =	rddreg [dreg:$0xd]  }
0x4b: {  	[tilespmem:s4], [sflag:$0x1] =	stream.indirect_vreg.gather [hbm4b:s5+s2], $0x80, v3, vm0, $0xb8;
	[tilespmem:$0x11400] =	vst v63  }
0x4c: {  	v3 =	vld [tilespmem:s31+$0xFFFFFFF0];
	_ =	sdelay $0x4  }
0x4d: {  	v59 =	vshll.u32 v3, $0x2  }
0x4e: {  	v3 =	vand.u32 $0x7, v3;
	v4 =	vand.u32 $0xFFFFFFE0, v59  }
0x4f: {  	v3 =	vor.u32 v3, v4  }
0x50: {  	v4 =	vperm.xlane v3, v0;
	_ =	sdelay $0x1  }
0x51: {  	v4 =	vadd.s32 v1, v4;
	_ =	sdelay $0x1  }
0x52: {  	v3 =	vperm.xlane v3, v2;
	_ =	sdelay $0x1  }
0x53: {  	s0 =	rddreg [dreg:$0xe];
	v3 =	vadd.s32 v1, v3  }
0x54: {  	[tilespmem:s0], [sflag:$0x1] =	stream.indirect_vreg.gather [hbm4b:s3+s2], $0x80, v4, vm0, $0xb8;
	[tilespmem:$0x11400] =	vst v63  }
0x55: {  	s4 =	rddreg [dreg:$0xf]  }
0x56: {  	[tilespmem:s4], [sflag:$0x1] =	stream.indirect_vreg.gather [hbm4b:s5+s2], $0x80, v4, vm0, $0xb8;
	[tilespmem:$0x11400] =	vst v63  }
0x57: {  	_ = 	snop  }
0x58: {  	[tilespmem:s9], [sflag:$0x1] =	stream.indirect_vreg.gather [hbm4b:s3+s2], $0x80, v3, vm0, $0xb8;
	[tilespmem:$0x11400] =	vst v63  }
0x59: {  	_ = 	snop  }
0x5a: {  	[tilespmem:s10], [sflag:$0x1] =	stream.indirect_vreg.gather [hbm4b:s5+s2], $0x80, v3, vm0, $0xb8;
	[tilespmem:$0x11400] =	vst v63  }
0x5b: {  	v3 =	vld [tilespmem:s31+$0x0];
	_ =	sdelay $0x4  }
0x5c: {  	v60 =	vshll.u32 v3, $0x2  }
0x5d: {  	v3 =	vand.u32 $0x7, v3;
	v4 =	vand.u32 $0xFFFFFFE0, v60  }
0x5e: {  	v3 =	vor.u32 v3, v4  }
0x5f: {  	v4 =	vperm.xlane v3, v0;
	_ =	sdelay $0x1  }
0x60: {  	v4 =	vadd.s32 v1, v4;
	_ =	sdelay $0x1  }
0x61: {  	v3 =	vperm.xlane v3, v2;
	_ =	sdelay $0x1  }
0x62: {  	v3 =	vadd.s32 v1, v3  }
0x63: {  	[tilespmem:s11], [sflag:$0x2] =	stream.indirect_vreg.gather [hbm4b:s3+s2], $0x80, v4, vm0, $0xb8;
	[tilespmem:$0x11400] =	vst v63  }
0x64: {  	_ = 	snop  }
0x65: {  	[tilespmem:s12], [sflag:$0x2] =	stream.indirect_vreg.gather [hbm4b:s5+s2], $0x80, v4, vm0, $0xb8;
	[tilespmem:$0x11400] =	vst v63  }
0x66: {  	_ = 	snop  }
0x67: {  	[tilespmem:s13], [sflag:$0x2] =	stream.indirect_vreg.gather [hbm4b:s3+s2], $0x80, v3, vm0, $0xb8;
	[tilespmem:$0x11400] =	vst v63  }
0x68: {  	_ = 	snop  }
0x69: {  	[tilespmem:s14], [sflag:$0x2] =	stream.indirect_vreg.gather [hbm4b:s5+s2], $0x80, v3, vm0, $0xb8;
	[tilespmem:$0x11400] =	vst v63  }
0x6a: {  	v3 =	vld [tilespmem:s31+$0x10];
	_ =	sdelay $0x4  }
0x6b: {  	v61 =	vshll.u32 v3, $0x2  }
0x6c: {  	v3 =	vand.u32 $0x7, v3;
	v4 =	vand.u32 $0xFFFFFFE0, v61  }
0x6d: {  	v3 =	vor.u32 v3, v4  }
0x6e: {  	v4 =	vperm.xlane v3, v0;
	_ =	sdelay $0x1  }
0x6f: {  	v4 =	vadd.s32 v1, v4;
	_ =	sdelay $0x1  }
0x70: {  	v3 =	vperm.xlane v3, v2;
	_ =	sdelay $0x1  }
0x71: {  	v3 =	vadd.s32 v1, v3  }
0x72: {  	[tilespmem:s15], [sflag:$0x2] =	stream.indirect_vreg.gather [hbm4b:s3+s2], $0x80, v4, vm0, $0xb8;
	[tilespmem:$0x11400] =	vst v63  }
0x73: {  	_ = 	snop  }
0x74: {  	[tilespmem:s16], [sflag:$0x2] =	stream.indirect_vreg.gather [hbm4b:s5+s2], $0x80, v4, vm0, $0xb8;
	[tilespmem:$0x11400] =	vst v63  }
0x75: {  	_ = 	snop  }
0x76: {  	[tilespmem:s17], [sflag:$0x2] =	stream.indirect_vreg.gather [hbm4b:s3+s2], $0x80, v3, vm0, $0xb8;
	[tilespmem:$0x11400] =	vst v63  }
0x77: {  	_ = 	snop  }
0x78: {  	[tilespmem:s18], [sflag:$0x2] =	stream.indirect_vreg.gather [hbm4b:s5+s2], $0x80, v3, vm0, $0xb8;
	[tilespmem:$0x11400] =	vst v63  }
0x79: {  	v3 =	vld [tilespmem:s31+$0x20];
	_ =	sdelay $0x4  }
0x7a: {  	v62 =	vshll.u32 v3, $0x2  }
0x7b: {  	v3 =	vand.u32 $0x7, v3;
	v4 =	vand.u32 $0xFFFFFFE0, v62  }
0x7c: {  	v3 =	vor.u32 v3, v4  }
0x7d: {  	v4 =	vperm.xlane v3, v0;
	_ =	sdelay $0x1  }
0x7e: {  	v4 =	vadd.s32 v1, v4;
	_ =	sdelay $0x1  }
0x7f: {  	v3 =	vperm.xlane v3, v2;
	_ =	sdelay $0x1  }
0x80: {  	v3 =	vadd.s32 v1, v3  }
0x81: {  	[tilespmem:s19], [sflag:$0x2] =	stream.indirect_vreg.gather [hbm4b:s3+s2], $0x80, v4, vm0, $0xb8;
	[tilespmem:$0x11400] =	vst v63  }
0x82: {  	_ = 	snop  }
0x83: {  	[tilespmem:s20], [sflag:$0x2] =	stream.indirect_vreg.gather [hbm4b:s5+s2], $0x80, v4, vm0, $0xb8;
	[tilespmem:$0x11400] =	vst v63  }
0x84: {  	_ = 	snop  }
0x85: {  	[tilespmem:s21], [sflag:$0x2] =	stream.indirect_vreg.gather [hbm4b:s3+s2], $0x80, v3, vm0, $0xb8;
	[tilespmem:$0x11400] =	vst v63  }
0x86: {  	_ = 	snop  }
0x87: {  	[tilespmem:s22], [sflag:$0x2] =	stream.indirect_vreg.gather [hbm4b:s5+s2], $0x80, v3, vm0, $0xb8;
	[tilespmem:$0x11400] =	vst v63  }
0x88: {  	v3 =	vld [tilespmem:s31+$0x30];
	_ =	sdelay $0x4  }
0x89: {  	v63 =	vshll.u32 v3, $0x2  }
0x8a: {  	v3 =	vand.u32 $0x7, v3;
	v4 =	vand.u32 $0xFFFFFFE0, v63  }
0x8b: {  	v3 =	vor.u32 v3, v4  }
0x8c: {  	v4 =	vperm.xlane v3, v0;
	_ =	sdelay $0x1  }
0x8d: {  	v4 =	vadd.s32 v1, v4;
	_ =	sdelay $0x1  }
0x8e: {  	v3 =	vperm.xlane v3, v2;
	_ =	sdelay $0x1  }
0x8f: {  	v3 =	vadd.s32 v1, v3  }
0x90: {  	[tilespmem:s23], [sflag:$0x2] =	stream.indirect_vreg.gather [hbm4b:s3+s2], $0x80, v4, vm0, $0xb8;
	[tilespmem:$0x11400] =	vst v63  }
0x91: {  	_ = 	snop  }
0x92: {  	[tilespmem:s24], [sflag:$0x2] =	stream.indirect_vreg.gather [hbm4b:s5+s2], $0x80, v4, vm0, $0xb8;
	[tilespmem:$0x11400] =	vst v63  }
0x93: {  	_ = 	snop  }
0x94: {  	[tilespmem:s25], [sflag:$0x2] =	stream.indirect_vreg.gather [hbm4b:s3+s2], $0x80, v3, vm0, $0xb8;
	[tilespmem:$0x11400] =	vst v63  }
0x95: {  	_ = 	snop  }
0x96: {  	[tilespmem:s26], [sflag:$0x2] =	stream.indirect_vreg.gather [hbm4b:s5+s2], $0x80, v3, vm0, $0xb8;
	[tilespmem:$0x11400] =	vst v63  }
0x97: {  	_ =	swait.ge [sflag:s28], $0x8000  }
0x98: {  	s4 =	rddreg [dreg:$0x2];
	[sflag:s28] =	ssyncset.done $0x0  }
0x99: {  	[sflag:s28] =	ssyncadd.s32 $0xFFFF8000;
	s0 =	sadd.s32 s1, s4  }
0x9a: {  	[hbm4b:s0+s2] =	stream.linear.scatter [tilespmem:s8], [sflag:$0x3], $0x8000, $0x38;
	[tilespmem:$0x11400] =	vst v63  }
0x9b: {  	_ =	swait.ge [sflag:s7], $0x8000  }
0x9c: {  	[sflag:s7] =	ssyncset.done $0x0  }
0x9d: {  	[sflag:s7] =	ssyncadd.s32 $0xFFFF8000  }
0x9e: {  	_ =	swait.ge [sflag:s29], $0x8000  }
0x9f: {  	p0 =	sne.s32 s1, $0x4E000;
	[sflag:s29] =	ssyncset.done $0x0  }
.Ltmp0:
0xa0: {  	s0 =	sadd.s32 $0x1000, s0;
	[sflag:s29] =	ssyncadd.s32 $0xFFFF8000;
	(pc) =	sbr.rel @p0 .LBB2_2-.Ltmp0, $4  }
0xa1: {  	[hbm4b:s0+s2] =	stream.linear.scatter [tilespmem:s11], [sflag:$0x3], $0x8000, $0x38;
	[tilespmem:$0x11400] =	vst v63  }
0xa2: {  	_ =	swait.ge [sflag:s7], $0x8000  }
0xa3: {  	[sflag:s7] =	ssyncset.done $0x0  }
0xa4: {  	s31 =	sadd.s32 $0x80, s31;
	s1 =	sadd.s32 $0x2000, s1;
	[sflag:s7] =	ssyncadd.s32 $0xFFFF8000  }
0xa5: {  	s30 =	sadd.s32 $0x1, s30  }
0xa6: {  	p0 =	sne.s32 s30, s6  }
.Ltmp1:
0xa7: {  	_ = 	snop;
	(pc) =	sbr.rel @p0 .LBB2_1-.Ltmp1, $1  }
0xa8: {  	_ =	sdelay $0x3  }
0xa9: {  	_ =	sfence.sel $0x180000  }
0xaa: {  	[bflag:$0x0] =	sbarrier.arrive $0xFFFF  }
0xab: {  	_ =	strace $0x90000050  }
0xac: {  	s0 =	stileid.u32;
	[bflag:$0x2] =	sbarrier.arrive $0xFFFF  }
0xad: {  	p0 =	sne.s32 s0, $0x0;
	s0 =	rddreg [dreg:$0x1]  }
0xae: {  	s0 =	sadd.s32 @!p0 $0x100000, s0  }
0xaf: {  	[sflag:s0] =	ssyncadd.tile.s32 @!p0 $0x1;
	_ =	shalt  }
.Lfunc_end2:
_tile_overlayer_lowered:
.L_overlay_start_2:
0xb0: {  	(tag) =	ssettag $0x2  }
0xb1: {  	s0 =	rddreg [dreg:$0x0];
	s2 =	stileid.u32  }
0xb2: {  	s1 =	rddreg [dreg:$0x1];
	p0 =	sne.s32 s2, $0x0  }
0xb3: {  	s3 =	rddreg [dreg:$0x2];
	[bflag:$0x3] =	sbarrier.arrive $0xFFFF;
	s2 =	simm.s32 @!p0 $0x1C03  }
0xb4: {  	[timem:s3], [sflag:s2] =	dma.local @!p0 [hbm:s0], s1  }
0xb5: {  	s0 =	simm.s32 @!p0 $0x3  }
0xb6: {  	_ =	swait.ge @!p0 [sflag:s0], s1  }
0xb7: {  	s1 =	ssub.s32 @!p0 $0x0, s1;
	[sflag:s0] =	ssyncset.done @!p0 $0x0  }
0xb8: {  	[sflag:s0] =	ssyncadd.s32 @!p0 s1  }
0xb9: {  	[bflag:$0x3] =	sbarrier.arrive $0xFFFF  }
0xba: {  	_ =	shalt  }

// kernel: kernel.15.cloned.1.call-start
scs
__scs_entry_jumppad:
0x0: {  	(pc) =	sbr.rel $0x88, $3  }
0x1: {  	(tag) =	ssettag $0x0;
	lr =	simm.s32 $0x1  }
0x2: {  	[smem:$0x3F99] =	sst lr;
	_ =	strace $0xD0000000  }
0x3: {  	_ = 	snop  }
0x4: {  	_ = 	snop  }
0x5: {  	_ = 	snop  }
0x6: {  	_ = 	snop  }
0x7: {  	_ = 	snop  }
__scs_overlays_trampoline_lowered:
0x8: {  	[smem:$0x3FA8] =	sst s0  }
0x9: {  	[smem:$0x3FA9] =	sst s1  }
0xa: {  	[smem:$0x3FAA] =	sst s2  }
0xb: {  	[smem:$0x3FAB] =	sst s3  }
0xc: {  	[smem:$0x3FAC] =	sst s4  }
0xd: {  	[smem:$0x3FAD] =	sst s5  }
0xe: {  	[smem:$0x3FAE] =	sst s6  }
0xf: {  	[smem:$0x3FAF] =	sst s7  }
0x10: {  	[smem:$0x3FB0] =	sst s8  }
0x11: {  	[smem:$0x3FB1] =	sst s9;
	s0 =	simm.s32 @!p0 $0x0  }
0x12: {  	s1 =	sld [smem:$0x3F97];
	s0 =	simm.s32 @p0 $0x1  }
0x13: {  	[smem:$0x3FB2] =	sst s0;
	s0 =	simm.s32 @!p1 $0x0  }
0x14: {  	s2 =	sld [smem:$0x3F96];
	s0 =	simm.s32 @p1 $0x1  }
0x15: {  	[smem:$0x3FB3] =	sst s0;
	s0 =	simm.s32 @!p2 $0x0  }
0x16: {  	s3 =	sld [smem:$0x3FDB];
	s0 =	simm.s32 @p2 $0x1  }
0x17: {  	s4 =	simm.s32 $0x1BF5;
	[smem:$0x3FB5] =	sst s0  }
0x18: {  	s0 =	sld [smem:$0x3F98];
	_ =	swait.ge [sflag:s4], $0x0  }
0x19: {  	s7 =	sld [smem:$0x3F99]  }
0x1a: {  	s8 =	sadd.s32 $0xFFFFE003, lr  }
0x1b: {  	s9 =	sadd.s32 $0xFFFFFEF7, lr;
	s5 =	simm.s32 $0xFFFFFFFF;
	p2 =	slt.u32 s8, $0xFFFFF086  }
0x1c: {  	p1 =	slt.u32 s9, $0xF7A;
	s5 =	simm.s32 @!p2 $0x0  }
0x1d: {  	s5 =	simm.s32 @p1 $0x1;
	p0 =	seq.s32 s7, s2  }
0x1e: {  	s7 =	smul.u32 @!p0 $0xF7A, s2;
	p2 =	seq.s32 @!p0 s5, $0x0  }
0x1f: {  	s9 =	smul.u32 $0xF7A, s1;
	s8 =	simm.s32 @!p0 $0x1BF5;
	p2 =	por !p2, p0  }
0x20: {  	[sflag:s8] =	ssyncset.s32 @!p0 $0xFFFFF086;
	s6 =	sadd.s32 @!p0 s3, s7;
	s7 =	simm.s32 @!p0 $0x108  }
0x21: {  	s3 =	sadd.s32 s3, s9;
	s6 =	sadd.s32 @!p0 $0x88, s6;
	s7 =	simm.s32 @p2 $0x1082  }
0x22: {  	[simem:s7], [sflag:s8] =	dma.local @!p0 [hbm:s6], $0xF7A  }
0x23: {  	s9 =	sor.u32 $0xD0000000, s2;
	s6 =	simm.s32 $0x108;
	_ =	swait.ge @!p0 [sflag:s8], $0x0  }
0x24: {  	s3 =	sadd.s32 $0x88, s3;
	s6 =	simm.s32 @!p1 $0x1082;
	[sflag:s4] =	ssyncset.s32 $0xFFFFF086  }
0x25: {  	[simem:s6], [sflag:s4] =	dma.local [hbm:s3], $0xF7A  }
0x26: {  	[smem:$0x3F99] =	sst s1;
	(tag) =	ssettag s2;
	_ =	strace s9  }
0x27: {  	s1 =	sld [smem:$0x3FA9]  }
0x28: {  	s2 =	sld [smem:$0x3FAA]  }
0x29: {  	s4 =	sld [smem:$0x3FAC]  }
0x2a: {  	p0 =	seq.s32 s5, $0x0;
	s5 =	sld [smem:$0x3FAD]  }
0x2b: {  	s6 =	sld [smem:$0x3FAE]  }
0x2c: {  	s7 =	sld [smem:$0x3FAF]  }
0x2d: {  	s3 =	simm.s32 $0x108;
	s8 =	sld [smem:$0x3FB0]  }
0x2e: {  	s3 =	simm.s32 @!p0 $0x1082;
	s9 =	sld [smem:$0x3FB1]  }
0x2f: {  	lr =	sadd.s32 s0, s3;
	s0 =	sld [smem:$0x3FA8]  }
0x30: {  	s3 =	sld [smem:$0x3FAB]  }
0x31: {  	[smem:$0x3FB4] =	sst s10  }
0x32: {  	s10 =	sld [smem:$0x3FB2];
	_ =	sdelay $0x3  }
0x33: {  	p0 =	seq.s32 s10, $0x1;
	s10 =	sld [smem:$0x3FB4];
	_ =	sdelay $0x3  }
0x34: {  	[smem:$0x3FB4] =	sst s10  }
0x35: {  	s10 =	sld [smem:$0x3FB3];
	_ =	sdelay $0x3  }
0x36: {  	p1 =	seq.s32 s10, $0x1;
	s10 =	sld [smem:$0x3FB4];
	_ =	sdelay $0x3  }
0x37: {  	[smem:$0x3FB4] =	sst s10  }
0x38: {  	s10 =	sld [smem:$0x3FB5]  }
0x39: {  	_ = 	snop;
	(pc) =	sbr.ind lr, $3  }
0x3a: {  	_ = 	snop  }
0x3b: {  	_ = 	snop  }
0x3c: {  	p2 =	seq.s32 s10, $0x1;
	s10 =	sld [smem:$0x3FB4]  }
0x3d: {  	_ =	shalt  }
0x3e: {  	_ =	shalt  }
0x3f: {  	_ =	shalt  }
0x40: {  	_ =	shalt  }
0x41: {  	_ =	shalt  }
0x42: {  	_ =	shalt  }
0x43: {  	_ =	shalt  }
0x44: {  	_ =	shalt  }
0x45: {  	_ =	shalt  }
0x46: {  	_ =	shalt  }
0x47: {  	_ =	shalt  }
0x48: {  	_ =	shalt  }
0x49: {  	_ =	shalt  }
0x4a: {  	_ =	shalt  }
0x4b: {  	_ =	shalt  }
0x4c: {  	_ =	shalt  }
0x4d: {  	_ =	shalt  }
0x4e: {  	_ =	shalt  }
0x4f: {  	_ =	shalt  }
0x50: {  	_ =	shalt  }
0x51: {  	_ =	shalt  }
0x52: {  	_ =	shalt  }
0x53: {  	_ =	shalt  }
0x54: {  	_ =	shalt  }
0x55: {  	_ =	shalt  }
0x56: {  	_ =	shalt  }
0x57: {  	_ =	shalt  }
0x58: {  	_ =	shalt  }
0x59: {  	_ =	shalt  }
0x5a: {  	_ =	shalt  }
0x5b: {  	_ =	shalt  }
0x5c: {  	_ =	shalt  }
0x5d: {  	_ =	shalt  }
0x5e: {  	_ =	shalt  }
0x5f: {  	_ =	shalt  }
0x60: {  	_ =	shalt  }
0x61: {  	_ =	shalt  }
0x62: {  	_ =	shalt  }
0x63: {  	_ =	shalt  }
0x64: {  	_ =	shalt  }
0x65: {  	_ =	shalt  }
0x66: {  	_ =	shalt  }
0x67: {  	_ =	shalt  }
0x68: {  	_ =	shalt  }
0x69: {  	_ =	shalt  }
0x6a: {  	_ =	shalt  }
0x6b: {  	_ =	shalt  }
0x6c: {  	_ =	shalt  }
0x6d: {  	_ =	shalt  }
0x6e: {  	_ =	shalt  }
0x6f: {  	_ =	shalt  }
0x70: {  	_ =	shalt  }
0x71: {  	_ =	shalt  }
0x72: {  	_ =	shalt  }
0x73: {  	_ =	shalt  }
0x74: {  	_ =	shalt  }
0x75: {  	_ =	shalt  }
0x76: {  	_ =	shalt  }
0x77: {  	_ =	shalt  }
0x78: {  	_ =	shalt  }
0x79: {  	_ =	shalt  }
0x7a: {  	_ =	shalt  }
0x7b: {  	_ =	shalt  }
0x7c: {  	_ =	shalt  }
0x7d: {  	_ =	shalt  }
0x7e: {  	_ =	shalt  }
0x7f: {  	_ =	shalt  }
0x80: {  	_ =	shalt  }
0x81: {  	_ =	shalt  }
0x82: {  	_ =	shalt  }
0x83: {  	_ =	shalt  }
0x84: {  	_ =	shalt  }
0x85: {  	_ =	shalt  }
0x86: {  	_ =	shalt  }
0x87: {  	_ =	shalt  }
.Lfunc_end0:
.L_simem_size_0:
called_computation.4_lowered:
.L_overlay_start_0:
0x88: {  	s2 =	sld [smem:$0x3FD9]  }
0x89: {  	s3 =	sld [smem:$0x3FFE];
	_ =	sdelay $0x1  }
0x8a: {  	s1 =	srdreg.scid  }
0x8b: {  	s0 =	sand.u32 $0x1, s1  }
0x8c: {  	s16 =	sshll.u32 s0, $0xA;
	s2 =	sadd.s32 s3, s2  }
0x8d: {  	s2 =	sadd.s32 s2, s16  }
0x8e: {  	[smem:$0x3FC0] =	sst s2  }
0x8f: {  	_ = 	snop  }
0x90: {  	(tm) =	ssettm $0x1  }
0x91: {  	s17 =	sld [smem:$0x3FFB];
	_ =	sdelay $0x3  }
0x92: {  	_ =	strace s17  }
0x93: {  	s2 =	sld [smem:$0x3FFC];
	_ =	sdelay $0x3  }
0x94: {  	_ =	strace s2  }
0x95: {  	s2 =	sld [smem:$0x3FFD];
	_ =	sdelay $0x3  }
0x96: {  	_ =	strace s2  }
0x97: {  	_ =	strace $0x8FFFFFFF  }
0x98: {  	s18 =	sld [smem:$0x3FDB];
	_ =	sdelay $0x1  }
0x99: {  	s19 =	simm.s32 $_scs_section_size  }
0x9a: {  	s4 =	simm.s32 $_size__tile_overlayer_lowered;
	s5 =	simm.s32 $_tile_overlayer_lowered  }
0x9b: {  	s22 =	simm.s32 $0x1BFF;
	s21 =	sshll.u32 s5, $0x1;
	s2 =	sadd.s32 s19, s18  }
0x9c: {  	s6 =	simm.s32 $0x0;
	s20 =	sshll.u32 s4, $0x1;
	s4 =	sadd.s32 s21, s2  }
0x9d: {  	[timem:s6], [sflag:s22] =	dma.local [hbm:s4], s20  }
0x9e: {  	_ =	swait.ge [sflag:s22], s20  }
0x9f: {  	s3 =	ssub.s32 $0x0, s20;
	[sflag:s22] =	ssyncset.done $0x0  }
0xa0: {  	[sflag:s22] =	ssyncadd.s32 s3;
	_ =	sdelay $0x1  }
0xa1: {  	s23 =	simm.s32 $0x1B8B  }
0xa2: {  	_ =	swait.ge [sflag:s23], $0x1  }
0xa3: {  	[sflag:s23] =	ssyncset.done $0x0  }
0xa4: {  	s25 =	simm.s32 $0x1B8E;
	s24 =	sld [smem:$0x3FFE];
	[sflag:s23] =	ssyncadd.s32 $0xFFFFFFFF  }
0xa5: {  	s26 =	simm.s32 $execute0_lowered;
	[smem:$0x3FD2] =	sst s25  }
0xa6: {  	s4 =	sshll.u32 s26, $0x1;
	_ =	strace $0x80000052;
	[dreg:$0x1] =	wrdreg $0xFFFFFFFF  }
0xa7: {  	s28 =	simm.s32 $_size_execute0_lowered;
	s2 =	sadd.s32 s2, s4;
	[dreg:$0x0] =	wrdreg $0x0  }
0xa8: {  	s4 =	sshll.u32 s28, $0x1;
	[dreg:$0x2] =	wrdreg s2  }
0xa9: {  	[dreg:$0x3] =	wrdreg s4  }
0xaa: {  	[dreg:$0x4] =	wrdreg $0xC0  }
0xab: {  	_ =	task [dreg:s6], $0x5FFFF  }
0xac: {  	[dreg:$0x1] =	wrdreg $0xFFFFFFFF  }
0xad: {  	[dreg:$0x0] =	wrdreg $0x60  }
0xae: {  	[dreg:$0x2] =	wrdreg s24  }
0xaf: {  	[dreg:$0x3] =	wrdreg $0x9  }
0xb0: {  	_ =	task.clear_ibuf [dreg:s6], $0x4FFFF;
	_ =	strace $0x90000052  }
0xb1: {  	s29 =	simm.s32 $0x9;
	_ =	strace $0x80000054  }
0xb2: {  	_ =	swait.ge [sflag:s29], $0x1  }
0xb3: {  	[sflag:s29] =	ssyncadd.s32 $0xFFFFFFFF  }
0xb4: {  	_ =	strace $0x90000054  }
0xb5: {  	_ =	sfence  }
0xb6: {  	s30 =	sld [smem:$0x0];
	_ =	sdelay $0x2  }
0xb7: {  	s31 =	sshll.u32 s1, $0xD;
	s1 =	sshrl.u32 s1, $0x2  }
0xb8: {  	s3 =	sand.u32 $0x4000, s31;
	s1 =	sadd.s32 s1, s30  }
0xb9: {  	s0 =	sor.u32 s3, s0;
	s1 =	sshll.u32 s1, $0x11  }
0xba: {  	s0 =	sor.u32 s1, s0  }
0xbb: {  	s0 =	sadd.s32 $0x8F2B, s0  }
0xbc: {  	[sflag:s0] =	ssyncadd.remote.s32 $0x1  }
0xbd: {  	_ =	sfence.sel $0xFFFF  }
0xbe: {  	[dreg:$0x0] =	wrdreg $0xFFFFFFFF;
	(pc) =	sbr.abs _section_cstart, $3  }
0xbf: {  	[dreg:$0x1] =	wrdreg $0xFFFFFFFF  }
0xc0: {  	_ =	task.clear_ibuf [dreg:s6], $0x2FFFF;
	_ =	strace $0x9FFFFFFF  }
0xc1: {  	(tm) =	ssettm $0x7FFFFFFF  }
tec
execute0_lowered:
.L_overlay_start_1:
0x0: {  	(tag) =	ssettag $0x1  }
0x1: {  	s1 =	srdreg.scid  }
0x2: {  	s0 =	stileid.u32;
	s4 =	rddreg [dreg:$0x0];
	s2 =	simm.s32 $0x0  }
0x3: {  	s15 =	simm.s32 $0x1C00;
	s16 =	simm.s32 $0x2400;
	s6 =	simm.s32 $0x2C00  }
0x4: {  	s17 =	simm.s32 $0x3400;
	s18 =	simm.s32 $0x3C00;
	[smem:$0x7FF] =	sst s2  }
0x5: {  	s19 =	simm.s32 $0x4400;
	_ =	strace $0x80000053;
	[dreg:$0x3] =	wrdreg s15  }
0x6: {  	s20 =	simm.s32 $0x4C00;
	s22 =	simm.s32 $0x5400;
	[dreg:$0x4] =	wrdreg s16  }
0x7: {  	s23 =	simm.s32 $0x5C00;
	s25 =	simm.s32 $0x6400;
	[dreg:$0x5] =	wrdreg s6  }
0x8: {  	s26 =	simm.s32 $0x6C00;
	s31 =	simm.s32 $0x7400;
	[dreg:$0x6] =	wrdreg s17  }
0x9: {  	s7 =	simm.s32 $0x1400;
	s8 =	simm.s32 $0x7C00;
	[dreg:$0x7] =	wrdreg s18  }
0xa: {  	s9 =	simm.s32 $0x8400;
	s10 =	simm.s32 $0x8C00;
	[dreg:$0x8] =	wrdreg s19  }
0xb: {  	s11 =	simm.s32 $0x9400;
	s12 =	simm.s32 $0x9C00;
	[dreg:$0x9] =	wrdreg s20  }
0xc: {  	s13 =	simm.s32 $0xA400;
	s28 =	simm.s32 $0x1;
	[dreg:$0xa] =	wrdreg s22  }
0xd: {  	s29 =	simm.s32 $0x2;
	s30 =	simm.s32 $0x0;
	[dreg:$0xb] =	wrdreg s23  }
0xe: {  	s1 =	sand.u32 $0x1, s1;
	s3 =	smul.u32 $0x50000, s0;
	[dreg:$0xc] =	wrdreg s25  }
0xf: {  	s14 =	sshll.u32 s0, $0x1;
	s5 =	smul.u32 $0x28000, s1;
	[dreg:$0xd] =	wrdreg s26  }
0x10: {  	s6 =	simm.s32 $0x3;
	[dreg:$0xe] =	wrdreg s31;
	s15 =	simm.s32 $0xB400  }
0x11: {  	s16 =	simm.s32 $0xBC00;
	s17 =	simm.s32 $0xC400;
	s18 =	simm.s32 $0xCC00  }
0x12: {  	s19 =	simm.s32 $0xD400;
	s20 =	simm.s32 $0xDC00;
	s3 =	sadd.s32 s3, s4  }
0x13: {  	s22 =	simm.s32 $0xEC00;
	s3 =	sadd.s32 s5, s3;
	s5 =	sor.u32 s1, s14  }
0x14: {  	s23 =	simm.s32 $0xF400;
	s25 =	simm.s32 $0x10400;
	s5 =	smul.u32 $0x1400, s5  }
0x15: {  	s26 =	simm.s32 $0x10C00;
	s1 =	ssub.s32 $0x2, s1;
	s14 =	simm.s32 $0xAC00  }
0x16: {  	s3 =	sadd.s32 $0x67A00, s3;
	s21 =	sshrl.u32 s1, $0x1;
	s5 =	sshrl.u32 s5, $0x3  }
0x17: {  	v2 =	vlaneseq.u32;
	[dreg:$0x2] =	wrdreg s3;
	s3 =	sadd.s32 $0x12A00, s4;
	s4 =	sadd.s32 s5, s4  }
0x18: {  	vm0 =	vmmov $0xffff;
	v1 =	vshrl.u32 v2, $0x3;
	s1 =	ssub.s32 s1, s21;
	s21 =	simm.s32 $0xE400;
	s24 =	sadd.s32 $0x62A00, s4  }
0x19: {  	v0 =	vand.u32 $0x7, v2;
	v2 =	vor.u32 $0x8, v2;
	v1 =	vmul.u32 $0x8, v1;
	s5 =	smax.u32 s1, $0x1;
	[dreg:$0xf] =	wrdreg s24;
	s24 =	simm.s32 $0xFC00  }
.LBB2_1:
0x1a: {  	s0 =	rddreg [dreg:$0xf]  }
0x1b: {  	[tilespmem:s2], [sflag:$0x3] =	stream.linear.gather [hbm4b:s0+s2], $0x1400, $0x38;
	[tilespmem:$0x11400] =	vst v63  }
0x1c: {  	_ =	swait.ge [sflag:s6], $0x1400  }
0x1d: {  	[sflag:s6] =	ssyncset.done $0x0  }
0x1e: {  	s31 =	simm.s32 $0x80;
	s1 =	simm.s32 $0x0;
	[sflag:s6] =	ssyncadd.s32 $0xFFFFEC00  }
.LBB2_2:
0x1f: {  	v3 =	vld [tilespmem:s31+$0xFFFFFF80];
	_ =	sdelay $0x4  }
0x20: {  	v4 =	vshll.u32 v3, $0x1  }
0x21: {  	v3 =	vand.u32 $0x7, v3;
	v4 =	vand.u32 $0xFFFFFFF0, v4  }
0x22: {  	v3 =	vor.u32 v3, v4  }
0x23: {  	v4 =	vperm.xlane v3, v0;
	_ =	sdelay $0x1  }
0x24: {  	v3 =	vperm.xlane v3, v2;
	v4 =	vadd.s32 v1, v4;
	_ =	sdelay $0x1  }
0x25: {  	v3 =	vadd.s32 v1, v3;
	_ =	sdelay $0x2  }
0x26: {  	[tilespmem:s7], [sflag:$0x1] =	stream.indirect_vreg.gather [hbm4b:s3+s2], $0x80, v4, vm0, $0xb8;
	[tilespmem:$0x11400] =	vst v63  }
0x27: {  	s0 =	rddreg [dreg:$0x3]  }
0x28: {  	[tilespmem:s0], [sflag:$0x1] =	stream.indirect_vreg.gather [hbm4b:s3+s2], $0x80, v3, vm0, $0xb8;
	[tilespmem:$0x11400] =	vst v63  }
0x29: {  	v3 =	vld [tilespmem:s31+$0xFFFFFF90];
	_ =	sdelay $0x4  }
0x2a: {  	v49 =	vshll.u32 v3, $0x1  }
0x2b: {  	v3 =	vand.u32 $0x7, v3;
	v4 =	vand.u32 $0xFFFFFFF0, v49  }
0x2c: {  	v3 =	vor.u32 v3, v4  }
0x2d: {  	v4 =	vperm.xlane v3, v0;
	_ =	sdelay $0x1  }
0x2e: {  	v3 =	vperm.xlane v3, v2;
	v4 =	vadd.s32 v1, v4;
	_ =	sdelay $0x1  }
0x2f: {  	v3 =	vadd.s32 v1, v3;
	_ =	sdelay $0x1  }
0x30: {  	s0 =	rddreg [dreg:$0x4]  }
0x31: {  	[tilespmem:s0], [sflag:$0x1] =	stream.indirect_vreg.gather [hbm4b:s3+s2], $0x80, v4, vm0, $0xb8;
	[tilespmem:$0x11400] =	vst v63  }
0x32: {  	s4 =	rddreg [dreg:$0x5]  }
0x33: {  	[tilespmem:s4], [sflag:$0x1] =	stream.indirect_vreg.gather [hbm4b:s3+s2], $0x80, v3, vm0, $0xb8;
	[tilespmem:$0x11400] =	vst v63  }
0x34: {  	v3 =	vld [tilespmem:s31+$0xFFFFFFA0];
	_ =	sdelay $0x4  }
0x35: {  	v50 =	vshll.u32 v3, $0x1  }
0x36: {  	v3 =	vand.u32 $0x7, v3;
	v4 =	vand.u32 $0xFFFFFFF0, v50  }
0x37: {  	v3 =	vor.u32 v3, v4  }
0x38: {  	v4 =	vperm.xlane v3, v0;
	_ =	sdelay $0x1  }
0x39: {  	v3 =	vperm.xlane v3, v2;
	v4 =	vadd.s32 v1, v4;
	_ =	sdelay $0x1  }
0x3a: {  	v3 =	vadd.s32 v1, v3;
	_ =	sdelay $0x1  }
0x3b: {  	s0 =	rddreg [dreg:$0x6]  }
0x3c: {  	[tilespmem:s0], [sflag:$0x1] =	stream.indirect_vreg.gather [hbm4b:s3+s2], $0x80, v4, vm0, $0xb8;
	[tilespmem:$0x11400] =	vst v63  }
0x3d: {  	s4 =	rddreg [dreg:$0x7]  }
0x3e: {  	[tilespmem:s4], [sflag:$0x1] =	stream.indirect_vreg.gather [hbm4b:s3+s2], $0x80, v3, vm0, $0xb8;
	[tilespmem:$0x11400] =	vst v63  }
0x3f: {  	v3 =	vld [tilespmem:s31+$0xFFFFFFB0];
	_ =	sdelay $0x4  }
0x40: {  	v51 =	vshll.u32 v3, $0x1  }
0x41: {  	v3 =	vand.u32 $0x7, v3;
	v4 =	vand.u32 $0xFFFFFFF0, v51  }
0x42: {  	v3 =	vor.u32 v3, v4  }
0x43: {  	v4 =	vperm.xlane v3, v0;
	_ =	sdelay $0x1  }
0x44: {  	v3 =	vperm.xlane v3, v2;
	v4 =	vadd.s32 v1, v4;
	_ =	sdelay $0x1  }
0x45: {  	v3 =	vadd.s32 v1, v3;
	_ =	sdelay $0x1  }
0x46: {  	s0 =	rddreg [dreg:$0x8]  }
0x47: {  	[tilespmem:s0], [sflag:$0x1] =	stream.indirect_vreg.gather [hbm4b:s3+s2], $0x80, v4, vm0, $0xb8;
	[tilespmem:$0x11400] =	vst v63  }
0x48: {  	s4 =	rddreg [dreg:$0x9]  }
0x49: {  	[tilespmem:s4], [sflag:$0x1] =	stream.indirect_vreg.gather [hbm4b:s3+s2], $0x80, v3, vm0, $0xb8;
	[tilespmem:$0x11400] =	vst v63  }
0x4a: {  	v3 =	vld [tilespmem:s31+$0xFFFFFFC0];
	_ =	sdelay $0x4  }
0x4b: {  	v52 =	vshll.u32 v3, $0x1  }
0x4c: {  	v3 =	vand.u32 $0x7, v3;
	v4 =	vand.u32 $0xFFFFFFF0, v52  }
0x4d: {  	v3 =	vor.u32 v3, v4  }
0x4e: {  	v4 =	vperm.xlane v3, v0;
	_ =	sdelay $0x1  }
0x4f: {  	v3 =	vperm.xlane v3, v2;
	v4 =	vadd.s32 v1, v4;
	_ =	sdelay $0x1  }
0x50: {  	v3 =	vadd.s32 v1, v3;
	_ =	sdelay $0x1  }
0x51: {  	s0 =	rddreg [dreg:$0xa]  }
0x52: {  	[tilespmem:s0], [sflag:$0x1] =	stream.indirect_vreg.gather [hbm4b:s3+s2], $0x80, v4, vm0, $0xb8;
	[tilespmem:$0x11400] =	vst v63  }
0x53: {  	s4 =	rddreg [dreg:$0xb]  }
0x54: {  	[tilespmem:s4], [sflag:$0x1] =	stream.indirect_vreg.gather [hbm4b:s3+s2], $0x80, v3, vm0, $0xb8;
	[tilespmem:$0x11400] =	vst v63  }
0x55: {  	v3 =	vld [tilespmem:s31+$0xFFFFFFD0];
	_ =	sdelay $0x4  }
0x56: {  	v53 =	vshll.u32 v3, $0x1  }
0x57: {  	v3 =	vand.u32 $0x7, v3;
	v4 =	vand.u32 $0xFFFFFFF0, v53  }
0x58: {  	v3 =	vor.u32 v3, v4  }
0x59: {  	v4 =	vperm.xlane v3, v0;
	_ =	sdelay $0x1  }
0x5a: {  	v3 =	vperm.xlane v3, v2;
	v4 =	vadd.s32 v1, v4;
	_ =	sdelay $0x1  }
0x5b: {  	v3 =	vadd.s32 v1, v3;
	_ =	sdelay $0x1  }
0x5c: {  	s0 =	rddreg [dreg:$0xc]  }
0x5d: {  	[tilespmem:s0], [sflag:$0x1] =	stream.indirect_vreg.gather [hbm4b:s3+s2], $0x80, v4, vm0, $0xb8;
	[tilespmem:$0x11400] =	vst v63  }
0x5e: {  	s4 =	rddreg [dreg:$0xd]  }
0x5f: {  	[tilespmem:s4], [sflag:$0x1] =	stream.indirect_vreg.gather [hbm4b:s3+s2], $0x80, v3, vm0, $0xb8;
	[tilespmem:$0x11400] =	vst v63  }
0x60: {  	v3 =	vld [tilespmem:s31+$0xFFFFFFE0];
	_ =	sdelay $0x4  }
0x61: {  	v54 =	vshll.u32 v3, $0x1  }
0x62: {  	v3 =	vand.u32 $0x7, v3;
	v4 =	vand.u32 $0xFFFFFFF0, v54  }
0x63: {  	v3 =	vor.u32 v3, v4  }
0x64: {  	v4 =	vperm.xlane v3, v0;
	_ =	sdelay $0x1  }
0x65: {  	v3 =	vperm.xlane v3, v2;
	v4 =	vadd.s32 v1, v4;
	_ =	sdelay $0x1  }
0x66: {  	v3 =	vadd.s32 v1, v3;
	_ =	sdelay $0x1  }
0x67: {  	s4 =	rddreg [dreg:$0xe]  }
0x68: {  	[tilespmem:s4], [sflag:$0x1] =	stream.indirect_vreg.gather [hbm4b:s3+s2], $0x80, v4, vm0, $0xb8;
	[tilespmem:$0x11400] =	vst v63  }
0x69: {  	_ = 	snop  }
0x6a: {  	[tilespmem:s8], [sflag:$0x1] =	stream.indirect_vreg.gather [hbm4b:s3+s2], $0x80, v3, vm0, $0xb8;
	[tilespmem:$0x11400] =	vst v63  }
0x6b: {  	v3 =	vld [tilespmem:s31+$0xFFFFFFF0];
	_ =	sdelay $0x4  }
0x6c: {  	v55 =	vshll.u32 v3, $0x1  }
0x6d: {  	v3 =	vand.u32 $0x7, v3;
	v4 =	vand.u32 $0xFFFFFFF0, v55  }
0x6e: {  	v3 =	vor.u32 v3, v4  }
0x6f: {  	v4 =	vperm.xlane v3, v0;
	_ =	sdelay $0x1  }
0x70: {  	v3 =	vperm.xlane v3, v2;
	v4 =	vadd.s32 v1, v4;
	_ =	sdelay $0x1  }
0x71: {  	v3 =	vadd.s32 v1, v3;
	_ =	sdelay $0x2  }
0x72: {  	[tilespmem:s9], [sflag:$0x1] =	stream.indirect_vreg.gather [hbm4b:s3+s2], $0x80, v4, vm0, $0xb8;
	[tilespmem:$0x11400] =	vst v63  }
0x73: {  	_ = 	snop  }
0x74: {  	[tilespmem:s10], [sflag:$0x1] =	stream.indirect_vreg.gather [hbm4b:s3+s2], $0x80, v3, vm0, $0xb8;
	[tilespmem:$0x11400] =	vst v63  }
0x75: {  	v3 =	vld [tilespmem:s31+$0x0];
	_ =	sdelay $0x4  }
0x76: {  	v56 =	vshll.u32 v3, $0x1  }
0x77: {  	v3 =	vand.u32 $0x7, v3;
	v4 =	vand.u32 $0xFFFFFFF0, v56  }
0x78: {  	v3 =	vor.u32 v3, v4  }
0x79: {  	v4 =	vperm.xlane v3, v0;
	_ =	sdelay $0x1  }
0x7a: {  	v3 =	vperm.xlane v3, v2;
	v4 =	vadd.s32 v1, v4;
	_ =	sdelay $0x1  }
0x7b: {  	v3 =	vadd.s32 v1, v3;
	_ =	sdelay $0x2  }
0x7c: {  	[tilespmem:s11], [sflag:$0x2] =	stream.indirect_vreg.gather [hbm4b:s3+s2], $0x80, v4, vm0, $0xb8;
	[tilespmem:$0x11400] =	vst v63  }
0x7d: {  	_ = 	snop  }
0x7e: {  	[tilespmem:s12], [sflag:$0x2] =	stream.indirect_vreg.gather [hbm4b:s3+s2], $0x80, v3, vm0, $0xb8;
	[tilespmem:$0x11400] =	vst v63  }
0x7f: {  	v3 =	vld [tilespmem:s31+$0x10];
	_ =	sdelay $0x4  }
0x80: {  	v57 =	vshll.u32 v3, $0x1  }
0x81: {  	v3 =	vand.u32 $0x7, v3;
	v4 =	vand.u32 $0xFFFFFFF0, v57  }
0x82: {  	v3 =	vor.u32 v3, v4  }
0x83: {  	v4 =	vperm.xlane v3, v0;
	_ =	sdelay $0x1  }
0x84: {  	v3 =	vperm.xlane v3, v2;
	v4 =	vadd.s32 v1, v4;
	_ =	sdelay $0x1  }
0x85: {  	v3 =	vadd.s32 v1, v3;
	_ =	sdelay $0x2  }
0x86: {  	[tilespmem:s13], [sflag:$0x2] =	stream.indirect_vreg.gather [hbm4b:s3+s2], $0x80, v4, vm0, $0xb8;
	[tilespmem:$0x11400] =	vst v63  }
0x87: {  	_ = 	snop  }
0x88: {  	[tilespmem:s14], [sflag:$0x2] =	stream.indirect_vreg.gather [hbm4b:s3+s2], $0x80, v3, vm0, $0xb8;
	[tilespmem:$0x11400] =	vst v63  }
0x89: {  	v3 =	vld [tilespmem:s31+$0x20];
	_ =	sdelay $0x4  }
0x8a: {  	v58 =	vshll.u32 v3, $0x1  }
0x8b: {  	v3 =	vand.u32 $0x7, v3;
	v4 =	vand.u32 $0xFFFFFFF0, v58  }
0x8c: {  	v3 =	vor.u32 v3, v4  }
0x8d: {  	v4 =	vperm.xlane v3, v0;
	_ =	sdelay $0x1  }
0x8e: {  	v3 =	vperm.xlane v3, v2;
	v4 =	vadd.s32 v1, v4;
	_ =	sdelay $0x1  }
0x8f: {  	v3 =	vadd.s32 v1, v3;
	_ =	sdelay $0x2  }
0x90: {  	[tilespmem:s15], [sflag:$0x2] =	stream.indirect_vreg.gather [hbm4b:s3+s2], $0x80, v4, vm0, $0xb8;
	[tilespmem:$0x11400] =	vst v63  }
0x91: {  	_ = 	snop  }
0x92: {  	[tilespmem:s16], [sflag:$0x2] =	stream.indirect_vreg.gather [hbm4b:s3+s2], $0x80, v3, vm0, $0xb8;
	[tilespmem:$0x11400] =	vst v63  }
0x93: {  	v3 =	vld [tilespmem:s31+$0x30];
	_ =	sdelay $0x4  }
0x94: {  	v59 =	vshll.u32 v3, $0x1  }
0x95: {  	v3 =	vand.u32 $0x7, v3;
	v4 =	vand.u32 $0xFFFFFFF0, v59  }
0x96: {  	v3 =	vor.u32 v3, v4  }
0x97: {  	v4 =	vperm.xlane v3, v0;
	_ =	sdelay $0x1  }
0x98: {  	v3 =	vperm.xlane v3, v2;
	v4 =	vadd.s32 v1, v4;
	_ =	sdelay $0x1  }
0x99: {  	v3 =	vadd.s32 v1, v3;
	_ =	sdelay $0x2  }
0x9a: {  	[tilespmem:s17], [sflag:$0x2] =	stream.indirect_vreg.gather [hbm4b:s3+s2], $0x80, v4, vm0, $0xb8;
	[tilespmem:$0x11400] =	vst v63  }
0x9b: {  	_ = 	snop  }
0x9c: {  	[tilespmem:s18], [sflag:$0x2] =	stream.indirect_vreg.gather [hbm4b:s3+s2], $0x80, v3, vm0, $0xb8;
	[tilespmem:$0x11400] =	vst v63  }
0x9d: {  	v3 =	vld [tilespmem:s31+$0x40];
	_ =	sdelay $0x4  }
0x9e: {  	v60 =	vshll.u32 v3, $0x1  }
0x9f: {  	v3 =	vand.u32 $0x7, v3;
	v4 =	vand.u32 $0xFFFFFFF0, v60  }
0xa0: {  	v3 =	vor.u32 v3, v4  }
0xa1: {  	v4 =	vperm.xlane v3, v0;
	_ =	sdelay $0x1  }
0xa2: {  	v3 =	vperm.xlane v3, v2;
	v4 =	vadd.s32 v1, v4;
	_ =	sdelay $0x1  }
0xa3: {  	v3 =	vadd.s32 v1, v3;
	_ =	sdelay $0x2  }
0xa4: {  	[tilespmem:s19], [sflag:$0x2] =	stream.indirect_vreg.gather [hbm4b:s3+s2], $0x80, v4, vm0, $0xb8;
	[tilespmem:$0x11400] =	vst v63  }
0xa5: {  	_ = 	snop  }
0xa6: {  	[tilespmem:s20], [sflag:$0x2] =	stream.indirect_vreg.gather [hbm4b:s3+s2], $0x80, v3, vm0, $0xb8;
	[tilespmem:$0x11400] =	vst v63  }
0xa7: {  	v3 =	vld [tilespmem:s31+$0x50];
	_ =	sdelay $0x4  }
0xa8: {  	v61 =	vshll.u32 v3, $0x1  }
0xa9: {  	v3 =	vand.u32 $0x7, v3;
	v4 =	vand.u32 $0xFFFFFFF0, v61  }
0xaa: {  	v3 =	vor.u32 v3, v4  }
0xab: {  	v4 =	vperm.xlane v3, v0;
	_ =	sdelay $0x1  }
0xac: {  	v3 =	vperm.xlane v3, v2;
	v4 =	vadd.s32 v1, v4;
	_ =	sdelay $0x1  }
0xad: {  	v3 =	vadd.s32 v1, v3;
	_ =	sdelay $0x2  }
0xae: {  	[tilespmem:s21], [sflag:$0x2] =	stream.indirect_vreg.gather [hbm4b:s3+s2], $0x80, v4, vm0, $0xb8;
	[tilespmem:$0x11400] =	vst v63  }
0xaf: {  	_ = 	snop  }
0xb0: {  	[tilespmem:s22], [sflag:$0x2] =	stream.indirect_vreg.gather [hbm4b:s3+s2], $0x80, v3, vm0, $0xb8;
	[tilespmem:$0x11400] =	vst v63  }
0xb1: {  	v3 =	vld [tilespmem:s31+$0x60];
	_ =	sdelay $0x4  }
0xb2: {  	v62 =	vshll.u32 v3, $0x1  }
0xb3: {  	v3 =	vand.u32 $0x7, v3;
	v4 =	vand.u32 $0xFFFFFFF0, v62  }
0xb4: {  	v3 =	vor.u32 v3, v4  }
0xb5: {  	v4 =	vperm.xlane v3, v0;
	_ =	sdelay $0x1  }
0xb6: {  	v3 =	vperm.xlane v3, v2;
	v4 =	vadd.s32 v1, v4;
	_ =	sdelay $0x1  }
0xb7: {  	v3 =	vadd.s32 v1, v3;
	_ =	sdelay $0x2  }
0xb8: {  	[tilespmem:s23], [sflag:$0x2] =	stream.indirect_vreg.gather [hbm4b:s3+s2], $0x80, v4, vm0, $0xb8;
	[tilespmem:$0x11400] =	vst v63  }
0xb9: {  	_ = 	snop  }
0xba: {  	[tilespmem:s24], [sflag:$0x2] =	stream.indirect_vreg.gather [hbm4b:s3+s2], $0x80, v3, vm0, $0xb8;
	[tilespmem:$0x11400] =	vst v63  }
0xbb: {  	v3 =	vld [tilespmem:s31+$0x70];
	_ =	sdelay $0x4  }
0xbc: {  	v63 =	vshll.u32 v3, $0x1  }
0xbd: {  	v3 =	vand.u32 $0x7, v3;
	v4 =	vand.u32 $0xFFFFFFF0, v63  }
0xbe: {  	v3 =	vor.u32 v3, v4  }
0xbf: {  	v4 =	vperm.xlane v3, v0;
	_ =	sdelay $0x1  }
0xc0: {  	v3 =	vperm.xlane v3, v2;
	v4 =	vadd.s32 v1, v4;
	_ =	sdelay $0x1  }
0xc1: {  	v3 =	vadd.s32 v1, v3;
	_ =	sdelay $0x2  }
0xc2: {  	[tilespmem:s25], [sflag:$0x2] =	stream.indirect_vreg.gather [hbm4b:s3+s2], $0x80, v4, vm0, $0xb8;
	[tilespmem:$0x11400] =	vst v63  }
0xc3: {  	_ = 	snop  }
0xc4: {  	[tilespmem:s26], [sflag:$0x2] =	stream.indirect_vreg.gather [hbm4b:s3+s2], $0x80, v3, vm0, $0xb8;
	[tilespmem:$0x11400] =	vst v63  }
0xc5: {  	_ =	swait.ge [sflag:s28], $0x8000  }
0xc6: {  	s4 =	rddreg [dreg:$0x2];
	[sflag:s28] =	ssyncset.done $0x0  }
0xc7: {  	[sflag:s28] =	ssyncadd.s32 $0xFFFF8000;
	s0 =	sadd.s32 s1, s4  }
0xc8: {  	[hbm4b:s0+s2] =	stream.linear.scatter [tilespmem:s7], [sflag:$0x3], $0x8000, $0x38;
	[tilespmem:$0x11400] =	vst v63  }
0xc9: {  	_ =	swait.ge [sflag:s6], $0x8000  }
0xca: {  	[sflag:s6] =	ssyncset.done $0x0  }
0xcb: {  	[sflag:s6] =	ssyncadd.s32 $0xFFFF8000  }
0xcc: {  	_ =	swait.ge [sflag:s29], $0x8000  }
0xcd: {  	p0 =	sne.s32 s1, $0x26000;
	[sflag:s29] =	ssyncset.done $0x0  }
.Ltmp0:
0xce: {  	s0 =	sadd.s32 $0x1000, s0;
	[sflag:s29] =	ssyncadd.s32 $0xFFFF8000;
	(pc) =	sbr.rel @p0 .LBB2_2-.Ltmp0, $4  }
0xcf: {  	[hbm4b:s0+s2] =	stream.linear.scatter [tilespmem:s11], [sflag:$0x3], $0x8000, $0x38;
	[tilespmem:$0x11400] =	vst v63  }
0xd0: {  	_ =	swait.ge [sflag:s6], $0x8000  }
0xd1: {  	[sflag:s6] =	ssyncset.done $0x0  }
0xd2: {  	s31 =	sadd.s32 $0x100, s31;
	s1 =	sadd.s32 $0x2000, s1;
	[sflag:s6] =	ssyncadd.s32 $0xFFFF8000  }
0xd3: {  	s30 =	sadd.s32 $0x1, s30  }
0xd4: {  	p0 =	sne.s32 s30, s5  }
.Ltmp1:
0xd5: {  	_ = 	snop;
	(pc) =	sbr.rel @p0 .LBB2_1-.Ltmp1, $1  }
0xd6: {  	_ =	sdelay $0x3  }
0xd7: {  	_ =	sfence.sel $0x180000  }
0xd8: {  	[bflag:$0x0] =	sbarrier.arrive $0xFFFF  }
0xd9: {  	_ =	strace $0x90000053  }
0xda: {  	s0 =	stileid.u32;
	[bflag:$0x2] =	sbarrier.arrive $0xFFFF  }
0xdb: {  	p0 =	sne.s32 s0, $0x0;
	s0 =	rddreg [dreg:$0x1]  }
0xdc: {  	s0 =	sadd.s32 @!p0 $0x100000, s0  }
0xdd: {  	[sflag:s0] =	ssyncadd.tile.s32 @!p0 $0x1;
	_ =	shalt  }
.Lfunc_end2:
_tile_overlayer_lowered:
.L_overlay_start_2:
0xde: {  	(tag) =	ssettag $0x2  }
0xdf: {  	s0 =	rddreg [dreg:$0x0];
	s2 =	stileid.u32  }
0xe0: {  	s1 =	rddreg [dreg:$0x1];
	p0 =	sne.s32 s2, $0x0  }
0xe1: {  	s3 =	rddreg [dreg:$0x2];
	[bflag:$0x3] =	sbarrier.arrive $0xFFFF;
	s2 =	simm.s32 @!p0 $0x1C03  }
0xe2: {  	[timem:s3], [sflag:s2] =	dma.local @!p0 [hbm:s0], s1  }
0xe3: {  	s0 =	simm.s32 @!p0 $0x3  }
0xe4: {  	_ =	swait.ge @!p0 [sflag:s0], s1  }
0xe5: {  	s1 =	ssub.s32 @!p0 $0x0, s1;
	[sflag:s0] =	ssyncset.done @!p0 $0x0  }
0xe6: {  	[sflag:s0] =	ssyncadd.s32 @!p0 s1  }
0xe7: {  	[bflag:$0x3] =	sbarrier.arrive $0xFFFF  }
0xe8: {  	_ =	shalt  }

// kernel: kernel.9.cloned.1.call-start
scs
__scs_entry_jumppad:
0x0: {  	(pc) =	sbr.rel $0x88, $3  }
0x1: {  	(tag) =	ssettag $0x0;
	lr =	simm.s32 $0x1  }
0x2: {  	[smem:$0x3F99] =	sst lr;
	_ =	strace $0xD0000000  }
0x3: {  	_ = 	snop  }
0x4: {  	_ = 	snop  }
0x5: {  	_ = 	snop  }
0x6: {  	_ = 	snop  }
0x7: {  	_ = 	snop  }
__scs_overlays_trampoline_lowered:
0x8: {  	[smem:$0x3FA8] =	sst s0  }
0x9: {  	[smem:$0x3FA9] =	sst s1  }
0xa: {  	[smem:$0x3FAA] =	sst s2  }
0xb: {  	[smem:$0x3FAB] =	sst s3  }
0xc: {  	[smem:$0x3FAC] =	sst s4  }
0xd: {  	[smem:$0x3FAD] =	sst s5  }
0xe: {  	[smem:$0x3FAE] =	sst s6  }
0xf: {  	[smem:$0x3FAF] =	sst s7  }
0x10: {  	[smem:$0x3FB0] =	sst s8  }
0x11: {  	[smem:$0x3FB1] =	sst s9;
	s0 =	simm.s32 @!p0 $0x0  }
0x12: {  	s1 =	sld [smem:$0x3F97];
	s0 =	simm.s32 @p0 $0x1  }
0x13: {  	[smem:$0x3FB2] =	sst s0;
	s0 =	simm.s32 @!p1 $0x0  }
0x14: {  	s2 =	sld [smem:$0x3F96];
	s0 =	simm.s32 @p1 $0x1  }
0x15: {  	[smem:$0x3FB3] =	sst s0;
	s0 =	simm.s32 @!p2 $0x0  }
0x16: {  	s3 =	sld [smem:$0x3FDB];
	s0 =	simm.s32 @p2 $0x1  }
0x17: {  	s4 =	simm.s32 $0x1BF5;
	[smem:$0x3FB5] =	sst s0  }
0x18: {  	s0 =	sld [smem:$0x3F98];
	_ =	swait.ge [sflag:s4], $0x0  }
0x19: {  	s7 =	sld [smem:$0x3F99]  }
0x1a: {  	s8 =	sadd.s32 $0xFFFFE003, lr  }
0x1b: {  	s9 =	sadd.s32 $0xFFFFFEF7, lr;
	s5 =	simm.s32 $0xFFFFFFFF;
	p2 =	slt.u32 s8, $0xFFFFF086  }
0x1c: {  	p1 =	slt.u32 s9, $0xF7A;
	s5 =	simm.s32 @!p2 $0x0  }
0x1d: {  	s5 =	simm.s32 @p1 $0x1;
	p0 =	seq.s32 s7, s2  }
0x1e: {  	s7 =	smul.u32 @!p0 $0xF7A, s2;
	p2 =	seq.s32 @!p0 s5, $0x0  }
0x1f: {  	s9 =	smul.u32 $0xF7A, s1;
	s8 =	simm.s32 @!p0 $0x1BF5;
	p2 =	por !p2, p0  }
0x20: {  	[sflag:s8] =	ssyncset.s32 @!p0 $0xFFFFF086;
	s6 =	sadd.s32 @!p0 s3, s7;
	s7 =	simm.s32 @!p0 $0x108  }
0x21: {  	s3 =	sadd.s32 s3, s9;
	s6 =	sadd.s32 @!p0 $0x88, s6;
	s7 =	simm.s32 @p2 $0x1082  }
0x22: {  	[simem:s7], [sflag:s8] =	dma.local @!p0 [hbm:s6], $0xF7A  }
0x23: {  	s9 =	sor.u32 $0xD0000000, s2;
	s6 =	simm.s32 $0x108;
	_ =	swait.ge @!p0 [sflag:s8], $0x0  }
0x24: {  	s3 =	sadd.s32 $0x88, s3;
	s6 =	simm.s32 @!p1 $0x1082;
	[sflag:s4] =	ssyncset.s32 $0xFFFFF086  }
0x25: {  	[simem:s6], [sflag:s4] =	dma.local [hbm:s3], $0xF7A  }
0x26: {  	[smem:$0x3F99] =	sst s1;
	(tag) =	ssettag s2;
	_ =	strace s9  }
0x27: {  	s1 =	sld [smem:$0x3FA9]  }
0x28: {  	s2 =	sld [smem:$0x3FAA]  }
0x29: {  	s4 =	sld [smem:$0x3FAC]  }
0x2a: {  	p0 =	seq.s32 s5, $0x0;
	s5 =	sld [smem:$0x3FAD]  }
0x2b: {  	s6 =	sld [smem:$0x3FAE]  }
0x2c: {  	s7 =	sld [smem:$0x3FAF]  }
0x2d: {  	s3 =	simm.s32 $0x108;
	s8 =	sld [smem:$0x3FB0]  }
0x2e: {  	s3 =	simm.s32 @!p0 $0x1082;
	s9 =	sld [smem:$0x3FB1]  }
0x2f: {  	lr =	sadd.s32 s0, s3;
	s0 =	sld [smem:$0x3FA8]  }
0x30: {  	s3 =	sld [smem:$0x3FAB]  }
0x31: {  	[smem:$0x3FB4] =	sst s10  }
0x32: {  	s10 =	sld [smem:$0x3FB2];
	_ =	sdelay $0x3  }
0x33: {  	p0 =	seq.s32 s10, $0x1;
	s10 =	sld [smem:$0x3FB4];
	_ =	sdelay $0x3  }
0x34: {  	[smem:$0x3FB4] =	sst s10  }
0x35: {  	s10 =	sld [smem:$0x3FB3];
	_ =	sdelay $0x3  }
0x36: {  	p1 =	seq.s32 s10, $0x1;
	s10 =	sld [smem:$0x3FB4];
	_ =	sdelay $0x3  }
0x37: {  	[smem:$0x3FB4] =	sst s10  }
0x38: {  	s10 =	sld [smem:$0x3FB5]  }
0x39: {  	_ = 	snop;
	(pc) =	sbr.ind lr, $3  }
0x3a: {  	_ = 	snop  }
0x3b: {  	_ = 	snop  }
0x3c: {  	p2 =	seq.s32 s10, $0x1;
	s10 =	sld [smem:$0x3FB4]  }
0x3d: {  	_ =	shalt  }
0x3e: {  	_ =	shalt  }
0x3f: {  	_ =	shalt  }
0x40: {  	_ =	shalt  }
0x41: {  	_ =	shalt  }
0x42: {  	_ =	shalt  }
0x43: {  	_ =	shalt  }
0x44: {  	_ =	shalt  }
0x45: {  	_ =	shalt  }
0x46: {  	_ =	shalt  }
0x47: {  	_ =	shalt  }
0x48: {  	_ =	shalt  }
0x49: {  	_ =	shalt  }
0x4a: {  	_ =	shalt  }
0x4b: {  	_ =	shalt  }
0x4c: {  	_ =	shalt  }
0x4d: {  	_ =	shalt  }
0x4e: {  	_ =	shalt  }
0x4f: {  	_ =	shalt  }
0x50: {  	_ =	shalt  }
0x51: {  	_ =	shalt  }
0x52: {  	_ =	shalt  }
0x53: {  	_ =	shalt  }
0x54: {  	_ =	shalt  }
0x55: {  	_ =	shalt  }
0x56: {  	_ =	shalt  }
0x57: {  	_ =	shalt  }
0x58: {  	_ =	shalt  }
0x59: {  	_ =	shalt  }
0x5a: {  	_ =	shalt  }
0x5b: {  	_ =	shalt  }
0x5c: {  	_ =	shalt  }
0x5d: {  	_ =	shalt  }
0x5e: {  	_ =	shalt  }
0x5f: {  	_ =	shalt  }
0x60: {  	_ =	shalt  }
0x61: {  	_ =	shalt  }
0x62: {  	_ =	shalt  }
0x63: {  	_ =	shalt  }
0x64: {  	_ =	shalt  }
0x65: {  	_ =	shalt  }
0x66: {  	_ =	shalt  }
0x67: {  	_ =	shalt  }
0x68: {  	_ =	shalt  }
0x69: {  	_ =	shalt  }
0x6a: {  	_ =	shalt  }
0x6b: {  	_ =	shalt  }
0x6c: {  	_ =	shalt  }
0x6d: {  	_ =	shalt  }
0x6e: {  	_ =	shalt  }
0x6f: {  	_ =	shalt  }
0x70: {  	_ =	shalt  }
0x71: {  	_ =	shalt  }
0x72: {  	_ =	shalt  }
0x73: {  	_ =	shalt  }
0x74: {  	_ =	shalt  }
0x75: {  	_ =	shalt  }
0x76: {  	_ =	shalt  }
0x77: {  	_ =	shalt  }
0x78: {  	_ =	shalt  }
0x79: {  	_ =	shalt  }
0x7a: {  	_ =	shalt  }
0x7b: {  	_ =	shalt  }
0x7c: {  	_ =	shalt  }
0x7d: {  	_ =	shalt  }
0x7e: {  	_ =	shalt  }
0x7f: {  	_ =	shalt  }
0x80: {  	_ =	shalt  }
0x81: {  	_ =	shalt  }
0x82: {  	_ =	shalt  }
0x83: {  	_ =	shalt  }
0x84: {  	_ =	shalt  }
0x85: {  	_ =	shalt  }
0x86: {  	_ =	shalt  }
0x87: {  	_ =	shalt  }
.Lfunc_end0:
.L_simem_size_0:
called_computation.2_lowered:
.L_overlay_start_0:
0x88: {  	s2 =	sld [smem:$0x3FD9]  }
0x89: {  	s3 =	sld [smem:$0x3FFE];
	_ =	sdelay $0x1  }
0x8a: {  	s1 =	srdreg.scid  }
0x8b: {  	s0 =	sand.u32 $0x1, s1  }
0x8c: {  	s16 =	sshll.u32 s0, $0xA;
	s2 =	sadd.s32 s3, s2  }
0x8d: {  	s2 =	sadd.s32 s2, s16  }
0x8e: {  	[smem:$0x3FC0] =	sst s2  }
0x8f: {  	_ = 	snop  }
0x90: {  	(tm) =	ssettm $0x1  }
0x91: {  	s17 =	sld [smem:$0x3FFB];
	_ =	sdelay $0x3  }
0x92: {  	_ =	strace s17  }
0x93: {  	s2 =	sld [smem:$0x3FFC];
	_ =	sdelay $0x3  }
0x94: {  	_ =	strace s2  }
0x95: {  	s2 =	sld [smem:$0x3FFD];
	_ =	sdelay $0x3  }
0x96: {  	_ =	strace s2  }
0x97: {  	_ =	strace $0x8FFFFFFF  }
0x98: {  	s18 =	sld [smem:$0x3FDB];
	_ =	sdelay $0x1  }
0x99: {  	s19 =	simm.s32 $_scs_section_size  }
0x9a: {  	s4 =	simm.s32 $_size__tile_overlayer_lowered;
	s5 =	simm.s32 $_tile_overlayer_lowered  }
0x9b: {  	s22 =	simm.s32 $0x1BFF;
	s21 =	sshll.u32 s5, $0x1;
	s2 =	sadd.s32 s19, s18  }
0x9c: {  	s6 =	simm.s32 $0x0;
	s20 =	sshll.u32 s4, $0x1;
	s4 =	sadd.s32 s21, s2  }
0x9d: {  	[timem:s6], [sflag:s22] =	dma.local [hbm:s4], s20  }
0x9e: {  	_ =	swait.ge [sflag:s22], s20  }
0x9f: {  	s3 =	ssub.s32 $0x0, s20;
	[sflag:s22] =	ssyncset.done $0x0  }
0xa0: {  	[sflag:s22] =	ssyncadd.s32 s3;
	_ =	sdelay $0x1  }
0xa1: {  	s23 =	simm.s32 $0x1B8B  }
0xa2: {  	_ =	swait.ge [sflag:s23], $0x1  }
0xa3: {  	[sflag:s23] =	ssyncset.done $0x0  }
0xa4: {  	s25 =	simm.s32 $0x1B8E;
	s24 =	sld [smem:$0x3FFE];
	[sflag:s23] =	ssyncadd.s32 $0xFFFFFFFF  }
0xa5: {  	s26 =	simm.s32 $execute0_lowered;
	[smem:$0x3FD2] =	sst s25  }
0xa6: {  	s4 =	sshll.u32 s26, $0x1;
	_ =	strace $0x8000004C;
	[dreg:$0x1] =	wrdreg $0xFFFFFFFF  }
0xa7: {  	s28 =	simm.s32 $_size_execute0_lowered;
	s2 =	sadd.s32 s2, s4;
	[dreg:$0x0] =	wrdreg $0x0  }
0xa8: {  	s4 =	sshll.u32 s28, $0x1;
	[dreg:$0x2] =	wrdreg s2  }
0xa9: {  	[dreg:$0x3] =	wrdreg s4  }
0xaa: {  	[dreg:$0x4] =	wrdreg $0xC0  }
0xab: {  	_ =	task [dreg:s6], $0x5FFFF  }
0xac: {  	[dreg:$0x1] =	wrdreg $0xFFFFFFFF  }
0xad: {  	[dreg:$0x0] =	wrdreg $0x60  }
0xae: {  	[dreg:$0x2] =	wrdreg s24  }
0xaf: {  	[dreg:$0x3] =	wrdreg $0x9  }
0xb0: {  	_ =	task.clear_ibuf [dreg:s6], $0x4FFFF;
	_ =	strace $0x9000004C  }
0xb1: {  	s29 =	simm.s32 $0x9;
	_ =	strace $0x8000004E  }
0xb2: {  	_ =	swait.ge [sflag:s29], $0x1  }
0xb3: {  	[sflag:s29] =	ssyncadd.s32 $0xFFFFFFFF  }
0xb4: {  	_ =	strace $0x9000004E  }
0xb5: {  	_ =	sfence  }
0xb6: {  	s30 =	sld [smem:$0x0];
	_ =	sdelay $0x2  }
0xb7: {  	s31 =	sshll.u32 s1, $0xD;
	s1 =	sshrl.u32 s1, $0x2  }
0xb8: {  	s3 =	sand.u32 $0x4000, s31;
	s1 =	sadd.s32 s1, s30  }
0xb9: {  	s0 =	sor.u32 s3, s0;
	s1 =	sshll.u32 s1, $0x11  }
0xba: {  	s0 =	sor.u32 s1, s0  }
0xbb: {  	s0 =	sadd.s32 $0x8F2B, s0  }
0xbc: {  	[sflag:s0] =	ssyncadd.remote.s32 $0x1  }
0xbd: {  	_ =	sfence.sel $0xFFFF  }
0xbe: {  	[dreg:$0x0] =	wrdreg $0xFFFFFFFF;
	(pc) =	sbr.abs _section_cstart, $3  }
0xbf: {  	[dreg:$0x1] =	wrdreg $0xFFFFFFFF  }
0xc0: {  	_ =	task.clear_ibuf [dreg:s6], $0x2FFFF;
	_ =	strace $0x9FFFFFFF  }
0xc1: {  	(tm) =	ssettm $0x7FFFFFFF  }
tec
execute0_lowered:
.L_overlay_start_1:
0x0: {  	(tag) =	ssettag $0x1  }
0x1: {  	s1 =	srdreg.scid  }
0x2: {  	s0 =	stileid.u32;
	s4 =	rddreg [dreg:$0x0];
	s2 =	simm.s32 $0x0  }
0x3: {  	s15 =	simm.s32 $0x1C00;
	s16 =	simm.s32 $0x2400;
	s6 =	simm.s32 $0x2C00  }
0x4: {  	s17 =	simm.s32 $0x3400;
	s18 =	simm.s32 $0x3C00;
	[smem:$0x7FF] =	sst s2  }
0x5: {  	s19 =	simm.s32 $0x4400;
	_ =	strace $0x8000004D;
	[dreg:$0x3] =	wrdreg s15  }
0x6: {  	s20 =	simm.s32 $0x4C00;
	s22 =	simm.s32 $0x5400;
	[dreg:$0x4] =	wrdreg s16  }
0x7: {  	s23 =	simm.s32 $0x5C00;
	s25 =	simm.s32 $0x6400;
	[dreg:$0x5] =	wrdreg s6  }
0x8: {  	s26 =	simm.s32 $0x6C00;
	s31 =	simm.s32 $0x7400;
	[dreg:$0x6] =	wrdreg s17  }
0x9: {  	s7 =	simm.s32 $0x1400;
	s8 =	simm.s32 $0x7C00;
	[dreg:$0x7] =	wrdreg s18  }
0xa: {  	s9 =	simm.s32 $0x8400;
	s10 =	simm.s32 $0x8C00;
	[dreg:$0x8] =	wrdreg s19  }
0xb: {  	s11 =	simm.s32 $0x9400;
	s12 =	simm.s32 $0x9C00;
	[dreg:$0x9] =	wrdreg s20  }
0xc: {  	s13 =	simm.s32 $0xA400;
	s28 =	simm.s32 $0x1;
	[dreg:$0xa] =	wrdreg s22  }
0xd: {  	s29 =	simm.s32 $0x2;
	s30 =	simm.s32 $0x0;
	[dreg:$0xb] =	wrdreg s23  }
0xe: {  	s1 =	sand.u32 $0x1, s1;
	s3 =	smul.u32 $0x50000, s0;
	[dreg:$0xc] =	wrdreg s25  }
0xf: {  	s14 =	sshll.u32 s0, $0x1;
	s5 =	smul.u32 $0x28000, s1;
	[dreg:$0xd] =	wrdreg s26  }
0x10: {  	s6 =	simm.s32 $0x3;
	[dreg:$0xe] =	wrdreg s31;
	s15 =	simm.s32 $0xB400  }
0x11: {  	s16 =	simm.s32 $0xBC00;
	s17 =	simm.s32 $0xC400;
	s18 =	simm.s32 $0xCC00  }
0x12: {  	s19 =	simm.s32 $0xD400;
	s20 =	simm.s32 $0xDC00;
	s3 =	sadd.s32 s3, s4  }
0x13: {  	s22 =	simm.s32 $0xEC00;
	s3 =	sadd.s32 s5, s3;
	s5 =	sor.u32 s1, s14  }
0x14: {  	s23 =	simm.s32 $0xF400;
	s25 =	simm.s32 $0x10400;
	s5 =	smul.u32 $0x1400, s5  }
0x15: {  	s26 =	simm.s32 $0x10C00;
	s1 =	ssub.s32 $0x2, s1;
	s14 =	simm.s32 $0xAC00  }
0x16: {  	s3 =	sadd.s32 $0x67A00, s3;
	s21 =	sshrl.u32 s1, $0x1;
	s5 =	sshrl.u32 s5, $0x3  }
0x17: {  	v2 =	vlaneseq.u32;
	[dreg:$0x2] =	wrdreg s3;
	s3 =	sadd.s32 $0x12A00, s4;
	s4 =	sadd.s32 s5, s4  }
0x18: {  	vm0 =	vmmov $0xffff;
	v1 =	vshrl.u32 v2, $0x3;
	s1 =	ssub.s32 s1, s21;
	s21 =	simm.s32 $0xE400;
	s24 =	sadd.s32 $0x62A00, s4  }
0x19: {  	v0 =	vand.u32 $0x7, v2;
	v2 =	vor.u32 $0x8, v2;
	v1 =	vmul.u32 $0x8, v1;
	s5 =	smax.u32 s1, $0x1;
	[dreg:$0xf] =	wrdreg s24;
	s24 =	simm.s32 $0xFC00  }
.LBB2_1:
0x1a: {  	s0 =	rddreg [dreg:$0xf]  }
0x1b: {  	[tilespmem:s2], [sflag:$0x3] =	stream.linear.gather [hbm4b:s0+s2], $0x1400, $0x38;
	[tilespmem:$0x11400] =	vst v63  }
0x1c: {  	_ =	swait.ge [sflag:s6], $0x1400  }
0x1d: {  	[sflag:s6] =	ssyncset.done $0x0  }
0x1e: {  	s31 =	simm.s32 $0x80;
	s1 =	simm.s32 $0x0;
	[sflag:s6] =	ssyncadd.s32 $0xFFFFEC00  }
.LBB2_2:
0x1f: {  	v3 =	vld [tilespmem:s31+$0xFFFFFF80];
	_ =	sdelay $0x4  }
0x20: {  	v4 =	vshll.u32 v3, $0x1  }
0x21: {  	v3 =	vand.u32 $0x7, v3;
	v4 =	vand.u32 $0xFFFFFFF0, v4  }
0x22: {  	v3 =	vor.u32 v3, v4  }
0x23: {  	v4 =	vperm.xlane v3, v0;
	_ =	sdelay $0x1  }
0x24: {  	v3 =	vperm.xlane v3, v2;
	v4 =	vadd.s32 v1, v4;
	_ =	sdelay $0x1  }
0x25: {  	v3 =	vadd.s32 v1, v3;
	_ =	sdelay $0x2  }
0x26: {  	[tilespmem:s7], [sflag:$0x1] =	stream.indirect_vreg.gather [hbm4b:s3+s2], $0x80, v4, vm0, $0xb8;
	[tilespmem:$0x11400] =	vst v63  }
0x27: {  	s0 =	rddreg [dreg:$0x3]  }
0x28: {  	[tilespmem:s0], [sflag:$0x1] =	stream.indirect_vreg.gather [hbm4b:s3+s2], $0x80, v3, vm0, $0xb8;
	[tilespmem:$0x11400] =	vst v63  }
0x29: {  	v3 =	vld [tilespmem:s31+$0xFFFFFF90];
	_ =	sdelay $0x4  }
0x2a: {  	v49 =	vshll.u32 v3, $0x1  }
0x2b: {  	v3 =	vand.u32 $0x7, v3;
	v4 =	vand.u32 $0xFFFFFFF0, v49  }
0x2c: {  	v3 =	vor.u32 v3, v4  }
0x2d: {  	v4 =	vperm.xlane v3, v0;
	_ =	sdelay $0x1  }
0x2e: {  	v3 =	vperm.xlane v3, v2;
	v4 =	vadd.s32 v1, v4;
	_ =	sdelay $0x1  }
0x2f: {  	v3 =	vadd.s32 v1, v3;
	_ =	sdelay $0x1  }
0x30: {  	s0 =	rddreg [dreg:$0x4]  }
0x31: {  	[tilespmem:s0], [sflag:$0x1] =	stream.indirect_vreg.gather [hbm4b:s3+s2], $0x80, v4, vm0, $0xb8;
	[tilespmem:$0x11400] =	vst v63  }
0x32: {  	s4 =	rddreg [dreg:$0x5]  }
0x33: {  	[tilespmem:s4], [sflag:$0x1] =	stream.indirect_vreg.gather [hbm4b:s3+s2], $0x80, v3, vm0, $0xb8;
	[tilespmem:$0x11400] =	vst v63  }
0x34: {  	v3 =	vld [tilespmem:s31+$0xFFFFFFA0];
	_ =	sdelay $0x4  }
0x35: {  	v50 =	vshll.u32 v3, $0x1  }
0x36: {  	v3 =	vand.u32 $0x7, v3;
	v4 =	vand.u32 $0xFFFFFFF0, v50  }
0x37: {  	v3 =	vor.u32 v3, v4  }
0x38: {  	v4 =	vperm.xlane v3, v0;
	_ =	sdelay $0x1  }
0x39: {  	v3 =	vperm.xlane v3, v2;
	v4 =	vadd.s32 v1, v4;
	_ =	sdelay $0x1  }
0x3a: {  	v3 =	vadd.s32 v1, v3;
	_ =	sdelay $0x1  }
0x3b: {  	s0 =	rddreg [dreg:$0x6]  }
0x3c: {  	[tilespmem:s0], [sflag:$0x1] =	stream.indirect_vreg.gather [hbm4b:s3+s2], $0x80, v4, vm0, $0xb8;
	[tilespmem:$0x11400] =	vst v63  }
0x3d: {  	s4 =	rddreg [dreg:$0x7]  }
0x3e: {  	[tilespmem:s4], [sflag:$0x1] =	stream.indirect_vreg.gather [hbm4b:s3+s2], $0x80, v3, vm0, $0xb8;
	[tilespmem:$0x11400] =	vst v63  }
0x3f: {  	v3 =	vld [tilespmem:s31+$0xFFFFFFB0];
	_ =	sdelay $0x4  }
0x40: {  	v51 =	vshll.u32 v3, $0x1  }
0x41: {  	v3 =	vand.u32 $0x7, v3;
	v4 =	vand.u32 $0xFFFFFFF0, v51  }
0x42: {  	v3 =	vor.u32 v3, v4  }
0x43: {  	v4 =	vperm.xlane v3, v0;
	_ =	sdelay $0x1  }
0x44: {  	v3 =	vperm.xlane v3, v2;
	v4 =	vadd.s32 v1, v4;
	_ =	sdelay $0x1  }
0x45: {  	v3 =	vadd.s32 v1, v3;
	_ =	sdelay $0x1  }
0x46: {  	s0 =	rddreg [dreg:$0x8]  }
0x47: {  	[tilespmem:s0], [sflag:$0x1] =	stream.indirect_vreg.gather [hbm4b:s3+s2], $0x80, v4, vm0, $0xb8;
	[tilespmem:$0x11400] =	vst v63  }
0x48: {  	s4 =	rddreg [dreg:$0x9]  }
0x49: {  	[tilespmem:s4], [sflag:$0x1] =	stream.indirect_vreg.gather [hbm4b:s3+s2], $0x80, v3, vm0, $0xb8;
	[tilespmem:$0x11400] =	vst v63  }
0x4a: {  	v3 =	vld [tilespmem:s31+$0xFFFFFFC0];
	_ =	sdelay $0x4  }
0x4b: {  	v52 =	vshll.u32 v3, $0x1  }
0x4c: {  	v3 =	vand.u32 $0x7, v3;
	v4 =	vand.u32 $0xFFFFFFF0, v52  }
0x4d: {  	v3 =	vor.u32 v3, v4  }
0x4e: {  	v4 =	vperm.xlane v3, v0;
	_ =	sdelay $0x1  }
0x4f: {  	v3 =	vperm.xlane v3, v2;
	v4 =	vadd.s32 v1, v4;
	_ =	sdelay $0x1  }
0x50: {  	v3 =	vadd.s32 v1, v3;
	_ =	sdelay $0x1  }
0x51: {  	s0 =	rddreg [dreg:$0xa]  }
0x52: {  	[tilespmem:s0], [sflag:$0x1] =	stream.indirect_vreg.gather [hbm4b:s3+s2], $0x80, v4, vm0, $0xb8;
	[tilespmem:$0x11400] =	vst v63  }
0x53: {  	s4 =	rddreg [dreg:$0xb]  }
0x54: {  	[tilespmem:s4], [sflag:$0x1] =	stream.indirect_vreg.gather [hbm4b:s3+s2], $0x80, v3, vm0, $0xb8;
	[tilespmem:$0x11400] =	vst v63  }
0x55: {  	v3 =	vld [tilespmem:s31+$0xFFFFFFD0];
	_ =	sdelay $0x4  }
0x56: {  	v53 =	vshll.u32 v3, $0x1  }
0x57: {  	v3 =	vand.u32 $0x7, v3;
	v4 =	vand.u32 $0xFFFFFFF0, v53  }
0x58: {  	v3 =	vor.u32 v3, v4  }
0x59: {  	v4 =	vperm.xlane v3, v0;
	_ =	sdelay $0x1  }
0x5a: {  	v3 =	vperm.xlane v3, v2;
	v4 =	vadd.s32 v1, v4;
	_ =	sdelay $0x1  }
0x5b: {  	v3 =	vadd.s32 v1, v3;
	_ =	sdelay $0x1  }
0x5c: {  	s0 =	rddreg [dreg:$0xc]  }
0x5d: {  	[tilespmem:s0], [sflag:$0x1] =	stream.indirect_vreg.gather [hbm4b:s3+s2], $0x80, v4, vm0, $0xb8;
	[tilespmem:$0x11400] =	vst v63  }
0x5e: {  	s4 =	rddreg [dreg:$0xd]  }
0x5f: {  	[tilespmem:s4], [sflag:$0x1] =	stream.indirect_vreg.gather [hbm4b:s3+s2], $0x80, v3, vm0, $0xb8;
	[tilespmem:$0x11400] =	vst v63  }
0x60: {  	v3 =	vld [tilespmem:s31+$0xFFFFFFE0];
	_ =	sdelay $0x4  }
0x61: {  	v54 =	vshll.u32 v3, $0x1  }
0x62: {  	v3 =	vand.u32 $0x7, v3;
	v4 =	vand.u32 $0xFFFFFFF0, v54  }
0x63: {  	v3 =	vor.u32 v3, v4  }
0x64: {  	v4 =	vperm.xlane v3, v0;
	_ =	sdelay $0x1  }
0x65: {  	v3 =	vperm.xlane v3, v2;
	v4 =	vadd.s32 v1, v4;
	_ =	sdelay $0x1  }
0x66: {  	v3 =	vadd.s32 v1, v3;
	_ =	sdelay $0x1  }
0x67: {  	s4 =	rddreg [dreg:$0xe]  }
0x68: {  	[tilespmem:s4], [sflag:$0x1] =	stream.indirect_vreg.gather [hbm4b:s3+s2], $0x80, v4, vm0, $0xb8;
	[tilespmem:$0x11400] =	vst v63  }
0x69: {  	_ = 	snop  }
0x6a: {  	[tilespmem:s8], [sflag:$0x1] =	stream.indirect_vreg.gather [hbm4b:s3+s2], $0x80, v3, vm0, $0xb8;
	[tilespmem:$0x11400] =	vst v63  }
0x6b: {  	v3 =	vld [tilespmem:s31+$0xFFFFFFF0];
	_ =	sdelay $0x4  }
0x6c: {  	v55 =	vshll.u32 v3, $0x1  }
0x6d: {  	v3 =	vand.u32 $0x7, v3;
	v4 =	vand.u32 $0xFFFFFFF0, v55  }
0x6e: {  	v3 =	vor.u32 v3, v4  }
0x6f: {  	v4 =	vperm.xlane v3, v0;
	_ =	sdelay $0x1  }
0x70: {  	v3 =	vperm.xlane v3, v2;
	v4 =	vadd.s32 v1, v4;
	_ =	sdelay $0x1  }
0x71: {  	v3 =	vadd.s32 v1, v3;
	_ =	sdelay $0x2  }
0x72: {  	[tilespmem:s9], [sflag:$0x1] =	stream.indirect_vreg.gather [hbm4b:s3+s2], $0x80, v4, vm0, $0xb8;
	[tilespmem:$0x11400] =	vst v63  }
0x73: {  	_ = 	snop  }
0x74: {  	[tilespmem:s10], [sflag:$0x1] =	stream.indirect_vreg.gather [hbm4b:s3+s2], $0x80, v3, vm0, $0xb8;
	[tilespmem:$0x11400] =	vst v63  }
0x75: {  	v3 =	vld [tilespmem:s31+$0x0];
	_ =	sdelay $0x4  }
0x76: {  	v56 =	vshll.u32 v3, $0x1  }
0x77: {  	v3 =	vand.u32 $0x7, v3;
	v4 =	vand.u32 $0xFFFFFFF0, v56  }
0x78: {  	v3 =	vor.u32 v3, v4  }
0x79: {  	v4 =	vperm.xlane v3, v0;
	_ =	sdelay $0x1  }
0x7a: {  	v3 =	vperm.xlane v3, v2;
	v4 =	vadd.s32 v1, v4;
	_ =	sdelay $0x1  }
0x7b: {  	v3 =	vadd.s32 v1, v3;
	_ =	sdelay $0x2  }
0x7c: {  	[tilespmem:s11], [sflag:$0x2] =	stream.indirect_vreg.gather [hbm4b:s3+s2], $0x80, v4, vm0, $0xb8;
	[tilespmem:$0x11400] =	vst v63  }
0x7d: {  	_ = 	snop  }
0x7e: {  	[tilespmem:s12], [sflag:$0x2] =	stream.indirect_vreg.gather [hbm4b:s3+s2], $0x80, v3, vm0, $0xb8;
	[tilespmem:$0x11400] =	vst v63  }
0x7f: {  	v3 =	vld [tilespmem:s31+$0x10];
	_ =	sdelay $0x4  }
0x80: {  	v57 =	vshll.u32 v3, $0x1  }
0x81: {  	v3 =	vand.u32 $0x7, v3;
	v4 =	vand.u32 $0xFFFFFFF0, v57  }
0x82: {  	v3 =	vor.u32 v3, v4  }
0x83: {  	v4 =	vperm.xlane v3, v0;
	_ =	sdelay $0x1  }
0x84: {  	v3 =	vperm.xlane v3, v2;
	v4 =	vadd.s32 v1, v4;
	_ =	sdelay $0x1  }
0x85: {  	v3 =	vadd.s32 v1, v3;
	_ =	sdelay $0x2  }
0x86: {  	[tilespmem:s13], [sflag:$0x2] =	stream.indirect_vreg.gather [hbm4b:s3+s2], $0x80, v4, vm0, $0xb8;
	[tilespmem:$0x11400] =	vst v63  }
0x87: {  	_ = 	snop  }
0x88: {  	[tilespmem:s14], [sflag:$0x2] =	stream.indirect_vreg.gather [hbm4b:s3+s2], $0x80, v3, vm0, $0xb8;
	[tilespmem:$0x11400] =	vst v63  }
0x89: {  	v3 =	vld [tilespmem:s31+$0x20];
	_ =	sdelay $0x4  }
0x8a: {  	v58 =	vshll.u32 v3, $0x1  }
0x8b: {  	v3 =	vand.u32 $0x7, v3;
	v4 =	vand.u32 $0xFFFFFFF0, v58  }
0x8c: {  	v3 =	vor.u32 v3, v4  }
0x8d: {  	v4 =	vperm.xlane v3, v0;
	_ =	sdelay $0x1  }
0x8e: {  	v3 =	vperm.xlane v3, v2;
	v4 =	vadd.s32 v1, v4;
	_ =	sdelay $0x1  }
0x8f: {  	v3 =	vadd.s32 v1, v3;
	_ =	sdelay $0x2  }
0x90: {  	[tilespmem:s15], [sflag:$0x2] =	stream.indirect_vreg.gather [hbm4b:s3+s2], $0x80, v4, vm0, $0xb8;
	[tilespmem:$0x11400] =	vst v63  }
0x91: {  	_ = 	snop  }
0x92: {  	[tilespmem:s16], [sflag:$0x2] =	stream.indirect_vreg.gather [hbm4b:s3+s2], $0x80, v3, vm0, $0xb8;
	[tilespmem:$0x11400] =	vst v63  }
0x93: {  	v3 =	vld [tilespmem:s31+$0x30];
	_ =	sdelay $0x4  }
0x94: {  	v59 =	vshll.u32 v3, $0x1  }
0x95: {  	v3 =	vand.u32 $0x7, v3;
	v4 =	vand.u32 $0xFFFFFFF0, v59  }
0x96: {  	v3 =	vor.u32 v3, v4  }
0x97: {  	v4 =	vperm.xlane v3, v0;
	_ =	sdelay $0x1  }
0x98: {  	v3 =	vperm.xlane v3, v2;
	v4 =	vadd.s32 v1, v4;
	_ =	sdelay $0x1  }
0x99: {  	v3 =	vadd.s32 v1, v3;
	_ =	sdelay $0x2  }
0x9a: {  	[tilespmem:s17], [sflag:$0x2] =	stream.indirect_vreg.gather [hbm4b:s3+s2], $0x80, v4, vm0, $0xb8;
	[tilespmem:$0x11400] =	vst v63  }
0x9b: {  	_ = 	snop  }
0x9c: {  	[tilespmem:s18], [sflag:$0x2] =	stream.indirect_vreg.gather [hbm4b:s3+s2], $0x80, v3, vm0, $0xb8;
	[tilespmem:$0x11400] =	vst v63  }
0x9d: {  	v3 =	vld [tilespmem:s31+$0x40];
	_ =	sdelay $0x4  }
0x9e: {  	v60 =	vshll.u32 v3, $0x1  }
0x9f: {  	v3 =	vand.u32 $0x7, v3;
	v4 =	vand.u32 $0xFFFFFFF0, v60  }
0xa0: {  	v3 =	vor.u32 v3, v4  }
0xa1: {  	v4 =	vperm.xlane v3, v0;
	_ =	sdelay $0x1  }
0xa2: {  	v3 =	vperm.xlane v3, v2;
	v4 =	vadd.s32 v1, v4;
	_ =	sdelay $0x1  }
0xa3: {  	v3 =	vadd.s32 v1, v3;
	_ =	sdelay $0x2  }
0xa4: {  	[tilespmem:s19], [sflag:$0x2] =	stream.indirect_vreg.gather [hbm4b:s3+s2], $0x80, v4, vm0, $0xb8;
	[tilespmem:$0x11400] =	vst v63  }
0xa5: {  	_ = 	snop  }
0xa6: {  	[tilespmem:s20], [sflag:$0x2] =	stream.indirect_vreg.gather [hbm4b:s3+s2], $0x80, v3, vm0, $0xb8;
	[tilespmem:$0x11400] =	vst v63  }
0xa7: {  	v3 =	vld [tilespmem:s31+$0x50];
	_ =	sdelay $0x4  }
0xa8: {  	v61 =	vshll.u32 v3, $0x1  }
0xa9: {  	v3 =	vand.u32 $0x7, v3;
	v4 =	vand.u32 $0xFFFFFFF0, v61  }
0xaa: {  	v3 =	vor.u32 v3, v4  }
0xab: {  	v4 =	vperm.xlane v3, v0;
	_ =	sdelay $0x1  }
0xac: {  	v3 =	vperm.xlane v3, v2;
	v4 =	vadd.s32 v1, v4;
	_ =	sdelay $0x1  }
0xad: {  	v3 =	vadd.s32 v1, v3;
	_ =	sdelay $0x2  }
0xae: {  	[tilespmem:s21], [sflag:$0x2] =	stream.indirect_vreg.gather [hbm4b:s3+s2], $0x80, v4, vm0, $0xb8;
	[tilespmem:$0x11400] =	vst v63  }
0xaf: {  	_ = 	snop  }
0xb0: {  	[tilespmem:s22], [sflag:$0x2] =	stream.indirect_vreg.gather [hbm4b:s3+s2], $0x80, v3, vm0, $0xb8;
	[tilespmem:$0x11400] =	vst v63  }
0xb1: {  	v3 =	vld [tilespmem:s31+$0x60];
	_ =	sdelay $0x4  }
0xb2: {  	v62 =	vshll.u32 v3, $0x1  }
0xb3: {  	v3 =	vand.u32 $0x7, v3;
	v4 =	vand.u32 $0xFFFFFFF0, v62  }
0xb4: {  	v3 =	vor.u32 v3, v4  }
0xb5: {  	v4 =	vperm.xlane v3, v0;
	_ =	sdelay $0x1  }
0xb6: {  	v3 =	vperm.xlane v3, v2;
	v4 =	vadd.s32 v1, v4;
	_ =	sdelay $0x1  }
0xb7: {  	v3 =	vadd.s32 v1, v3;
	_ =	sdelay $0x2  }
0xb8: {  	[tilespmem:s23], [sflag:$0x2] =	stream.indirect_vreg.gather [hbm4b:s3+s2], $0x80, v4, vm0, $0xb8;
	[tilespmem:$0x11400] =	vst v63  }
0xb9: {  	_ = 	snop  }
0xba: {  	[tilespmem:s24], [sflag:$0x2] =	stream.indirect_vreg.gather [hbm4b:s3+s2], $0x80, v3, vm0, $0xb8;
	[tilespmem:$0x11400] =	vst v63  }
0xbb: {  	v3 =	vld [tilespmem:s31+$0x70];
	_ =	sdelay $0x4  }
0xbc: {  	v63 =	vshll.u32 v3, $0x1  }
0xbd: {  	v3 =	vand.u32 $0x7, v3;
	v4 =	vand.u32 $0xFFFFFFF0, v63  }
0xbe: {  	v3 =	vor.u32 v3, v4  }
0xbf: {  	v4 =	vperm.xlane v3, v0;
	_ =	sdelay $0x1  }
0xc0: {  	v3 =	vperm.xlane v3, v2;
	v4 =	vadd.s32 v1, v4;
	_ =	sdelay $0x1  }
0xc1: {  	v3 =	vadd.s32 v1, v3;
	_ =	sdelay $0x2  }
0xc2: {  	[tilespmem:s25], [sflag:$0x2] =	stream.indirect_vreg.gather [hbm4b:s3+s2], $0x80, v4, vm0, $0xb8;
	[tilespmem:$0x11400] =	vst v63  }
0xc3: {  	_ = 	snop  }
0xc4: {  	[tilespmem:s26], [sflag:$0x2] =	stream.indirect_vreg.gather [hbm4b:s3+s2], $0x80, v3, vm0, $0xb8;
	[tilespmem:$0x11400] =	vst v63  }
0xc5: {  	_ =	swait.ge [sflag:s28], $0x8000  }
0xc6: {  	s4 =	rddreg [dreg:$0x2];
	[sflag:s28] =	ssyncset.done $0x0  }
0xc7: {  	[sflag:s28] =	ssyncadd.s32 $0xFFFF8000;
	s0 =	sadd.s32 s1, s4  }
0xc8: {  	[hbm4b:s0+s2] =	stream.linear.scatter [tilespmem:s7], [sflag:$0x3], $0x8000, $0x38;
	[tilespmem:$0x11400] =	vst v63  }
0xc9: {  	_ =	swait.ge [sflag:s6], $0x8000  }
0xca: {  	[sflag:s6] =	ssyncset.done $0x0  }
0xcb: {  	[sflag:s6] =	ssyncadd.s32 $0xFFFF8000  }
0xcc: {  	_ =	swait.ge [sflag:s29], $0x8000  }
0xcd: {  	p0 =	sne.s32 s1, $0x26000;
	[sflag:s29] =	ssyncset.done $0x0  }
.Ltmp0:
0xce: {  	s0 =	sadd.s32 $0x1000, s0;
	[sflag:s29] =	ssyncadd.s32 $0xFFFF8000;
	(pc) =	sbr.rel @p0 .LBB2_2-.Ltmp0, $4  }
0xcf: {  	[hbm4b:s0+s2] =	stream.linear.scatter [tilespmem:s11], [sflag:$0x3], $0x8000, $0x38;
	[tilespmem:$0x11400] =	vst v63  }
0xd0: {  	_ =	swait.ge [sflag:s6], $0x8000  }
0xd1: {  	[sflag:s6] =	ssyncset.done $0x0  }
0xd2: {  	s31 =	sadd.s32 $0x100, s31;
	s1 =	sadd.s32 $0x2000, s1;
	[sflag:s6] =	ssyncadd.s32 $0xFFFF8000  }
0xd3: {  	s30 =	sadd.s32 $0x1, s30  }
0xd4: {  	p0 =	sne.s32 s30, s5  }
.Ltmp1:
0xd5: {  	_ = 	snop;
	(pc) =	sbr.rel @p0 .LBB2_1-.Ltmp1, $1  }
0xd6: {  	_ =	sdelay $0x3  }
0xd7: {  	_ =	sfence.sel $0x180000  }
0xd8: {  	[bflag:$0x0] =	sbarrier.arrive $0xFFFF  }
0xd9: {  	_ =	strace $0x9000004D  }
0xda: {  	s0 =	stileid.u32;
	[bflag:$0x2] =	sbarrier.arrive $0xFFFF  }
0xdb: {  	p0 =	sne.s32 s0, $0x0;
	s0 =	rddreg [dreg:$0x1]  }
0xdc: {  	s0 =	sadd.s32 @!p0 $0x100000, s0  }
0xdd: {  	[sflag:s0] =	ssyncadd.tile.s32 @!p0 $0x1;
	_ =	shalt  }
.Lfunc_end2:
_tile_overlayer_lowered:
.L_overlay_start_2:
0xde: {  	(tag) =	ssettag $0x2  }
0xdf: {  	s0 =	rddreg [dreg:$0x0];
	s2 =	stileid.u32  }
0xe0: {  	s1 =	rddreg [dreg:$0x1];
	p0 =	sne.s32 s2, $0x0  }
0xe1: {  	s3 =	rddreg [dreg:$0x2];
	[bflag:$0x3] =	sbarrier.arrive $0xFFFF;
	s2 =	simm.s32 @!p0 $0x1C03  }
0xe2: {  	[timem:s3], [sflag:s2] =	dma.local @!p0 [hbm:s0], s1  }
0xe3: {  	s0 =	simm.s32 @!p0 $0x3  }
0xe4: {  	_ =	swait.ge @!p0 [sflag:s0], s1  }
0xe5: {  	s1 =	ssub.s32 @!p0 $0x0, s1;
	[sflag:s0] =	ssyncset.done @!p0 $0x0  }
0xe6: {  	[sflag:s0] =	ssyncadd.s32 @!p0 s1  }
0xe7: {  	[bflag:$0x3] =	sbarrier.arrive $0xFFFF  }
0xe8: {  	_ =	shalt  }

</sc_bundles>
